<compile_context>
chip_gen: v7x
topology: tpu7x:2x2x1
jax: 0.10.2.dev20260603
libtpu: 0.0.44.dev20260713+nightly
codegen_flags: <defaults>
</compile_context>

<pallas_src>
import functools

import jax
import jax.numpy as jnp
from jax import lax
from jax.experimental import pallas as pl
from jax.experimental.pallas import tpu as pltpu
from jax.experimental.pallas import tpu_sc as plsc

N = 32768
B = 16
GRID = 256.0
D_OUT = 128
ROWS_2D = N // 128

BLK = 8192
SUB = BLK // 128
NBLK = N // BLK

CH = 1024
NEG = -3.0e38


def _sc_body(p0_hbm, p1_hbm, p2_hbm, p3_hbm, off_hbm, m01_hbm,
             off_v, a0_v, a1_v, a2_v, a3_v, loc_v, shared, red_v):
    c = lax.axis_index("c")
    s = lax.axis_index("s")
    pltpu.sync_copy(off_hbm, off_v.at[pl.ds(0, 16)])
    io = lax.iota(jnp.int32, 16)
    svec = jnp.full((16,), s, jnp.int32)
    cvec = jnp.full((16,), c, jnp.int32)
    wc0 = jnp.where(cvec == 0, 1.0, 0.0)
    wc1 = 1.0 - wc0
    ohs = jnp.where(io == svec, 1.0, 0.0)
    hi = off_v[pl.ds(s, 16)][0]
    lo = jnp.where(s > 0, off_v[pl.ds(jnp.maximum(s - 1, 0), 16)][0], 0)
    lo_v = jnp.full((16,), lo, jnp.int32)
    hi_v = jnp.full((16,), hi, jnp.int32)
    k0 = lo // CH
    k1 = jnp.where(hi > lo, (hi + (CH - 1)) // CH, k0)

    def chunk(k, acc):
        base = k * CH
        pltpu.sync_copy(p0_hbm.at[pl.ds(base, CH)], a0_v)
        pltpu.sync_copy(p1_hbm.at[pl.ds(base, CH)], a1_v)
        pltpu.sync_copy(p2_hbm.at[pl.ds(base, CH)], a2_v)
        pltpu.sync_copy(p3_hbm.at[pl.ds(base, CH)], a3_v)
        rv0 = io + jnp.full((16,), base, jnp.int32)

        def inner(j, carry):
            acc_i, rv = carry
            u0 = a0_v[pl.ds(j * 16, 16)]
            u1 = a1_v[pl.ds(j * 16, 16)]
            u2 = a2_v[pl.ds(j * 16, 16)]
            u3 = a3_v[pl.ds(j * 16, 16)]
            sx = (u0 + u2) * wc0 + (u1 + u3) * wc1
            mask = (rv >= lo_v) & (rv < hi_v)
            acc_i = jnp.maximum(acc_i, jnp.where(mask, sx, NEG))
            return (acc_i, rv + 16)

        acc, _ = lax.fori_loop(0, CH // 16, inner, (acc, rv0))
        return acc

    acc = lax.fori_loop(k0, k1, chunk, jnp.full((16,), NEG, jnp.float32))
    for d in (1, 2, 4, 8):
        acc = jnp.maximum(acc, acc.at[io ^ d].get(mode="promise_in_bounds"))
    acc = acc * jnp.float32(0.5)
    loc_v[...] = acc * ohs + jnp.float32(NEG) * (1.0 - ohs)
    pltpu.sync_copy(loc_v, shared.at[pl.ds(s * 16, 16)])
    plsc.subcore_barrier()

    @pl.when(s == 0)
    def _combine():
        pltpu.sync_copy(shared, red_v)
        m = red_v[pl.ds(0, 16)]
        for i in range(1, 16):
            m = jnp.maximum(m, red_v[pl.ds(i * 16, 16)])
        loc_v[...] = m
        pltpu.sync_copy(loc_v, m01_hbm.at[c])


def _sc_seg_maxes(pc0, pc1, pc2, pc3, offset):
    mesh = plsc.VectorSubcoreMesh(core_axis_name="c", subcore_axis_name="s")
    f = functools.partial(
        pl.kernel,
        mesh=mesh,
        out_type=jax.ShapeDtypeStruct((2, 16), jnp.float32),
        scratch_types=[
            pltpu.VMEM((32,), jnp.int32),
            pltpu.VMEM((CH,), jnp.float32),
            pltpu.VMEM((CH,), jnp.float32),
            pltpu.VMEM((CH,), jnp.float32),
            pltpu.VMEM((CH,), jnp.float32),
            pltpu.VMEM((16,), jnp.float32),
            pltpu.VMEM_SHARED((256,), jnp.float32),
            pltpu.VMEM((256,), jnp.float32),
        ],
    )(_sc_body)
    return f(pc0, pc1, pc2, pc3, offset)


def _tc_body(off_ref, m01_ref, p0, p1, p2, p3, w_ref, b_ref, out_ref,
             xn_s, yn_s, bi_s):
    i = pl.program_id(0)

    @pl.when(i == 0)
    def _norm_cols():
        x = (p0[...] + p2[...]) * 0.5
        y = (p1[...] + p3[...]) * 0.5
        ii = lax.broadcasted_iota(jnp.int32, (ROWS_2D, 128), 0)
        jj = lax.broadcasted_iota(jnp.int32, (ROWS_2D, 128), 1)
        r = ii * 128 + jj
        seg = jnp.zeros((ROWS_2D, 128), jnp.int32)
        for k in range(B):
            seg = seg + (r >= off_ref[k]).astype(jnp.int32)
        m0v = jnp.zeros((ROWS_2D, 128), jnp.float32)
        m1v = jnp.zeros((ROWS_2D, 128), jnp.float32)
        for k in range(B):
            mask = seg == k
            m0v = jnp.where(mask, m01_ref[0, k], m0v)
            m1v = jnp.where(mask, m01_ref[1, k], m1v)
        xn_s[...] = x / m0v * GRID
        yn_s[...] = y / m1v * GRID
        bi_s[...] = seg.astype(jnp.float32)

    a0 = p0[pl.ds(i * SUB, SUB), :]
    a1 = p1[pl.ds(i * SUB, SUB), :]
    a2 = p2[pl.ds(i * SUB, SUB), :]
    a3 = p3[pl.ds(i * SUB, SUB), :]
    wdt = a2 - a0
    hgt = a3 - a1
    area = wdt * hgt
    xn = xn_s[pl.ds(i * SUB, SUB), :]
    yn = yn_s[pl.ds(i * SUB, SUB), :]
    bi = bi_s[pl.ds(i * SUB, SUB), :]
    feats = [bi, xn, yn, a0, a1, a2, a3, wdt, hgt, area]
    wmat = w_ref[...]
    bvec = b_ref[...]
    for g in range(SUB):
        ft = jnp.concatenate([f[g : g + 1, :] for f in feats], axis=0)
        o = lax.dot_general(
            ft, wmat, (((0,), (0,)), ((), ())),
            preferred_element_type=jnp.float32,
        )
        out_ref[pl.ds(g * 128, 128), :] = jnp.maximum(o + bvec, 0.0)


@jax.jit
def kernel(pc0, pc1, pc2, pc3, offset, W, b):
    m01 = _sc_seg_maxes(pc0, pc1, pc2, pc3, offset)
    pcs2d = [a.reshape(ROWS_2D, 128) for a in (pc0, pc1, pc2, pc3)]
    out = pl.pallas_call(
        _tc_body,
        grid_spec=pltpu.PrefetchScalarGridSpec(
            num_scalar_prefetch=2,
            grid=(NBLK,),
            in_specs=[pl.BlockSpec((ROWS_2D, 128), lambda i, *_: (0, 0))] * 4
            + [
                pl.BlockSpec((10, D_OUT), lambda i, *_: (0, 0)),
                pl.BlockSpec((1, D_OUT), lambda i, *_: (0, 0)),
            ],
            out_specs=pl.BlockSpec((BLK, D_OUT), lambda i, *_: (i, 0)),
            scratch_shapes=[
                pltpu.VMEM((ROWS_2D, 128), jnp.float32),
                pltpu.VMEM((ROWS_2D, 128), jnp.float32),
                pltpu.VMEM((ROWS_2D, 128), jnp.float32),
            ],
        ),
        out_shape=jax.ShapeDtypeStruct((N, D_OUT), jnp.float32),
    )(offset, m01, *pcs2d, W, b.reshape(1, D_OUT))
    return out

# --- scband reference (transcript-rebuilt; emitter-appended) ---
"""Pipeline reference for scband-encoder-62096637165774 (READ-ONLY COPY).

The authoritative reference and input builder live on the scoring server;
editing this copy changes nothing except your own understanding.
"""

import jax, jax.numpy as jnp
import numpy as np

B = 16
N = 32768
GRID = 256.0
D_IN = 10
D_OUT = 128


def setup_inputs(seed: int = 0) -> dict:
    key = jax.random.key(seed)
    ks = jax.random.split(key, 6)
    pc0 = jax.random.uniform(ks[0], (N,), dtype=jnp.float32)
    pc1 = jax.random.uniform(ks[1], (N,), dtype=jnp.float32)
    pc2 = jax.random.uniform(ks[2], (N,), dtype=jnp.float32) + pc0
    pc3 = jax.random.uniform(ks[3], (N,), dtype=jnp.float32) + pc1
    # deterministic, strictly-increasing cumulative offsets ending at N
    offset = jnp.asarray(np.arange(1, B + 1) * (N // B), dtype=jnp.int32)
    # VoxSeT PFN stand-in params: linear 10 -> 128 + ReLU
    W = jax.random.normal(ks[4], (D_IN, D_OUT), dtype=jnp.float32) * 0.05
    b = jnp.zeros((D_OUT,), dtype=jnp.float32)
    return {"pc0": pc0, "pc1": pc1, "pc2": pc2, "pc3": pc3, "offset": offset, "W": W, "b": b}


def reference(pc0, pc1, pc2, pc3, offset, W, b):
    # _break_up_pc
    x = (pc0 + pc2) / 2.0
    y = (pc1 + pc3) / 2.0
    width = pc2 - pc0
    height = pc3 - pc1
    area = width * height
    feats = jnp.stack([x, y, pc0, pc1, pc2, pc3, width, height, area], axis=-1)  # [N, 9]
    num_segs = offset.shape[0]
    rows = jnp.arange(N, dtype=offset.dtype)
    seg_ids = jnp.searchsorted(offset, rows, side="right")
    m0 = jax.ops.segment_max(feats[:, 0], seg_ids, num_segments=num_segs)
    m1 = jax.ops.segment_max(feats[:, 1], seg_ids, num_segments=num_segs)
    c0 = feats[:, 0] / m0[seg_ids] * GRID
    c1 = feats[:, 1] / m1[seg_ids] * GRID
    feats = feats.at[:, 0].set(c0).at[:, 1].set(c1)
    bi = seg_ids.astype(feats.dtype)[:, None]
    feature = jnp.concatenate([bi, feats], axis=-1)  # [N, 10]
    # PFN (VoxSeT stand-in): linear + ReLU
    return jax.nn.relu(feature @ W + b)

if __name__ == "__main__":
    import jax
    _d = setup_inputs()
    print(jax.jit(kernel)(*tuple(_d.values())))

</pallas_src>

<mosaic_0001>
#map = affine_map<(d0, d1) -> (0)>
#map1 = affine_map<(d0, d1) -> (0, 0)>
module attributes {stable_mosaic.version = 14 : i64} {
  func.func @_sc_body(%arg0: i32, %arg1: i32, %arg2: memref<32768xf32, #tpu.memory_space<hbm>>, %arg3: memref<32768xf32, #tpu.memory_space<hbm>>, %arg4: memref<32768xf32, #tpu.memory_space<hbm>>, %arg5: memref<32768xf32, #tpu.memory_space<hbm>>, %arg6: memref<16xi32, #tpu.memory_space<hbm>>, %arg7: memref<2x16xf32, #tpu.memory_space<hbm>>, %arg8: memref<32xi32, #tpu.memory_space<vmem>>, %arg9: memref<1024xf32, #tpu.memory_space<vmem>>, %arg10: memref<1024xf32, #tpu.memory_space<vmem>>, %arg11: memref<1024xf32, #tpu.memory_space<vmem>>, %arg12: memref<1024xf32, #tpu.memory_space<vmem>>, %arg13: memref<16xf32, #tpu.memory_space<vmem>>, %arg14: memref<256xf32, #tpu.memory_space<vmem_shared>>, %arg15: memref<256xf32, #tpu.memory_space<vmem>>) attributes {dimension_semantics = [#tpu.dimension_semantics<core_parallel>, #tpu.dimension_semantics<subcore_parallel>], iteration_bounds = array<i64: 2, 16>, scalar_prefetch = 0 : i64, scratch_operands = 8 : i64, tpu.core_type = #tpu.core_type<sc_vector_subcore>, window_params = [{transform_indices = #map}, {transform_indices = #map}, {transform_indices = #map}, {transform_indices = #map}, {transform_indices = #map}, {transform_indices = #map1}]} {
    "tpu.region"() ({
      %run_scoped3A = tpu.sem_alloc : memref<!tpu.dma_semaphore, #tpu.memory_space<semaphore_mem>>
      %dma_start3A = arith.constant 0 : i32
      %dma_start3A_157 = tpu.memref_slice %arg8[%dma_start3A] : memref<32xi32, #tpu.memory_space<vmem>> -> memref<16xi32, #tpu.memory_space<vmem>>
      %dma_start3A_158 = arith.constant 0 : i32
      %dma_start3A_159 = tpu.memref_slice %arg8[%dma_start3A_158] : memref<32xi32, #tpu.memory_space<vmem>> -> memref<16xi32, #tpu.memory_space<vmem>>
      tpu.enqueue_dma source(%arg6 : memref<16xi32, #tpu.memory_space<hbm>>) target(%dma_start3A_159 : memref<16xi32, #tpu.memory_space<vmem>>) target_semaphore(%run_scoped3A : memref<!tpu.dma_semaphore, #tpu.memory_space<semaphore_mem>>)
      %dma_wait3A = arith.constant 0 : i32
      %dma_wait3A_160 = tpu.memref_slice %arg8[%dma_wait3A] : memref<32xi32, #tpu.memory_space<vmem>> -> memref<16xi32, #tpu.memory_space<vmem>>
      %dma_wait3A_161 = arith.constant 0 : i32
      %dma_wait3A_162 = tpu.memref_slice %arg8[%dma_wait3A_161] : memref<32xi32, #tpu.memory_space<vmem>> -> memref<16xi32, #tpu.memory_space<vmem>>
      tpu.wait_dma2 semaphore(%run_scoped3A : memref<!tpu.dma_semaphore, #tpu.memory_space<semaphore_mem>>) src(%arg6 : memref<16xi32, #tpu.memory_space<hbm>>) dst(%dma_wait3A_162 : memref<16xi32, #tpu.memory_space<vmem>>)
      tpu.yield
    }) : () -> ()
    %iota3A = tpu.iota {dimensions = array<i32: 0>} : vector<16xi32>
    %broadcast_in_dim3A = vector.broadcast %arg1 : i32 to vector<16xi32>
    %broadcast_in_dim3A_0 = vector.broadcast %arg0 : i32 to vector<16xi32>
    %eq3A = arith.constant 0 : i32
    %eq3A_1 = vector.broadcast %eq3A : i32 to vector<16xi32>
    %eq3A_2 = arith.cmpi eq, %broadcast_in_dim3A_0, %eq3A_1 : vector<16xi32>
    %jit3A = arith.constant 1.000000e+00 : f32
    %jit3A_3 = arith.constant 0.000000e+00 : f32
    %broadcast_in_dim3A_4 = vector.broadcast %jit3A : f32 to vector<16xf32>
    %broadcast_in_dim3A_5 = vector.broadcast %jit3A_3 : f32 to vector<16xf32>
    %select_n3A = arith.select %eq3A_2, %broadcast_in_dim3A_4, %broadcast_in_dim3A_5 : vector<16xi1>, vector<16xf32>
    %sub3A = arith.constant 1.000000e+00 : f32
    %sub3A_6 = vector.broadcast %sub3A : f32 to vector<16xf32>
    %sub3A_7 = arith.subf %sub3A_6, %select_n3A : vector<16xf32>
    %eq3A_8 = arith.cmpi eq, %iota3A, %broadcast_in_dim3A : vector<16xi32>
    %jit3A_9 = arith.constant 1.000000e+00 : f32
    %jit3A_10 = arith.constant 0.000000e+00 : f32
    %broadcast_in_dim3A_11 = vector.broadcast %jit3A_9 : f32 to vector<16xf32>
    %broadcast_in_dim3A_12 = vector.broadcast %jit3A_10 : f32 to vector<16xf32>
    %select_n3A_13 = arith.select %eq3A_8, %broadcast_in_dim3A_11, %broadcast_in_dim3A_12 : vector<16xi1>, vector<16xf32>
    %get3A = arith.index_cast %arg1 : i32 to index
    %get3A_14 = tpu.vector_load %arg8[%get3A] {strides = array<i32>} : memref<32xi32, #tpu.memory_space<vmem>>, vector<16xi32>,
    %get3A_15 = vector.shape_cast %get3A_14 : vector<16xi32> to vector<16xi32>
    %slice3A = vector.extract_strided_slice %get3A_15 {offsets = [0], sizes = [1], strides = [1]} : vector<16xi32> to vector<1xi32>
    %squeeze3A = vector.extract %slice3A[0] : i32 from vector<1xi32>
    %gt3A = arith.constant 0 : i32
    %gt3A_16 = arith.cmpi sgt, %arg1, %gt3A : i32
    %sub3A_17 = arith.constant 1 : i32
    %sub3A_18 = arith.subi %arg1, %sub3A_17 : i32
    %max3A = arith.constant 0 : i32
    %max3A_19 = arith.maxsi %sub3A_18, %max3A : i32
    %get3A_20 = arith.index_cast %max3A_19 : i32 to index
    %get3A_21 = tpu.vector_load %arg8[%get3A_20] {strides = array<i32>} : memref<32xi32, #tpu.memory_space<vmem>>, vector<16xi32>,
    %get3A_22 = vector.shape_cast %get3A_21 : vector<16xi32> to vector<16xi32>
    %slice3A_23 = vector.extract_strided_slice %get3A_22 {offsets = [0], sizes = [1], strides = [1]} : vector<16xi32> to vector<1xi32>
    %squeeze3A_24 = vector.extract %slice3A_23[0] : i32 from vector<1xi32>
    %jit3A_25 = arith.constant 0 : i32
    %select_n3A_26 = arith.select %gt3A_16, %squeeze3A_24, %jit3A_25 : i32
    %broadcast_in_dim3A_27 = vector.broadcast %select_n3A_26 : i32 to vector<16xi32>
    %broadcast_in_dim3A_28 = vector.broadcast %squeeze3A : i32 to vector<16xi32>
    %jit3A_29 = arith.constant 1024 : i32
    %div3A = arith.divsi %select_n3A_26, %jit3A_29 : i32
    %sign3A = arith.constant 0 : i32
    %sign3A_30 = arith.cmpi sgt, %select_n3A_26, %sign3A : i32
    %sign3A_31 = arith.extui %sign3A_30 : i1 to i32
    %sign3A_32 = arith.constant 0 : i32
    %sign3A_33 = arith.cmpi slt, %select_n3A_26, %sign3A_32 : i32
    %sign3A_34 = arith.extui %sign3A_33 : i1 to i32
    %sign3A_35 = arith.subi %sign3A_31, %sign3A_34 : i32
    %sign3A_36 = arith.constant 0 : i32
    %sign3A_37 = arith.cmpi sgt, %jit3A_29, %sign3A_36 : i32
    %sign3A_38 = arith.extui %sign3A_37 : i1 to i32
    %sign3A_39 = arith.constant 0 : i32
    %sign3A_40 = arith.cmpi slt, %jit3A_29, %sign3A_39 : i32
    %sign3A_41 = arith.extui %sign3A_40 : i1 to i32
    %sign3A_42 = arith.subi %sign3A_38, %sign3A_41 : i32
    %ne3A = arith.cmpi ne, %sign3A_35, %sign3A_42 : i32
    %rem3A = arith.remsi %select_n3A_26, %jit3A_29 : i32
    %ne3A_43 = arith.constant 0 : i32
    %ne3A_44 = arith.cmpi ne, %rem3A, %ne3A_43 : i32
    %and3A = arith.andi %ne3A, %ne3A_44 : i1
    %sub3A_45 = arith.constant 1 : i32
    %sub3A_46 = arith.subi %div3A, %sub3A_45 : i32
    %select_n3A_47 = arith.select %and3A, %sub3A_46, %div3A : i32
    %gt3A_48 = arith.cmpi sgt, %squeeze3A, %select_n3A_26 : i32
    %add3A = arith.constant 1023 : i32
    %add3A_49 = arith.addi %squeeze3A, %add3A : i32
    %jit3A_50 = arith.constant 1024 : i32
    %div3A_51 = arith.divsi %add3A_49, %jit3A_50 : i32
    %sign3A_52 = arith.constant 0 : i32
    %sign3A_53 = arith.cmpi sgt, %add3A_49, %sign3A_52 : i32
    %sign3A_54 = arith.extui %sign3A_53 : i1 to i32
    %sign3A_55 = arith.constant 0 : i32
    %sign3A_56 = arith.cmpi slt, %add3A_49, %sign3A_55 : i32
    %sign3A_57 = arith.extui %sign3A_56 : i1 to i32
    %sign3A_58 = arith.subi %sign3A_54, %sign3A_57 : i32
    %sign3A_59 = arith.constant 0 : i32
    %sign3A_60 = arith.cmpi sgt, %jit3A_50, %sign3A_59 : i32
    %sign3A_61 = arith.extui %sign3A_60 : i1 to i32
    %sign3A_62 = arith.constant 0 : i32
    %sign3A_63 = arith.cmpi slt, %jit3A_50, %sign3A_62 : i32
    %sign3A_64 = arith.extui %sign3A_63 : i1 to i32
    %sign3A_65 = arith.subi %sign3A_61, %sign3A_64 : i32
    %ne3A_66 = arith.cmpi ne, %sign3A_58, %sign3A_65 : i32
    %rem3A_67 = arith.remsi %add3A_49, %jit3A_50 : i32
    %ne3A_68 = arith.constant 0 : i32
    %ne3A_69 = arith.cmpi ne, %rem3A_67, %ne3A_68 : i32
    %and3A_70 = arith.andi %ne3A_66, %ne3A_69 : i1
    %sub3A_71 = arith.constant 1 : i32
    %sub3A_72 = arith.subi %div3A_51, %sub3A_71 : i32
    %select_n3A_73 = arith.select %and3A_70, %sub3A_72, %div3A_51 : i32
    %select_n3A_74 = arith.select %gt3A_48, %select_n3A_73, %select_n3A_47 : i32
    %broadcast_in_dim3A_75 = arith.constant -3.000000e+38 : f32
    %broadcast_in_dim3A_76 = vector.broadcast %broadcast_in_dim3A_75 : f32 to vector<16xf32>
    %while3A = arith.subi %select_n3A_74, %select_n3A_47 : i32
    %while3A_77 = arith.addi %select_n3A_47, %while3A : i32
    %while3A_78 = arith.constant 1 : i32
    %while3A_79 = arith.divsi %while3A, %while3A_78 : i32
    %while3A_80 = arith.muli %while3A_79, %while3A_78 : i32
    %while3A_81 = arith.addi %select_n3A_47, %while3A_80 : i32
    %while3A_82 = arith.constant 1 : i32
    %while3A_83 = scf.for %while3A_157 = %select_n3A_47 to %while3A_81 step %while3A_82 iter_args(%while3A_158 = %broadcast_in_dim3A_76) -> (vector<16xf32>)  : i32 {
      %mul3A_159 = arith.constant 1024 : i32
      %mul3A_160 = arith.muli %while3A_157, %mul3A_159 : i32
      "tpu.region"() ({
        %run_scoped3A = tpu.sem_alloc : memref<!tpu.dma_semaphore, #tpu.memory_space<semaphore_mem>>
        %dma_start3A = tpu.memref_slice %arg2[%mul3A_160] : memref<32768xf32, #tpu.memory_space<hbm>> -> memref<1024xf32, #tpu.memory_space<hbm>>
        %dma_start3A_168 = tpu.memref_slice %arg2[%mul3A_160] : memref<32768xf32, #tpu.memory_space<hbm>> -> memref<1024xf32, #tpu.memory_space<hbm>>
        tpu.enqueue_dma source(%dma_start3A_168 : memref<1024xf32, #tpu.memory_space<hbm>>) target(%arg9 : memref<1024xf32, #tpu.memory_space<vmem>>) target_semaphore(%run_scoped3A : memref<!tpu.dma_semaphore, #tpu.memory_space<semaphore_mem>>)
        %dma_wait3A = tpu.memref_slice %arg2[%mul3A_160] : memref<32768xf32, #tpu.memory_space<hbm>> -> memref<1024xf32, #tpu.memory_space<hbm>>
        %dma_wait3A_169 = tpu.memref_slice %arg2[%mul3A_160] : memref<32768xf32, #tpu.memory_space<hbm>> -> memref<1024xf32, #tpu.memory_space<hbm>>
        tpu.wait_dma2 semaphore(%run_scoped3A : memref<!tpu.dma_semaphore, #tpu.memory_space<semaphore_mem>>) src(%dma_wait3A_169 : memref<1024xf32, #tpu.memory_space<hbm>>) dst(%arg9 : memref<1024xf32, #tpu.memory_space<vmem>>)
        tpu.yield
      }) : () -> ()
      "tpu.region"() ({
        %run_scoped3A = tpu.sem_alloc : memref<!tpu.dma_semaphore, #tpu.memory_space<semaphore_mem>>
        %dma_start3A = tpu.memref_slice %arg3[%mul3A_160] : memref<32768xf32, #tpu.memory_space<hbm>> -> memref<1024xf32, #tpu.memory_space<hbm>>
        %dma_start3A_168 = tpu.memref_slice %arg3[%mul3A_160] : memref<32768xf32, #tpu.memory_space<hbm>> -> memref<1024xf32, #tpu.memory_space<hbm>>
        tpu.enqueue_dma source(%dma_start3A_168 : memref<1024xf32, #tpu.memory_space<hbm>>) target(%arg10 : memref<1024xf32, #tpu.memory_space<vmem>>) target_semaphore(%run_scoped3A : memref<!tpu.dma_semaphore, #tpu.memory_space<semaphore_mem>>)
        %dma_wait3A = tpu.memref_slice %arg3[%mul3A_160] : memref<32768xf32, #tpu.memory_space<hbm>> -> memref<1024xf32, #tpu.memory_space<hbm>>
        %dma_wait3A_169 = tpu.memref_slice %arg3[%mul3A_160] : memref<32768xf32, #tpu.memory_space<hbm>> -> memref<1024xf32, #tpu.memory_space<hbm>>
        tpu.wait_dma2 semaphore(%run_scoped3A : memref<!tpu.dma_semaphore, #tpu.memory_space<semaphore_mem>>) src(%dma_wait3A_169 : memref<1024xf32, #tpu.memory_space<hbm>>) dst(%arg10 : memref<1024xf32, #tpu.memory_space<vmem>>)
        tpu.yield
      }) : () -> ()
      "tpu.region"() ({
        %run_scoped3A = tpu.sem_alloc : memref<!tpu.dma_semaphore, #tpu.memory_space<semaphore_mem>>
        %dma_start3A = tpu.memref_slice %arg4[%mul3A_160] : memref<32768xf32, #tpu.memory_space<hbm>> -> memref<1024xf32, #tpu.memory_space<hbm>>
        %dma_start3A_168 = tpu.memref_slice %arg4[%mul3A_160] : memref<32768xf32, #tpu.memory_space<hbm>> -> memref<1024xf32, #tpu.memory_space<hbm>>
        tpu.enqueue_dma source(%dma_start3A_168 : memref<1024xf32, #tpu.memory_space<hbm>>) target(%arg11 : memref<1024xf32, #tpu.memory_space<vmem>>) target_semaphore(%run_scoped3A : memref<!tpu.dma_semaphore, #tpu.memory_space<semaphore_mem>>)
        %dma_wait3A = tpu.memref_slice %arg4[%mul3A_160] : memref<32768xf32, #tpu.memory_space<hbm>> -> memref<1024xf32, #tpu.memory_space<hbm>>
        %dma_wait3A_169 = tpu.memref_slice %arg4[%mul3A_160] : memref<32768xf32, #tpu.memory_space<hbm>> -> memref<1024xf32, #tpu.memory_space<hbm>>
        tpu.wait_dma2 semaphore(%run_scoped3A : memref<!tpu.dma_semaphore, #tpu.memory_space<semaphore_mem>>) src(%dma_wait3A_169 : memref<1024xf32, #tpu.memory_space<hbm>>) dst(%arg11 : memref<1024xf32, #tpu.memory_space<vmem>>)
        tpu.yield
      }) : () -> ()
      "tpu.region"() ({
        %run_scoped3A = tpu.sem_alloc : memref<!tpu.dma_semaphore, #tpu.memory_space<semaphore_mem>>
        %dma_start3A = tpu.memref_slice %arg5[%mul3A_160] : memref<32768xf32, #tpu.memory_space<hbm>> -> memref<1024xf32, #tpu.memory_space<hbm>>
        %dma_start3A_168 = tpu.memref_slice %arg5[%mul3A_160] : memref<32768xf32, #tpu.memory_space<hbm>> -> memref<1024xf32, #tpu.memory_space<hbm>>
        tpu.enqueue_dma source(%dma_start3A_168 : memref<1024xf32, #tpu.memory_space<hbm>>) target(%arg12 : memref<1024xf32, #tpu.memory_space<vmem>>) target_semaphore(%run_scoped3A : memref<!tpu.dma_semaphore, #tpu.memory_space<semaphore_mem>>)
        %dma_wait3A = tpu.memref_slice %arg5[%mul3A_160] : memref<32768xf32, #tpu.memory_space<hbm>> -> memref<1024xf32, #tpu.memory_space<hbm>>
        %dma_wait3A_169 = tpu.memref_slice %arg5[%mul3A_160] : memref<32768xf32, #tpu.memory_space<hbm>> -> memref<1024xf32, #tpu.memory_space<hbm>>
        tpu.wait_dma2 semaphore(%run_scoped3A : memref<!tpu.dma_semaphore, #tpu.memory_space<semaphore_mem>>) src(%dma_wait3A_169 : memref<1024xf32, #tpu.memory_space<hbm>>) dst(%arg12 : memref<1024xf32, #tpu.memory_space<vmem>>)
        tpu.yield
      }) : () -> ()
      %broadcast_in_dim3A_161 = vector.broadcast %mul3A_160 : i32 to vector<16xi32>
      %add3A_162 = arith.addi %iota3A, %broadcast_in_dim3A_161 : vector<16xi32>
      %scan3A = arith.constant 0 : i32
      %scan3A_163 = arith.constant 64 : i32
      %scan3A_164 = arith.addi %scan3A, %scan3A_163 : i32
      %scan3A_165 = arith.constant 1 : i32
      %scan3A_166:2 = scf.for %scan3A_168 = %scan3A to %scan3A_164 step %scan3A_165 iter_args(%scan3A_169 = %while3A_158, %scan3A_170 = %add3A_162) -> (vector<16xf32>, vector<16xi32>)  : i32 {
        %mul3A_171 = arith.constant 16 : i32
        %mul3A_172 = arith.muli %scan3A_168, %mul3A_171 : i32
        %get3A_173 = arith.index_cast %mul3A_172 : i32 to index
        %get3A_174 = tpu.vector_load %arg9[%get3A_173] {strides = array<i32>} : memref<1024xf32, #tpu.memory_space<vmem>>, vector<16xf32>,
        %get3A_175 = vector.shape_cast %get3A_174 : vector<16xf32> to vector<16xf32>
        %mul3A_176 = arith.constant 16 : i32
        %mul3A_177 = arith.muli %scan3A_168, %mul3A_176 : i32
        %get3A_178 = arith.index_cast %mul3A_177 : i32 to index
        %get3A_179 = tpu.vector_load %arg10[%get3A_178] {strides = array<i32>} : memref<1024xf32, #tpu.memory_space<vmem>>, vector<16xf32>,
        %get3A_180 = vector.shape_cast %get3A_179 : vector<16xf32> to vector<16xf32>
        %mul3A_181 = arith.constant 16 : i32
        %mul3A_182 = arith.muli %scan3A_168, %mul3A_181 : i32
        %get3A_183 = arith.index_cast %mul3A_182 : i32 to index
        %get3A_184 = tpu.vector_load %arg11[%get3A_183] {strides = array<i32>} : memref<1024xf32, #tpu.memory_space<vmem>>, vector<16xf32>,
        %get3A_185 = vector.shape_cast %get3A_184 : vector<16xf32> to vector<16xf32>
        %mul3A_186 = arith.constant 16 : i32
        %mul3A_187 = arith.muli %scan3A_168, %mul3A_186 : i32
        %get3A_188 = arith.index_cast %mul3A_187 : i32 to index
        %get3A_189 = tpu.vector_load %arg12[%get3A_188] {strides = array<i32>} : memref<1024xf32, #tpu.memory_space<vmem>>, vector<16xf32>,
        %get3A_190 = vector.shape_cast %get3A_189 : vector<16xf32> to vector<16xf32>
        %add3A_191 = arith.addf %get3A_175, %get3A_185 : vector<16xf32>
        %mul3A_192 = arith.mulf %add3A_191, %select_n3A : vector<16xf32>
        %add3A_193 = arith.addf %get3A_180, %get3A_190 : vector<16xf32>
        %mul3A_194 = arith.mulf %add3A_193, %sub3A_7 : vector<16xf32>
        %add3A_195 = arith.addf %mul3A_192, %mul3A_194 : vector<16xf32>
        %ge3A = arith.cmpi sge, %scan3A_170, %broadcast_in_dim3A_27 : vector<16xi32>
        %lt3A_196 = arith.cmpi slt, %scan3A_170, %broadcast_in_dim3A_28 : vector<16xi32>
        %and3A_197 = arith.andi %ge3A, %lt3A_196 : vector<16xi1>
        %jit3A_198 = arith.constant -3.000000e+38 : f32
        %broadcast_in_dim3A_199 = vector.broadcast %jit3A_198 : f32 to vector<16xf32>
        %select_n3A_200 = arith.select %and3A_197, %add3A_195, %broadcast_in_dim3A_199 : vector<16xi1>, vector<16xf32>
        %max3A_201 = arith.maximumf %scan3A_169, %select_n3A_200 : vector<16xf32>
        %add3A_202 = arith.constant 16 : i32
        %add3A_203 = vector.broadcast %add3A_202 : i32 to vector<16xi32>
        %add3A_204 = arith.addi %scan3A_170, %add3A_203 : vector<16xi32>
        scf.yield %max3A_201, %add3A_204 : vector<16xf32>, vector<16xi32>
      }
      %scan3A_167 = arith.constant 64 : i32
      scf.yield %scan3A_166#0 : vector<16xf32>
    }
    %while3A_84 = arith.constant 1 : i32
    %while3A_85 = scf.for %while3A_157 = %while3A_81 to %while3A_77 step %while3A_84 iter_args(%while3A_158 = %while3A_83) -> (vector<16xf32>)  : i32 {
      %mul3A_159 = arith.constant 1024 : i32
      %mul3A_160 = arith.muli %while3A_157, %mul3A_159 : i32
      "tpu.region"() ({
        %run_scoped3A = tpu.sem_alloc : memref<!tpu.dma_semaphore, #tpu.memory_space<semaphore_mem>>
        %dma_start3A = tpu.memref_slice %arg2[%mul3A_160] : memref<32768xf32, #tpu.memory_space<hbm>> -> memref<1024xf32, #tpu.memory_space<hbm>>
        %dma_start3A_168 = tpu.memref_slice %arg2[%mul3A_160] : memref<32768xf32, #tpu.memory_space<hbm>> -> memref<1024xf32, #tpu.memory_space<hbm>>
        tpu.enqueue_dma source(%dma_start3A_168 : memref<1024xf32, #tpu.memory_space<hbm>>) target(%arg9 : memref<1024xf32, #tpu.memory_space<vmem>>) target_semaphore(%run_scoped3A : memref<!tpu.dma_semaphore, #tpu.memory_space<semaphore_mem>>)
        %dma_wait3A = tpu.memref_slice %arg2[%mul3A_160] : memref<32768xf32, #tpu.memory_space<hbm>> -> memref<1024xf32, #tpu.memory_space<hbm>>
        %dma_wait3A_169 = tpu.memref_slice %arg2[%mul3A_160] : memref<32768xf32, #tpu.memory_space<hbm>> -> memref<1024xf32, #tpu.memory_space<hbm>>
        tpu.wait_dma2 semaphore(%run_scoped3A : memref<!tpu.dma_semaphore, #tpu.memory_space<semaphore_mem>>) src(%dma_wait3A_169 : memref<1024xf32, #tpu.memory_space<hbm>>) dst(%arg9 : memref<1024xf32, #tpu.memory_space<vmem>>)
        tpu.yield
      }) : () -> ()
      "tpu.region"() ({
        %run_scoped3A = tpu.sem_alloc : memref<!tpu.dma_semaphore, #tpu.memory_space<semaphore_mem>>
        %dma_start3A = tpu.memref_slice %arg3[%mul3A_160] : memref<32768xf32, #tpu.memory_space<hbm>> -> memref<1024xf32, #tpu.memory_space<hbm>>
        %dma_start3A_168 = tpu.memref_slice %arg3[%mul3A_160] : memref<32768xf32, #tpu.memory_space<hbm>> -> memref<1024xf32, #tpu.memory_space<hbm>>
        tpu.enqueue_dma source(%dma_start3A_168 : memref<1024xf32, #tpu.memory_space<hbm>>) target(%arg10 : memref<1024xf32, #tpu.memory_space<vmem>>) target_semaphore(%run_scoped3A : memref<!tpu.dma_semaphore, #tpu.memory_space<semaphore_mem>>)
        %dma_wait3A = tpu.memref_slice %arg3[%mul3A_160] : memref<32768xf32, #tpu.memory_space<hbm>> -> memref<1024xf32, #tpu.memory_space<hbm>>
        %dma_wait3A_169 = tpu.memref_slice %arg3[%mul3A_160] : memref<32768xf32, #tpu.memory_space<hbm>> -> memref<1024xf32, #tpu.memory_space<hbm>>
        tpu.wait_dma2 semaphore(%run_scoped3A : memref<!tpu.dma_semaphore, #tpu.memory_space<semaphore_mem>>) src(%dma_wait3A_169 : memref<1024xf32, #tpu.memory_space<hbm>>) dst(%arg10 : memref<1024xf32, #tpu.memory_space<vmem>>)
        tpu.yield
      }) : () -> ()
      "tpu.region"() ({
        %run_scoped3A = tpu.sem_alloc : memref<!tpu.dma_semaphore, #tpu.memory_space<semaphore_mem>>
        %dma_start3A = tpu.memref_slice %arg4[%mul3A_160] : memref<32768xf32, #tpu.memory_space<hbm>> -> memref<1024xf32, #tpu.memory_space<hbm>>
        %dma_start3A_168 = tpu.memref_slice %arg4[%mul3A_160] : memref<32768xf32, #tpu.memory_space<hbm>> -> memref<1024xf32, #tpu.memory_space<hbm>>
        tpu.enqueue_dma source(%dma_start3A_168 : memref<1024xf32, #tpu.memory_space<hbm>>) target(%arg11 : memref<1024xf32, #tpu.memory_space<vmem>>) target_semaphore(%run_scoped3A : memref<!tpu.dma_semaphore, #tpu.memory_space<semaphore_mem>>)
        %dma_wait3A = tpu.memref_slice %arg4[%mul3A_160] : memref<32768xf32, #tpu.memory_space<hbm>> -> memref<1024xf32, #tpu.memory_space<hbm>>
        %dma_wait3A_169 = tpu.memref_slice %arg4[%mul3A_160] : memref<32768xf32, #tpu.memory_space<hbm>> -> memref<1024xf32, #tpu.memory_space<hbm>>
        tpu.wait_dma2 semaphore(%run_scoped3A : memref<!tpu.dma_semaphore, #tpu.memory_space<semaphore_mem>>) src(%dma_wait3A_169 : memref<1024xf32, #tpu.memory_space<hbm>>) dst(%arg11 : memref<1024xf32, #tpu.memory_space<vmem>>)
        tpu.yield
      }) : () -> ()
      "tpu.region"() ({
        %run_scoped3A = tpu.sem_alloc : memref<!tpu.dma_semaphore, #tpu.memory_space<semaphore_mem>>
        %dma_start3A = tpu.memref_slice %arg5[%mul3A_160] : memref<32768xf32, #tpu.memory_space<hbm>> -> memref<1024xf32, #tpu.memory_space<hbm>>
        %dma_start3A_168 = tpu.memref_slice %arg5[%mul3A_160] : memref<32768xf32, #tpu.memory_space<hbm>> -> memref<1024xf32, #tpu.memory_space<hbm>>
        tpu.enqueue_dma source(%dma_start3A_168 : memref<1024xf32, #tpu.memory_space<hbm>>) target(%arg12 : memref<1024xf32, #tpu.memory_space<vmem>>) target_semaphore(%run_scoped3A : memref<!tpu.dma_semaphore, #tpu.memory_space<semaphore_mem>>)
        %dma_wait3A = tpu.memref_slice %arg5[%mul3A_160] : memref<32768xf32, #tpu.memory_space<hbm>> -> memref<1024xf32, #tpu.memory_space<hbm>>
        %dma_wait3A_169 = tpu.memref_slice %arg5[%mul3A_160] : memref<32768xf32, #tpu.memory_space<hbm>> -> memref<1024xf32, #tpu.memory_space<hbm>>
        tpu.wait_dma2 semaphore(%run_scoped3A : memref<!tpu.dma_semaphore, #tpu.memory_space<semaphore_mem>>) src(%dma_wait3A_169 : memref<1024xf32, #tpu.memory_space<hbm>>) dst(%arg12 : memref<1024xf32, #tpu.memory_space<vmem>>)
        tpu.yield
      }) : () -> ()
      %broadcast_in_dim3A_161 = vector.broadcast %mul3A_160 : i32 to vector<16xi32>
      %add3A_162 = arith.addi %iota3A, %broadcast_in_dim3A_161 : vector<16xi32>
      %scan3A = arith.constant 0 : i32
      %scan3A_163 = arith.constant 64 : i32
      %scan3A_164 = arith.addi %scan3A, %scan3A_163 : i32
      %scan3A_165 = arith.constant 1 : i32
      %scan3A_166:2 = scf.for %scan3A_168 = %scan3A to %scan3A_164 step %scan3A_165 iter_args(%scan3A_169 = %while3A_158, %scan3A_170 = %add3A_162) -> (vector<16xf32>, vector<16xi32>)  : i32 {
        %mul3A_171 = arith.constant 16 : i32
        %mul3A_172 = arith.muli %scan3A_168, %mul3A_171 : i32
        %get3A_173 = arith.index_cast %mul3A_172 : i32 to index
        %get3A_174 = tpu.vector_load %arg9[%get3A_173] {strides = array<i32>} : memref<1024xf32, #tpu.memory_space<vmem>>, vector<16xf32>,
        %get3A_175 = vector.shape_cast %get3A_174 : vector<16xf32> to vector<16xf32>
        %mul3A_176 = arith.constant 16 : i32
        %mul3A_177 = arith.muli %scan3A_168, %mul3A_176 : i32
        %get3A_178 = arith.index_cast %mul3A_177 : i32 to index
        %get3A_179 = tpu.vector_load %arg10[%get3A_178] {strides = array<i32>} : memref<1024xf32, #tpu.memory_space<vmem>>, vector<16xf32>,
        %get3A_180 = vector.shape_cast %get3A_179 : vector<16xf32> to vector<16xf32>
        %mul3A_181 = arith.constant 16 : i32
        %mul3A_182 = arith.muli %scan3A_168, %mul3A_181 : i32
        %get3A_183 = arith.index_cast %mul3A_182 : i32 to index
        %get3A_184 = tpu.vector_load %arg11[%get3A_183] {strides = array<i32>} : memref<1024xf32, #tpu.memory_space<vmem>>, vector<16xf32>,
        %get3A_185 = vector.shape_cast %get3A_184 : vector<16xf32> to vector<16xf32>
        %mul3A_186 = arith.constant 16 : i32
        %mul3A_187 = arith.muli %scan3A_168, %mul3A_186 : i32
        %get3A_188 = arith.index_cast %mul3A_187 : i32 to index
        %get3A_189 = tpu.vector_load %arg12[%get3A_188] {strides = array<i32>} : memref<1024xf32, #tpu.memory_space<vmem>>, vector<16xf32>,
        %get3A_190 = vector.shape_cast %get3A_189 : vector<16xf32> to vector<16xf32>
        %add3A_191 = arith.addf %get3A_175, %get3A_185 : vector<16xf32>
        %mul3A_192 = arith.mulf %add3A_191, %select_n3A : vector<16xf32>
        %add3A_193 = arith.addf %get3A_180, %get3A_190 : vector<16xf32>
        %mul3A_194 = arith.mulf %add3A_193, %sub3A_7 : vector<16xf32>
        %add3A_195 = arith.addf %mul3A_192, %mul3A_194 : vector<16xf32>
        %ge3A = arith.cmpi sge, %scan3A_170, %broadcast_in_dim3A_27 : vector<16xi32>
        %lt3A_196 = arith.cmpi slt, %scan3A_170, %broadcast_in_dim3A_28 : vector<16xi32>
        %and3A_197 = arith.andi %ge3A, %lt3A_196 : vector<16xi1>
        %jit3A_198 = arith.constant -3.000000e+38 : f32
        %broadcast_in_dim3A_199 = vector.broadcast %jit3A_198 : f32 to vector<16xf32>
        %select_n3A_200 = arith.select %and3A_197, %add3A_195, %broadcast_in_dim3A_199 : vector<16xi1>, vector<16xf32>
        %max3A_201 = arith.maximumf %scan3A_169, %select_n3A_200 : vector<16xf32>
        %add3A_202 = arith.constant 16 : i32
        %add3A_203 = vector.broadcast %add3A_202 : i32 to vector<16xi32>
        %add3A_204 = arith.addi %scan3A_170, %add3A_203 : vector<16xi32>
        scf.yield %max3A_201, %add3A_204 : vector<16xf32>, vector<16xi32>
      }
      %scan3A_167 = arith.constant 64 : i32
      scf.yield %scan3A_166#0 : vector<16xf32>
    }
    %xor3A = arith.constant 1 : i32
    %xor3A_86 = vector.broadcast %xor3A : i32 to vector<16xi32>
    %xor3A_87 = arith.xori %iota3A, %xor3A_86 : vector<16xi32>
    %lt3A = arith.constant 0 : i32
    %lt3A_88 = vector.broadcast %lt3A : i32 to vector<16xi32>
    %lt3A_89 = arith.cmpi slt, %xor3A_87, %lt3A_88 : vector<16xi32>
    %add3A_90 = arith.constant 16 : i32
    %add3A_91 = vector.broadcast %add3A_90 : i32 to vector<16xi32>
    %add3A_92 = arith.addi %xor3A_87, %add3A_91 : vector<16xi32>
    %select_n3A_93 = arith.select %lt3A_89, %add3A_92, %xor3A_87 : vector<16xi1>, vector<16xi32>
    %broadcast_in_dim3A_94 = vector.shape_cast %select_n3A_93 : vector<16xi32> to vector<16x1xi32>
    %gather3A = vector.shape_cast %broadcast_in_dim3A_94 : vector<16x1xi32> to vector<16xi32>
    %gather3A_95 = tpu.dynamic_gather %while3A_85[%gather3A] in [0] : vector<16xf32>, vector<16xi32> -> vector<16xf32>
    %max3A_96 = arith.maximumf %while3A_85, %gather3A_95 : vector<16xf32>
    %xor3A_97 = arith.constant 2 : i32
    %xor3A_98 = vector.broadcast %xor3A_97 : i32 to vector<16xi32>
    %xor3A_99 = arith.xori %iota3A, %xor3A_98 : vector<16xi32>
    %lt3A_100 = arith.constant 0 : i32
    %lt3A_101 = vector.broadcast %lt3A_100 : i32 to vector<16xi32>
    %lt3A_102 = arith.cmpi slt, %xor3A_99, %lt3A_101 : vector<16xi32>
    %add3A_103 = arith.constant 16 : i32
    %add3A_104 = vector.broadcast %add3A_103 : i32 to vector<16xi32>
    %add3A_105 = arith.addi %xor3A_99, %add3A_104 : vector<16xi32>
    %select_n3A_106 = arith.select %lt3A_102, %add3A_105, %xor3A_99 : vector<16xi1>, vector<16xi32>
    %broadcast_in_dim3A_107 = vector.shape_cast %select_n3A_106 : vector<16xi32> to vector<16x1xi32>
    %gather3A_108 = vector.shape_cast %broadcast_in_dim3A_107 : vector<16x1xi32> to vector<16xi32>
    %gather3A_109 = tpu.dynamic_gather %max3A_96[%gather3A_108] in [0] : vector<16xf32>, vector<16xi32> -> vector<16xf32>
    %max3A_110 = arith.maximumf %max3A_96, %gather3A_109 : vector<16xf32>
    %xor3A_111 = arith.constant 4 : i32
    %xor3A_112 = vector.broadcast %xor3A_111 : i32 to vector<16xi32>
    %xor3A_113 = arith.xori %iota3A, %xor3A_112 : vector<16xi32>
    %lt3A_114 = arith.constant 0 : i32
    %lt3A_115 = vector.broadcast %lt3A_114 : i32 to vector<16xi32>
    %lt3A_116 = arith.cmpi slt, %xor3A_113, %lt3A_115 : vector<16xi32>
    %add3A_117 = arith.constant 16 : i32
    %add3A_118 = vector.broadcast %add3A_117 : i32 to vector<16xi32>
    %add3A_119 = arith.addi %xor3A_113, %add3A_118 : vector<16xi32>
    %select_n3A_120 = arith.select %lt3A_116, %add3A_119, %xor3A_113 : vector<16xi1>, vector<16xi32>
    %broadcast_in_dim3A_121 = vector.shape_cast %select_n3A_120 : vector<16xi32> to vector<16x1xi32>
    %gather3A_122 = vector.shape_cast %broadcast_in_dim3A_121 : vector<16x1xi32> to vector<16xi32>
    %gather3A_123 = tpu.dynamic_gather %max3A_110[%gather3A_122] in [0] : vector<16xf32>, vector<16xi32> -> vector<16xf32>
    %max3A_124 = arith.maximumf %max3A_110, %gather3A_123 : vector<16xf32>
    %xor3A_125 = arith.constant 8 : i32
    %xor3A_126 = vector.broadcast %xor3A_125 : i32 to vector<16xi32>
    %xor3A_127 = arith.xori %iota3A, %xor3A_126 : vector<16xi32>
    %lt3A_128 = arith.constant 0 : i32
    %lt3A_129 = vector.broadcast %lt3A_128 : i32 to vector<16xi32>
    %lt3A_130 = arith.cmpi slt, %xor3A_127, %lt3A_129 : vector<16xi32>
    %add3A_131 = arith.constant 16 : i32
    %add3A_132 = vector.broadcast %add3A_131 : i32 to vector<16xi32>
    %add3A_133 = arith.addi %xor3A_127, %add3A_132 : vector<16xi32>
    %select_n3A_134 = arith.select %lt3A_130, %add3A_133, %xor3A_127 : vector<16xi1>, vector<16xi32>
    %broadcast_in_dim3A_135 = vector.shape_cast %select_n3A_134 : vector<16xi32> to vector<16x1xi32>
    %gather3A_136 = vector.shape_cast %broadcast_in_dim3A_135 : vector<16x1xi32> to vector<16xi32>
    %gather3A_137 = tpu.dynamic_gather %max3A_124[%gather3A_136] in [0] : vector<16xf32>, vector<16xi32> -> vector<16xf32>
    %max3A_138 = arith.maximumf %max3A_124, %gather3A_137 : vector<16xf32>
    %mul3A = arith.constant 5.000000e-01 : f32
    %mul3A_139 = vector.broadcast %mul3A : f32 to vector<16xf32>
    %mul3A_140 = arith.mulf %max3A_138, %mul3A_139 : vector<16xf32>
    %mul3A_141 = arith.mulf %mul3A_140, %select_n3A_13 : vector<16xf32>
    %sub3A_142 = arith.constant 1.000000e+00 : f32
    %sub3A_143 = vector.broadcast %sub3A_142 : f32 to vector<16xf32>
    %sub3A_144 = arith.subf %sub3A_143, %select_n3A_13 : vector<16xf32>
    %mul3A_145 = arith.constant -3.000000e+38 : f32
    %mul3A_146 = vector.broadcast %mul3A_145 : f32 to vector<16xf32>
    %mul3A_147 = arith.mulf %mul3A_146, %sub3A_144 : vector<16xf32>
    %add3A_148 = arith.addf %mul3A_141, %mul3A_147 : vector<16xf32>
    %swap3A = arith.constant 0 : index
    %swap3A_149 = tpu.vector_load %arg13[%swap3A] {strides = array<i32>} : memref<16xf32, #tpu.memory_space<vmem>>, vector<16xf32>,
    %swap3A_150 = vector.shape_cast %swap3A_149 : vector<16xf32> to vector<16xf32>
    %swap3A_151 = vector.shape_cast %add3A_148 : vector<16xf32> to vector<16xf32>
    tpu.vector_store %arg13[%swap3A], %swap3A_151 {strides = array<i32>} : memref<16xf32, #tpu.memory_space<vmem>>, vector<16xf32>,
    %mul3A_152 = arith.constant 16 : i32
    %mul3A_153 = arith.muli %arg1, %mul3A_152 : i32
    "tpu.region"() ({
      %run_scoped3A = tpu.sem_alloc : memref<!tpu.dma_semaphore, #tpu.memory_space<semaphore_mem>>
      %dma_start3A = tpu.memref_slice %arg14[%mul3A_153] : memref<256xf32, #tpu.memory_space<vmem_shared>> -> memref<16xf32, #tpu.memory_space<vmem_shared>>
      %dma_start3A_157 = tpu.memref_slice %arg14[%mul3A_153] : memref<256xf32, #tpu.memory_space<vmem_shared>> -> memref<16xf32, #tpu.memory_space<vmem_shared>>
      tpu.enqueue_dma source(%arg13 : memref<16xf32, #tpu.memory_space<vmem>>) target(%dma_start3A_157 : memref<16xf32, #tpu.memory_space<vmem_shared>>) target_semaphore(%run_scoped3A : memref<!tpu.dma_semaphore, #tpu.memory_space<semaphore_mem>>)
      %dma_wait3A = tpu.memref_slice %arg14[%mul3A_153] : memref<256xf32, #tpu.memory_space<vmem_shared>> -> memref<16xf32, #tpu.memory_space<vmem_shared>>
      %dma_wait3A_158 = tpu.memref_slice %arg14[%mul3A_153] : memref<256xf32, #tpu.memory_space<vmem_shared>> -> memref<16xf32, #tpu.memory_space<vmem_shared>>
      tpu.wait_dma2 semaphore(%run_scoped3A : memref<!tpu.dma_semaphore, #tpu.memory_space<semaphore_mem>>) src(%arg13 : memref<16xf32, #tpu.memory_space<vmem>>) dst(%dma_wait3A_158 : memref<16xf32, #tpu.memory_space<vmem_shared>>)
      tpu.yield
    }) : () -> ()
    %barrier3A = arith.constant 0 : index
    tpu.barrier barrier_id(%barrier3A)
    %eq3A_154 = arith.constant 0 : i32
    %eq3A_155 = arith.cmpi eq, %arg1, %eq3A_154 : i32
    %convert_element_type3A = arith.extui %eq3A_155 : i1 to i32
    %cond3A = arith.constant 0 : i32
    %cond3A_156 = arith.cmpi ne, %convert_element_type3A, %cond3A : i32
    scf.if %cond3A_156 {
      "tpu.region"() ({
        %run_scoped3A = tpu.sem_alloc : memref<!tpu.dma_semaphore, #tpu.memory_space<semaphore_mem>>
        tpu.enqueue_dma source(%arg14 : memref<256xf32, #tpu.memory_space<vmem_shared>>) target(%arg15 : memref<256xf32, #tpu.memory_space<vmem>>) target_semaphore(%run_scoped3A : memref<!tpu.dma_semaphore, #tpu.memory_space<semaphore_mem>>)
        tpu.wait_dma2 semaphore(%run_scoped3A : memref<!tpu.dma_semaphore, #tpu.memory_space<semaphore_mem>>) src(%arg14 : memref<256xf32, #tpu.memory_space<vmem_shared>>) dst(%arg15 : memref<256xf32, #tpu.memory_space<vmem>>)
        tpu.yield
      }) : () -> ()
      %get3A_157 = arith.constant 0 : index
      %get3A_158 = tpu.vector_load %arg15[%get3A_157] {strides = array<i32>} : memref<256xf32, #tpu.memory_space<vmem>>, vector<16xf32>,
      %get3A_159 = vector.shape_cast %get3A_158 : vector<16xf32> to vector<16xf32>
      %get3A_160 = arith.constant 16 : index
      %get3A_161 = tpu.vector_load %arg15[%get3A_160] {strides = array<i32>} : memref<256xf32, #tpu.memory_space<vmem>>, vector<16xf32>,
      %get3A_162 = vector.shape_cast %get3A_161 : vector<16xf32> to vector<16xf32>
      %max3A_163 = arith.maximumf %get3A_159, %get3A_162 : vector<16xf32>
      %get3A_164 = arith.constant 32 : index
      %get3A_165 = tpu.vector_load %arg15[%get3A_164] {strides = array<i32>} : memref<256xf32, #tpu.memory_space<vmem>>, vector<16xf32>,
      %get3A_166 = vector.shape_cast %get3A_165 : vector<16xf32> to vector<16xf32>
      %max3A_167 = arith.maximumf %max3A_163, %get3A_166 : vector<16xf32>
      %get3A_168 = arith.constant 48 : index
      %get3A_169 = tpu.vector_load %arg15[%get3A_168] {strides = array<i32>} : memref<256xf32, #tpu.memory_space<vmem>>, vector<16xf32>,
      %get3A_170 = vector.shape_cast %get3A_169 : vector<16xf32> to vector<16xf32>
      %max3A_171 = arith.maximumf %max3A_167, %get3A_170 : vector<16xf32>
      %get3A_172 = arith.constant 64 : index
      %get3A_173 = tpu.vector_load %arg15[%get3A_172] {strides = array<i32>} : memref<256xf32, #tpu.memory_space<vmem>>, vector<16xf32>,
      %get3A_174 = vector.shape_cast %get3A_173 : vector<16xf32> to vector<16xf32>
      %max3A_175 = arith.maximumf %max3A_171, %get3A_174 : vector<16xf32>
      %get3A_176 = arith.constant 80 : index
      %get3A_177 = tpu.vector_load %arg15[%get3A_176] {strides = array<i32>} : memref<256xf32, #tpu.memory_space<vmem>>, vector<16xf32>,
      %get3A_178 = vector.shape_cast %get3A_177 : vector<16xf32> to vector<16xf32>
      %max3A_179 = arith.maximumf %max3A_175, %get3A_178 : vector<16xf32>
      %get3A_180 = arith.constant 96 : index
      %get3A_181 = tpu.vector_load %arg15[%get3A_180] {strides = array<i32>} : memref<256xf32, #tpu.memory_space<vmem>>, vector<16xf32>,
      %get3A_182 = vector.shape_cast %get3A_181 : vector<16xf32> to vector<16xf32>
      %max3A_183 = arith.maximumf %max3A_179, %get3A_182 : vector<16xf32>
      %get3A_184 = arith.constant 112 : index
      %get3A_185 = tpu.vector_load %arg15[%get3A_184] {strides = array<i32>} : memref<256xf32, #tpu.memory_space<vmem>>, vector<16xf32>,
      %get3A_186 = vector.shape_cast %get3A_185 : vector<16xf32> to vector<16xf32>
      %max3A_187 = arith.maximumf %max3A_183, %get3A_186 : vector<16xf32>
      %get3A_188 = arith.constant 128 : index
      %get3A_189 = tpu.vector_load %arg15[%get3A_188] {strides = array<i32>} : memref<256xf32, #tpu.memory_space<vmem>>, vector<16xf32>,
      %get3A_190 = vector.shape_cast %get3A_189 : vector<16xf32> to vector<16xf32>
      %max3A_191 = arith.maximumf %max3A_187, %get3A_190 : vector<16xf32>
      %get3A_192 = arith.constant 144 : index
      %get3A_193 = tpu.vector_load %arg15[%get3A_192] {strides = array<i32>} : memref<256xf32, #tpu.memory_space<vmem>>, vector<16xf32>,
      %get3A_194 = vector.shape_cast %get3A_193 : vector<16xf32> to vector<16xf32>
      %max3A_195 = arith.maximumf %max3A_191, %get3A_194 : vector<16xf32>
      %get3A_196 = arith.constant 160 : index
      %get3A_197 = tpu.vector_load %arg15[%get3A_196] {strides = array<i32>} : memref<256xf32, #tpu.memory_space<vmem>>, vector<16xf32>,
      %get3A_198 = vector.shape_cast %get3A_197 : vector<16xf32> to vector<16xf32>
      %max3A_199 = arith.maximumf %max3A_195, %get3A_198 : vector<16xf32>
      %get3A_200 = arith.constant 176 : index
      %get3A_201 = tpu.vector_load %arg15[%get3A_200] {strides = array<i32>} : memref<256xf32, #tpu.memory_space<vmem>>, vector<16xf32>,
      %get3A_202 = vector.shape_cast %get3A_201 : vector<16xf32> to vector<16xf32>
      %max3A_203 = arith.maximumf %max3A_199, %get3A_202 : vector<16xf32>
      %get3A_204 = arith.constant 192 : index
      %get3A_205 = tpu.vector_load %arg15[%get3A_204] {strides = array<i32>} : memref<256xf32, #tpu.memory_space<vmem>>, vector<16xf32>,
      %get3A_206 = vector.shape_cast %get3A_205 : vector<16xf32> to vector<16xf32>
      %max3A_207 = arith.maximumf %max3A_203, %get3A_206 : vector<16xf32>
      %get3A_208 = arith.constant 208 : index
      %get3A_209 = tpu.vector_load %arg15[%get3A_208] {strides = array<i32>} : memref<256xf32, #tpu.memory_space<vmem>>, vector<16xf32>,
      %get3A_210 = vector.shape_cast %get3A_209 : vector<16xf32> to vector<16xf32>
      %max3A_211 = arith.maximumf %max3A_207, %get3A_210 : vector<16xf32>
      %get3A_212 = arith.constant 224 : index
      %get3A_213 = tpu.vector_load %arg15[%get3A_212] {strides = array<i32>} : memref<256xf32, #tpu.memory_space<vmem>>, vector<16xf32>,
      %get3A_214 = vector.shape_cast %get3A_213 : vector<16xf32> to vector<16xf32>
      %max3A_215 = arith.maximumf %max3A_211, %get3A_214 : vector<16xf32>
      %get3A_216 = arith.constant 240 : index
      %get3A_217 = tpu.vector_load %arg15[%get3A_216] {strides = array<i32>} : memref<256xf32, #tpu.memory_space<vmem>>, vector<16xf32>,
      %get3A_218 = vector.shape_cast %get3A_217 : vector<16xf32> to vector<16xf32>
      %max3A_219 = arith.maximumf %max3A_215, %get3A_218 : vector<16xf32>
      %swap3A_220 = arith.constant 0 : index
      %swap3A_221 = tpu.vector_load %arg13[%swap3A_220] {strides = array<i32>} : memref<16xf32, #tpu.memory_space<vmem>>, vector<16xf32>,
      %swap3A_222 = vector.shape_cast %swap3A_221 : vector<16xf32> to vector<16xf32>
      %swap3A_223 = vector.shape_cast %max3A_219 : vector<16xf32> to vector<16xf32>
      tpu.vector_store %arg13[%swap3A_220], %swap3A_223 {strides = array<i32>} : memref<16xf32, #tpu.memory_space<vmem>>, vector<16xf32>,
      "tpu.region"() ({
        %run_scoped3A = tpu.sem_alloc : memref<!tpu.dma_semaphore, #tpu.memory_space<semaphore_mem>>
        %dma_start3A = arith.constant 0 : i32
        %dma_start3A_224 = tpu.memref_slice %arg7[%arg0, %dma_start3A] : memref<2x16xf32, #tpu.memory_space<hbm>> -> memref<1x16xf32, #tpu.memory_space<hbm>>
        %dma_start3A_225 = tpu.memref_squeeze %dma_start3A_224 : memref<1x16xf32, #tpu.memory_space<hbm>> -> memref<16xf32, #tpu.memory_space<hbm>>
        %dma_start3A_226 = arith.constant 0 : i32
        %dma_start3A_227 = tpu.memref_slice %arg7[%arg0, %dma_start3A_226] : memref<2x16xf32, #tpu.memory_space<hbm>> -> memref<1x16xf32, #tpu.memory_space<hbm>>
        %dma_start3A_228 = tpu.memref_squeeze %dma_start3A_227 : memref<1x16xf32, #tpu.memory_space<hbm>> -> memref<16xf32, #tpu.memory_space<hbm>>
        tpu.enqueue_dma source(%arg13 : memref<16xf32, #tpu.memory_space<vmem>>) target(%dma_start3A_228 : memref<16xf32, #tpu.memory_space<hbm>>) target_semaphore(%run_scoped3A : memref<!tpu.dma_semaphore, #tpu.memory_space<semaphore_mem>>)
        %dma_wait3A = arith.constant 0 : i32
        %dma_wait3A_229 = tpu.memref_slice %arg7[%arg0, %dma_wait3A] : memref<2x16xf32, #tpu.memory_space<hbm>> -> memref<1x16xf32, #tpu.memory_space<hbm>>
        %dma_wait3A_230 = tpu.memref_squeeze %dma_wait3A_229 : memref<1x16xf32, #tpu.memory_space<hbm>> -> memref<16xf32, #tpu.memory_space<hbm>>
        %dma_wait3A_231 = arith.constant 0 : i32
        %dma_wait3A_232 = tpu.memref_slice %arg7[%arg0, %dma_wait3A_231] : memref<2x16xf32, #tpu.memory_space<hbm>> -> memref<1x16xf32, #tpu.memory_space<hbm>>
        %dma_wait3A_233 = tpu.memref_squeeze %dma_wait3A_232 : memref<1x16xf32, #tpu.memory_space<hbm>> -> memref<16xf32, #tpu.memory_space<hbm>>
        tpu.wait_dma2 semaphore(%run_scoped3A : memref<!tpu.dma_semaphore, #tpu.memory_space<semaphore_mem>>) src(%arg13 : memref<16xf32, #tpu.memory_space<vmem>>) dst(%dma_wait3A_233 : memref<16xf32, #tpu.memory_space<hbm>>)
        tpu.yield
      }) : () -> ()
    } else {
    }
    return
  }
}

module attributes {stable_mosaic.version = 14 : i64} {
  func.func @_tc_body(%arg0: i32, %arg1: memref<16xi32, #tpu.memory_space<smem>>, %arg2: memref<2x16xf32, #tpu.memory_space<smem>>, %arg3: memref<256x128xf32, #tpu.memory_space<vmem>>, %arg4: memref<256x128xf32, #tpu.memory_space<vmem>>, %arg5: memref<256x128xf32, #tpu.memory_space<vmem>>, %arg6: memref<256x128xf32, #tpu.memory_space<vmem>>, %arg7: memref<10x128xf32, #tpu.memory_space<vmem>>, %arg8: memref<1x128xf32, #tpu.memory_space<vmem>>, %arg9: memref<8192x128xf32, #tpu.memory_space<vmem>>, %arg10: memref<256x128xf32, #tpu.memory_space<vmem>>, %arg11: memref<256x128xf32, #tpu.memory_space<vmem>>, %arg12: memref<256x128xf32, #tpu.memory_space<vmem>>) attributes {dimension_semantics = [#tpu.dimension_semantics<arbitrary>], iteration_bounds = array<i64: 4>, scalar_prefetch = 2 : i64, scratch_operands = 3 : i64, tpu.core_type = #tpu.core_type<tc>, window_params = [{pipeline_mode = #tpu.pipeline_mode<synchronous>, transform_indices = @transform_0, window_bounds = array<i64: 256, 128>}, {pipeline_mode = #tpu.pipeline_mode<synchronous>, transform_indices = @transform_1, window_bounds = array<i64: 256, 128>}, {pipeline_mode = #tpu.pipeline_mode<synchronous>, transform_indices = @transform_2, window_bounds = array<i64: 256, 128>}, {pipeline_mode = #tpu.pipeline_mode<synchronous>, transform_indices = @transform_3, window_bounds = array<i64: 256, 128>}, {pipeline_mode = #tpu.pipeline_mode<synchronous>, transform_indices = @transform_4, window_bounds = array<i64: 10, 128>}, {pipeline_mode = #tpu.pipeline_mode<synchronous>, transform_indices = @transform_5, window_bounds = array<i64: 1, 128>}, {transform_indices = @transform_6, window_bounds = array<i64: 8192, 128>}]} {
    %eq3A = arith.constant 0 : i32
    %eq3A_0 = arith.cmpi eq, %arg0, %eq3A : i32
    %convert_element_type3A = arith.extui %eq3A_0 : i1 to i32
    %cond3A = arith.constant 0 : i32
    %cond3A_1 = arith.cmpi ne, %convert_element_type3A, %cond3A : i32
    scf.if %cond3A_1 {
      %get3A_1381 = arith.constant 0 : index
      %get3A_1382 = arith.constant 0 : index
      %get3A_1383 = vector.load %arg3[%get3A_1381, %get3A_1382] : memref<256x128xf32, #tpu.memory_space<vmem>>, vector<256x128xf32>
      %get3A_1384 = arith.constant 0 : index
      %get3A_1385 = arith.constant 0 : index
      %get3A_1386 = vector.load %arg5[%get3A_1384, %get3A_1385] : memref<256x128xf32, #tpu.memory_space<vmem>>, vector<256x128xf32>
      %add3A_1387 = arith.addf %get3A_1383, %get3A_1386 : vector<256x128xf32>
      %mul3A_1388 = arith.constant 5.000000e-01 : f32
      %mul3A_1389 = vector.broadcast %mul3A_1388 : f32 to vector<256x128xf32>
      %mul3A_1390 = arith.mulf %add3A_1387, %mul3A_1389 : vector<256x128xf32>
      %get3A_1391 = arith.constant 0 : index
      %get3A_1392 = arith.constant 0 : index
      %get3A_1393 = vector.load %arg4[%get3A_1391, %get3A_1392] : memref<256x128xf32, #tpu.memory_space<vmem>>, vector<256x128xf32>
      %get3A_1394 = arith.constant 0 : index
      %get3A_1395 = arith.constant 0 : index
      %get3A_1396 = vector.load %arg6[%get3A_1394, %get3A_1395] : memref<256x128xf32, #tpu.memory_space<vmem>>, vector<256x128xf32>
      %add3A_1397 = arith.addf %get3A_1393, %get3A_1396 : vector<256x128xf32>
      %mul3A_1398 = arith.constant 5.000000e-01 : f32
      %mul3A_1399 = vector.broadcast %mul3A_1398 : f32 to vector<256x128xf32>
      %mul3A_1400 = arith.mulf %add3A_1397, %mul3A_1399 : vector<256x128xf32>
      %iota3A = tpu.iota {dimensions = array<i32: 0>} : vector<256x128xi32>
      %iota3A_1401 = tpu.iota {dimensions = array<i32: 1>} : vector<256x128xi32>
      %mul3A_1402 = arith.constant 128 : i32
      %mul3A_1403 = vector.broadcast %mul3A_1402 : i32 to vector<256x128xi32>
      %mul3A_1404 = arith.muli %iota3A, %mul3A_1403 : vector<256x128xi32>
      %add3A_1405 = arith.addi %mul3A_1404, %iota3A_1401 : vector<256x128xi32>
      %broadcast_in_dim3A = arith.constant 0 : i32
      %broadcast_in_dim3A_1406 = vector.broadcast %broadcast_in_dim3A : i32 to vector<256x128xi32>
      %get3A_1407 = arith.constant 0 : index
      %get3A_1408 = memref.load %arg1[%get3A_1407] : memref<16xi32, #tpu.memory_space<smem>>
      %ge3A = vector.broadcast %get3A_1408 : i32 to vector<256x128xi32>
      %ge3A_1409 = arith.cmpi sge, %add3A_1405, %ge3A : vector<256x128xi32>
      %convert_element_type3A_1410 = arith.extui %ge3A_1409 : vector<256x128xi1> to vector<256x128xi32>
      %add3A_1411 = arith.addi %broadcast_in_dim3A_1406, %convert_element_type3A_1410 : vector<256x128xi32>
      %get3A_1412 = arith.constant 1 : index
      %get3A_1413 = memref.load %arg1[%get3A_1412] : memref<16xi32, #tpu.memory_space<smem>>
      %ge3A_1414 = vector.broadcast %get3A_1413 : i32 to vector<256x128xi32>
      %ge3A_1415 = arith.cmpi sge, %add3A_1405, %ge3A_1414 : vector<256x128xi32>
      %convert_element_type3A_1416 = arith.extui %ge3A_1415 : vector<256x128xi1> to vector<256x128xi32>
      %add3A_1417 = arith.addi %add3A_1411, %convert_element_type3A_1416 : vector<256x128xi32>
      %get3A_1418 = arith.constant 2 : index
      %get3A_1419 = memref.load %arg1[%get3A_1418] : memref<16xi32, #tpu.memory_space<smem>>
      %ge3A_1420 = vector.broadcast %get3A_1419 : i32 to vector<256x128xi32>
      %ge3A_1421 = arith.cmpi sge, %add3A_1405, %ge3A_1420 : vector<256x128xi32>
      %convert_element_type3A_1422 = arith.extui %ge3A_1421 : vector<256x128xi1> to vector<256x128xi32>
      %add3A_1423 = arith.addi %add3A_1417, %convert_element_type3A_1422 : vector<256x128xi32>
      %get3A_1424 = arith.constant 3 : index
      %get3A_1425 = memref.load %arg1[%get3A_1424] : memref<16xi32, #tpu.memory_space<smem>>
      %ge3A_1426 = vector.broadcast %get3A_1425 : i32 to vector<256x128xi32>
      %ge3A_1427 = arith.cmpi sge, %add3A_1405, %ge3A_1426 : vector<256x128xi32>
      %convert_element_type3A_1428 = arith.extui %ge3A_1427 : vector<256x128xi1> to vector<256x128xi32>
      %add3A_1429 = arith.addi %add3A_1423, %convert_element_type3A_1428 : vector<256x128xi32>
      %get3A_1430 = arith.constant 4 : index
      %get3A_1431 = memref.load %arg1[%get3A_1430] : memref<16xi32, #tpu.memory_space<smem>>
      %ge3A_1432 = vector.broadcast %get3A_1431 : i32 to vector<256x128xi32>
      %ge3A_1433 = arith.cmpi sge, %add3A_1405, %ge3A_1432 : vector<256x128xi32>
      %convert_element_type3A_1434 = arith.extui %ge3A_1433 : vector<256x128xi1> to vector<256x128xi32>
      %add3A_1435 = arith.addi %add3A_1429, %convert_element_type3A_1434 : vector<256x128xi32>
      %get3A_1436 = arith.constant 5 : index
      %get3A_1437 = memref.load %arg1[%get3A_1436] : memref<16xi32, #tpu.memory_space<smem>>
      %ge3A_1438 = vector.broadcast %get3A_1437 : i32 to vector<256x128xi32>
      %ge3A_1439 = arith.cmpi sge, %add3A_1405, %ge3A_1438 : vector<256x128xi32>
      %convert_element_type3A_1440 = arith.extui %ge3A_1439 : vector<256x128xi1> to vector<256x128xi32>
      %add3A_1441 = arith.addi %add3A_1435, %convert_element_type3A_1440 : vector<256x128xi32>
      %get3A_1442 = arith.constant 6 : index
      %get3A_1443 = memref.load %arg1[%get3A_1442] : memref<16xi32, #tpu.memory_space<smem>>
      %ge3A_1444 = vector.broadcast %get3A_1443 : i32 to vector<256x128xi32>
      %ge3A_1445 = arith.cmpi sge, %add3A_1405, %ge3A_1444 : vector<256x128xi32>
      %convert_element_type3A_1446 = arith.extui %ge3A_1445 : vector<256x128xi1> to vector<256x128xi32>
      %add3A_1447 = arith.addi %add3A_1441, %convert_element_type3A_1446 : vector<256x128xi32>
      %get3A_1448 = arith.constant 7 : index
      %get3A_1449 = memref.load %arg1[%get3A_1448] : memref<16xi32, #tpu.memory_space<smem>>
      %ge3A_1450 = vector.broadcast %get3A_1449 : i32 to vector<256x128xi32>
      %ge3A_1451 = arith.cmpi sge, %add3A_1405, %ge3A_1450 : vector<256x128xi32>
      %convert_element_type3A_1452 = arith.extui %ge3A_1451 : vector<256x128xi1> to vector<256x128xi32>
      %add3A_1453 = arith.addi %add3A_1447, %convert_element_type3A_1452 : vector<256x128xi32>
      %get3A_1454 = arith.constant 8 : index
      %get3A_1455 = memref.load %arg1[%get3A_1454] : memref<16xi32, #tpu.memory_space<smem>>
      %ge3A_1456 = vector.broadcast %get3A_1455 : i32 to vector<256x128xi32>
      %ge3A_1457 = arith.cmpi sge, %add3A_1405, %ge3A_1456 : vector<256x128xi32>
      %convert_element_type3A_1458 = arith.extui %ge3A_1457 : vector<256x128xi1> to vector<256x128xi32>
      %add3A_1459 = arith.addi %add3A_1453, %convert_element_type3A_1458 : vector<256x128xi32>
      %get3A_1460 = arith.constant 9 : index
      %get3A_1461 = memref.load %arg1[%get3A_1460] : memref<16xi32, #tpu.memory_space<smem>>
      %ge3A_1462 = vector.broadcast %get3A_1461 : i32 to vector<256x128xi32>
      %ge3A_1463 = arith.cmpi sge, %add3A_1405, %ge3A_1462 : vector<256x128xi32>
      %convert_element_type3A_1464 = arith.extui %ge3A_1463 : vector<256x128xi1> to vector<256x128xi32>
      %add3A_1465 = arith.addi %add3A_1459, %convert_element_type3A_1464 : vector<256x128xi32>
      %get3A_1466 = arith.constant 10 : index
      %get3A_1467 = memref.load %arg1[%get3A_1466] : memref<16xi32, #tpu.memory_space<smem>>
      %ge3A_1468 = vector.broadcast %get3A_1467 : i32 to vector<256x128xi32>
      %ge3A_1469 = arith.cmpi sge, %add3A_1405, %ge3A_1468 : vector<256x128xi32>
      %convert_element_type3A_1470 = arith.extui %ge3A_1469 : vector<256x128xi1> to vector<256x128xi32>
      %add3A_1471 = arith.addi %add3A_1465, %convert_element_type3A_1470 : vector<256x128xi32>
      %get3A_1472 = arith.constant 11 : index
      %get3A_1473 = memref.load %arg1[%get3A_1472] : memref<16xi32, #tpu.memory_space<smem>>
      %ge3A_1474 = vector.broadcast %get3A_1473 : i32 to vector<256x128xi32>
      %ge3A_1475 = arith.cmpi sge, %add3A_1405, %ge3A_1474 : vector<256x128xi32>
      %convert_element_type3A_1476 = arith.extui %ge3A_1475 : vector<256x128xi1> to vector<256x128xi32>
      %add3A_1477 = arith.addi %add3A_1471, %convert_element_type3A_1476 : vector<256x128xi32>
      %get3A_1478 = arith.constant 12 : index
      %get3A_1479 = memref.load %arg1[%get3A_1478] : memref<16xi32, #tpu.memory_space<smem>>
      %ge3A_1480 = vector.broadcast %get3A_1479 : i32 to vector<256x128xi32>
      %ge3A_1481 = arith.cmpi sge, %add3A_1405, %ge3A_1480 : vector<256x128xi32>
      %convert_element_type3A_1482 = arith.extui %ge3A_1481 : vector<256x128xi1> to vector<256x128xi32>
      %add3A_1483 = arith.addi %add3A_1477, %convert_element_type3A_1482 : vector<256x128xi32>
      %get3A_1484 = arith.constant 13 : index
      %get3A_1485 = memref.load %arg1[%get3A_1484] : memref<16xi32, #tpu.memory_space<smem>>
      %ge3A_1486 = vector.broadcast %get3A_1485 : i32 to vector<256x128xi32>
      %ge3A_1487 = arith.cmpi sge, %add3A_1405, %ge3A_1486 : vector<256x128xi32>
      %convert_element_type3A_1488 = arith.extui %ge3A_1487 : vector<256x128xi1> to vector<256x128xi32>
      %add3A_1489 = arith.addi %add3A_1483, %convert_element_type3A_1488 : vector<256x128xi32>
      %get3A_1490 = arith.constant 14 : index
      %get3A_1491 = memref.load %arg1[%get3A_1490] : memref<16xi32, #tpu.memory_space<smem>>
      %ge3A_1492 = vector.broadcast %get3A_1491 : i32 to vector<256x128xi32>
      %ge3A_1493 = arith.cmpi sge, %add3A_1405, %ge3A_1492 : vector<256x128xi32>
      %convert_element_type3A_1494 = arith.extui %ge3A_1493 : vector<256x128xi1> to vector<256x128xi32>
      %add3A_1495 = arith.addi %add3A_1489, %convert_element_type3A_1494 : vector<256x128xi32>
      %get3A_1496 = arith.constant 15 : index
      %get3A_1497 = memref.load %arg1[%get3A_1496] : memref<16xi32, #tpu.memory_space<smem>>
      %ge3A_1498 = vector.broadcast %get3A_1497 : i32 to vector<256x128xi32>
      %ge3A_1499 = arith.cmpi sge, %add3A_1405, %ge3A_1498 : vector<256x128xi32>
      %convert_element_type3A_1500 = arith.extui %ge3A_1499 : vector<256x128xi1> to vector<256x128xi32>
      %add3A_1501 = arith.addi %add3A_1495, %convert_element_type3A_1500 : vector<256x128xi32>
      %broadcast_in_dim3A_1502 = arith.constant 0.000000e+00 : f32
      %broadcast_in_dim3A_1503 = vector.broadcast %broadcast_in_dim3A_1502 : f32 to vector<256x128xf32>
      %broadcast_in_dim3A_1504 = arith.constant 0.000000e+00 : f32
      %broadcast_in_dim3A_1505 = vector.broadcast %broadcast_in_dim3A_1504 : f32 to vector<256x128xf32>
      %eq3A_1506 = arith.constant 0 : i32
      %eq3A_1507 = vector.broadcast %eq3A_1506 : i32 to vector<256x128xi32>
      %eq3A_1508 = arith.cmpi eq, %add3A_1501, %eq3A_1507 : vector<256x128xi32>
      %get3A_1509 = arith.constant 0 : index
      %get3A_1510 = arith.constant 0 : index
      %get3A_1511 = memref.load %arg2[%get3A_1509, %get3A_1510] : memref<2x16xf32, #tpu.memory_space<smem>>
      %broadcast_in_dim3A_1512 = vector.broadcast %get3A_1511 : f32 to vector<256x128xf32>
      %select_n3A = arith.select %eq3A_1508, %broadcast_in_dim3A_1512, %broadcast_in_dim3A_1503 : vector<256x128xi1>, vector<256x128xf32>
      %get3A_1513 = arith.constant 1 : index
      %get3A_1514 = arith.constant 0 : index
      %get3A_1515 = memref.load %arg2[%get3A_1513, %get3A_1514] : memref<2x16xf32, #tpu.memory_space<smem>>
      %broadcast_in_dim3A_1516 = vector.broadcast %get3A_1515 : f32 to vector<256x128xf32>
      %select_n3A_1517 = arith.select %eq3A_1508, %broadcast_in_dim3A_1516, %broadcast_in_dim3A_1505 : vector<256x128xi1>, vector<256x128xf32>
      %eq3A_1518 = arith.constant 1 : i32
      %eq3A_1519 = vector.broadcast %eq3A_1518 : i32 to vector<256x128xi32>
      %eq3A_1520 = arith.cmpi eq, %add3A_1501, %eq3A_1519 : vector<256x128xi32>
      %get3A_1521 = arith.constant 0 : index
      %get3A_1522 = arith.constant 1 : index
      %get3A_1523 = memref.load %arg2[%get3A_1521, %get3A_1522] : memref<2x16xf32, #tpu.memory_space<smem>>
      %broadcast_in_dim3A_1524 = vector.broadcast %get3A_1523 : f32 to vector<256x128xf32>
      %select_n3A_1525 = arith.select %eq3A_1520, %broadcast_in_dim3A_1524, %select_n3A : vector<256x128xi1>, vector<256x128xf32>
      %get3A_1526 = arith.constant 1 : index
      %get3A_1527 = arith.constant 1 : index
      %get3A_1528 = memref.load %arg2[%get3A_1526, %get3A_1527] : memref<2x16xf32, #tpu.memory_space<smem>>
      %broadcast_in_dim3A_1529 = vector.broadcast %get3A_1528 : f32 to vector<256x128xf32>
      %select_n3A_1530 = arith.select %eq3A_1520, %broadcast_in_dim3A_1529, %select_n3A_1517 : vector<256x128xi1>, vector<256x128xf32>
      %eq3A_1531 = arith.constant 2 : i32
      %eq3A_1532 = vector.broadcast %eq3A_1531 : i32 to vector<256x128xi32>
      %eq3A_1533 = arith.cmpi eq, %add3A_1501, %eq3A_1532 : vector<256x128xi32>
      %get3A_1534 = arith.constant 0 : index
      %get3A_1535 = arith.constant 2 : index
      %get3A_1536 = memref.load %arg2[%get3A_1534, %get3A_1535] : memref<2x16xf32, #tpu.memory_space<smem>>
      %broadcast_in_dim3A_1537 = vector.broadcast %get3A_1536 : f32 to vector<256x128xf32>
      %select_n3A_1538 = arith.select %eq3A_1533, %broadcast_in_dim3A_1537, %select_n3A_1525 : vector<256x128xi1>, vector<256x128xf32>
      %get3A_1539 = arith.constant 1 : index
      %get3A_1540 = arith.constant 2 : index
      %get3A_1541 = memref.load %arg2[%get3A_1539, %get3A_1540] : memref<2x16xf32, #tpu.memory_space<smem>>
      %broadcast_in_dim3A_1542 = vector.broadcast %get3A_1541 : f32 to vector<256x128xf32>
      %select_n3A_1543 = arith.select %eq3A_1533, %broadcast_in_dim3A_1542, %select_n3A_1530 : vector<256x128xi1>, vector<256x128xf32>
      %eq3A_1544 = arith.constant 3 : i32
      %eq3A_1545 = vector.broadcast %eq3A_1544 : i32 to vector<256x128xi32>
      %eq3A_1546 = arith.cmpi eq, %add3A_1501, %eq3A_1545 : vector<256x128xi32>
      %get3A_1547 = arith.constant 0 : index
      %get3A_1548 = arith.constant 3 : index
      %get3A_1549 = memref.load %arg2[%get3A_1547, %get3A_1548] : memref<2x16xf32, #tpu.memory_space<smem>>
      %broadcast_in_dim3A_1550 = vector.broadcast %get3A_1549 : f32 to vector<256x128xf32>
      %select_n3A_1551 = arith.select %eq3A_1546, %broadcast_in_dim3A_1550, %select_n3A_1538 : vector<256x128xi1>, vector<256x128xf32>
      %get3A_1552 = arith.constant 1 : index
      %get3A_1553 = arith.constant 3 : index
      %get3A_1554 = memref.load %arg2[%get3A_1552, %get3A_1553] : memref<2x16xf32, #tpu.memory_space<smem>>
      %broadcast_in_dim3A_1555 = vector.broadcast %get3A_1554 : f32 to vector<256x128xf32>
      %select_n3A_1556 = arith.select %eq3A_1546, %broadcast_in_dim3A_1555, %select_n3A_1543 : vector<256x128xi1>, vector<256x128xf32>
      %eq3A_1557 = arith.constant 4 : i32
      %eq3A_1558 = vector.broadcast %eq3A_1557 : i32 to vector<256x128xi32>
      %eq3A_1559 = arith.cmpi eq, %add3A_1501, %eq3A_1558 : vector<256x128xi32>
      %get3A_1560 = arith.constant 0 : index
      %get3A_1561 = arith.constant 4 : index
      %get3A_1562 = memref.load %arg2[%get3A_1560, %get3A_1561] : memref<2x16xf32, #tpu.memory_space<smem>>
      %broadcast_in_dim3A_1563 = vector.broadcast %get3A_1562 : f32 to vector<256x128xf32>
      %select_n3A_1564 = arith.select %eq3A_1559, %broadcast_in_dim3A_1563, %select_n3A_1551 : vector<256x128xi1>, vector<256x128xf32>
      %get3A_1565 = arith.constant 1 : index
      %get3A_1566 = arith.constant 4 : index
      %get3A_1567 = memref.load %arg2[%get3A_1565, %get3A_1566] : memref<2x16xf32, #tpu.memory_space<smem>>
      %broadcast_in_dim3A_1568 = vector.broadcast %get3A_1567 : f32 to vector<256x128xf32>
      %select_n3A_1569 = arith.select %eq3A_1559, %broadcast_in_dim3A_1568, %select_n3A_1556 : vector<256x128xi1>, vector<256x128xf32>
      %eq3A_1570 = arith.constant 5 : i32
      %eq3A_1571 = vector.broadcast %eq3A_1570 : i32 to vector<256x128xi32>
      %eq3A_1572 = arith.cmpi eq, %add3A_1501, %eq3A_1571 : vector<256x128xi32>
      %get3A_1573 = arith.constant 0 : index
      %get3A_1574 = arith.constant 5 : index
      %get3A_1575 = memref.load %arg2[%get3A_1573, %get3A_1574] : memref<2x16xf32, #tpu.memory_space<smem>>
      %broadcast_in_dim3A_1576 = vector.broadcast %get3A_1575 : f32 to vector<256x128xf32>
      %select_n3A_1577 = arith.select %eq3A_1572, %broadcast_in_dim3A_1576, %select_n3A_1564 : vector<256x128xi1>, vector<256x128xf32>
      %get3A_1578 = arith.constant 1 : index
      %get3A_1579 = arith.constant 5 : index
      %get3A_1580 = memref.load %arg2[%get3A_1578, %get3A_1579] : memref<2x16xf32, #tpu.memory_space<smem>>
      %broadcast_in_dim3A_1581 = vector.broadcast %get3A_1580 : f32 to vector<256x128xf32>
      %select_n3A_1582 = arith.select %eq3A_1572, %broadcast_in_dim3A_1581, %select_n3A_1569 : vector<256x128xi1>, vector<256x128xf32>
      %eq3A_1583 = arith.constant 6 : i32
      %eq3A_1584 = vector.broadcast %eq3A_1583 : i32 to vector<256x128xi32>
      %eq3A_1585 = arith.cmpi eq, %add3A_1501, %eq3A_1584 : vector<256x128xi32>
      %get3A_1586 = arith.constant 0 : index
      %get3A_1587 = arith.constant 6 : index
      %get3A_1588 = memref.load %arg2[%get3A_1586, %get3A_1587] : memref<2x16xf32, #tpu.memory_space<smem>>
      %broadcast_in_dim3A_1589 = vector.broadcast %get3A_1588 : f32 to vector<256x128xf32>
      %select_n3A_1590 = arith.select %eq3A_1585, %broadcast_in_dim3A_1589, %select_n3A_1577 : vector<256x128xi1>, vector<256x128xf32>
      %get3A_1591 = arith.constant 1 : index
      %get3A_1592 = arith.constant 6 : index
      %get3A_1593 = memref.load %arg2[%get3A_1591, %get3A_1592] : memref<2x16xf32, #tpu.memory_space<smem>>
      %broadcast_in_dim3A_1594 = vector.broadcast %get3A_1593 : f32 to vector<256x128xf32>
      %select_n3A_1595 = arith.select %eq3A_1585, %broadcast_in_dim3A_1594, %select_n3A_1582 : vector<256x128xi1>, vector<256x128xf32>
      %eq3A_1596 = arith.constant 7 : i32
      %eq3A_1597 = vector.broadcast %eq3A_1596 : i32 to vector<256x128xi32>
      %eq3A_1598 = arith.cmpi eq, %add3A_1501, %eq3A_1597 : vector<256x128xi32>
      %get3A_1599 = arith.constant 0 : index
      %get3A_1600 = arith.constant 7 : index
      %get3A_1601 = memref.load %arg2[%get3A_1599, %get3A_1600] : memref<2x16xf32, #tpu.memory_space<smem>>
      %broadcast_in_dim3A_1602 = vector.broadcast %get3A_1601 : f32 to vector<256x128xf32>
      %select_n3A_1603 = arith.select %eq3A_1598, %broadcast_in_dim3A_1602, %select_n3A_1590 : vector<256x128xi1>, vector<256x128xf32>
      %get3A_1604 = arith.constant 1 : index
      %get3A_1605 = arith.constant 7 : index
      %get3A_1606 = memref.load %arg2[%get3A_1604, %get3A_1605] : memref<2x16xf32, #tpu.memory_space<smem>>
      %broadcast_in_dim3A_1607 = vector.broadcast %get3A_1606 : f32 to vector<256x128xf32>
      %select_n3A_1608 = arith.select %eq3A_1598, %broadcast_in_dim3A_1607, %select_n3A_1595 : vector<256x128xi1>, vector<256x128xf32>
      %eq3A_1609 = arith.constant 8 : i32
      %eq3A_1610 = vector.broadcast %eq3A_1609 : i32 to vector<256x128xi32>
      %eq3A_1611 = arith.cmpi eq, %add3A_1501, %eq3A_1610 : vector<256x128xi32>
      %get3A_1612 = arith.constant 0 : index
      %get3A_1613 = arith.constant 8 : index
      %get3A_1614 = memref.load %arg2[%get3A_1612, %get3A_1613] : memref<2x16xf32, #tpu.memory_space<smem>>
      %broadcast_in_dim3A_1615 = vector.broadcast %get3A_1614 : f32 to vector<256x128xf32>
      %select_n3A_1616 = arith.select %eq3A_1611, %broadcast_in_dim3A_1615, %select_n3A_1603 : vector<256x128xi1>, vector<256x128xf32>
      %get3A_1617 = arith.constant 1 : index
      %get3A_1618 = arith.constant 8 : index
      %get3A_1619 = memref.load %arg2[%get3A_1617, %get3A_1618] : memref<2x16xf32, #tpu.memory_space<smem>>
      %broadcast_in_dim3A_1620 = vector.broadcast %get3A_1619 : f32 to vector<256x128xf32>
      %select_n3A_1621 = arith.select %eq3A_1611, %broadcast_in_dim3A_1620, %select_n3A_1608 : vector<256x128xi1>, vector<256x128xf32>
      %eq3A_1622 = arith.constant 9 : i32
      %eq3A_1623 = vector.broadcast %eq3A_1622 : i32 to vector<256x128xi32>
      %eq3A_1624 = arith.cmpi eq, %add3A_1501, %eq3A_1623 : vector<256x128xi32>
      %get3A_1625 = arith.constant 0 : index
      %get3A_1626 = arith.constant 9 : index
      %get3A_1627 = memref.load %arg2[%get3A_1625, %get3A_1626] : memref<2x16xf32, #tpu.memory_space<smem>>
      %broadcast_in_dim3A_1628 = vector.broadcast %get3A_1627 : f32 to vector<256x128xf32>
      %select_n3A_1629 = arith.select %eq3A_1624, %broadcast_in_dim3A_1628, %select_n3A_1616 : vector<256x128xi1>, vector<256x128xf32>
      %get3A_1630 = arith.constant 1 : index
      %get3A_1631 = arith.constant 9 : index
      %get3A_1632 = memref.load %arg2[%get3A_1630, %get3A_1631] : memref<2x16xf32, #tpu.memory_space<smem>>
      %broadcast_in_dim3A_1633 = vector.broadcast %get3A_1632 : f32 to vector<256x128xf32>
      %select_n3A_1634 = arith.select %eq3A_1624, %broadcast_in_dim3A_1633, %select_n3A_1621 : vector<256x128xi1>, vector<256x128xf32>
      %eq3A_1635 = arith.constant 10 : i32
      %eq3A_1636 = vector.broadcast %eq3A_1635 : i32 to vector<256x128xi32>
      %eq3A_1637 = arith.cmpi eq, %add3A_1501, %eq3A_1636 : vector<256x128xi32>
      %get3A_1638 = arith.constant 0 : index
      %get3A_1639 = arith.constant 10 : index
      %get3A_1640 = memref.load %arg2[%get3A_1638, %get3A_1639] : memref<2x16xf32, #tpu.memory_space<smem>>
      %broadcast_in_dim3A_1641 = vector.broadcast %get3A_1640 : f32 to vector<256x128xf32>
      %select_n3A_1642 = arith.select %eq3A_1637, %broadcast_in_dim3A_1641, %select_n3A_1629 : vector<256x128xi1>, vector<256x128xf32>
      %get3A_1643 = arith.constant 1 : index
      %get3A_1644 = arith.constant 10 : index
      %get3A_1645 = memref.load %arg2[%get3A_1643, %get3A_1644] : memref<2x16xf32, #tpu.memory_space<smem>>
      %broadcast_in_dim3A_1646 = vector.broadcast %get3A_1645 : f32 to vector<256x128xf32>
      %select_n3A_1647 = arith.select %eq3A_1637, %broadcast_in_dim3A_1646, %select_n3A_1634 : vector<256x128xi1>, vector<256x128xf32>
      %eq3A_1648 = arith.constant 11 : i32
      %eq3A_1649 = vector.broadcast %eq3A_1648 : i32 to vector<256x128xi32>
      %eq3A_1650 = arith.cmpi eq, %add3A_1501, %eq3A_1649 : vector<256x128xi32>
      %get3A_1651 = arith.constant 0 : index
      %get3A_1652 = arith.constant 11 : index
      %get3A_1653 = memref.load %arg2[%get3A_1651, %get3A_1652] : memref<2x16xf32, #tpu.memory_space<smem>>
      %broadcast_in_dim3A_1654 = vector.broadcast %get3A_1653 : f32 to vector<256x128xf32>
      %select_n3A_1655 = arith.select %eq3A_1650, %broadcast_in_dim3A_1654, %select_n3A_1642 : vector<256x128xi1>, vector<256x128xf32>
      %get3A_1656 = arith.constant 1 : index
      %get3A_1657 = arith.constant 11 : index
      %get3A_1658 = memref.load %arg2[%get3A_1656, %get3A_1657] : memref<2x16xf32, #tpu.memory_space<smem>>
      %broadcast_in_dim3A_1659 = vector.broadcast %get3A_1658 : f32 to vector<256x128xf32>
      %select_n3A_1660 = arith.select %eq3A_1650, %broadcast_in_dim3A_1659, %select_n3A_1647 : vector<256x128xi1>, vector<256x128xf32>
      %eq3A_1661 = arith.constant 12 : i32
      %eq3A_1662 = vector.broadcast %eq3A_1661 : i32 to vector<256x128xi32>
      %eq3A_1663 = arith.cmpi eq, %add3A_1501, %eq3A_1662 : vector<256x128xi32>
      %get3A_1664 = arith.constant 0 : index
      %get3A_1665 = arith.constant 12 : index
      %get3A_1666 = memref.load %arg2[%get3A_1664, %get3A_1665] : memref<2x16xf32, #tpu.memory_space<smem>>
      %broadcast_in_dim3A_1667 = vector.broadcast %get3A_1666 : f32 to vector<256x128xf32>
      %select_n3A_1668 = arith.select %eq3A_1663, %broadcast_in_dim3A_1667, %select_n3A_1655 : vector<256x128xi1>, vector<256x128xf32>
      %get3A_1669 = arith.constant 1 : index
      %get3A_1670 = arith.constant 12 : index
      %get3A_1671 = memref.load %arg2[%get3A_1669, %get3A_1670] : memref<2x16xf32, #tpu.memory_space<smem>>
      %broadcast_in_dim3A_1672 = vector.broadcast %get3A_1671 : f32 to vector<256x128xf32>
      %select_n3A_1673 = arith.select %eq3A_1663, %broadcast_in_dim3A_1672, %select_n3A_1660 : vector<256x128xi1>, vector<256x128xf32>
      %eq3A_1674 = arith.constant 13 : i32
      %eq3A_1675 = vector.broadcast %eq3A_1674 : i32 to vector<256x128xi32>
      %eq3A_1676 = arith.cmpi eq, %add3A_1501, %eq3A_1675 : vector<256x128xi32>
      %get3A_1677 = arith.constant 0 : index
      %get3A_1678 = arith.constant 13 : index
      %get3A_1679 = memref.load %arg2[%get3A_1677, %get3A_1678] : memref<2x16xf32, #tpu.memory_space<smem>>
      %broadcast_in_dim3A_1680 = vector.broadcast %get3A_1679 : f32 to vector<256x128xf32>
      %select_n3A_1681 = arith.select %eq3A_1676, %broadcast_in_dim3A_1680, %select_n3A_1668 : vector<256x128xi1>, vector<256x128xf32>
      %get3A_1682 = arith.constant 1 : index
      %get3A_1683 = arith.constant 13 : index
      %get3A_1684 = memref.load %arg2[%get3A_1682, %get3A_1683] : memref<2x16xf32, #tpu.memory_space<smem>>
      %broadcast_in_dim3A_1685 = vector.broadcast %get3A_1684 : f32 to vector<256x128xf32>
      %select_n3A_1686 = arith.select %eq3A_1676, %broadcast_in_dim3A_1685, %select_n3A_1673 : vector<256x128xi1>, vector<256x128xf32>
      %eq3A_1687 = arith.constant 14 : i32
      %eq3A_1688 = vector.broadcast %eq3A_1687 : i32 to vector<256x128xi32>
      %eq3A_1689 = arith.cmpi eq, %add3A_1501, %eq3A_1688 : vector<256x128xi32>
      %get3A_1690 = arith.constant 0 : index
      %get3A_1691 = arith.constant 14 : index
      %get3A_1692 = memref.load %arg2[%get3A_1690, %get3A_1691] : memref<2x16xf32, #tpu.memory_space<smem>>
      %broadcast_in_dim3A_1693 = vector.broadcast %get3A_1692 : f32 to vector<256x128xf32>
      %select_n3A_1694 = arith.select %eq3A_1689, %broadcast_in_dim3A_1693, %select_n3A_1681 : vector<256x128xi1>, vector<256x128xf32>
      %get3A_1695 = arith.constant 1 : index
      %get3A_1696 = arith.constant 14 : index
      %get3A_1697 = memref.load %arg2[%get3A_1695, %get3A_1696] : memref<2x16xf32, #tpu.memory_space<smem>>
      %broadcast_in_dim3A_1698 = vector.broadcast %get3A_1697 : f32 to vector<256x128xf32>
      %select_n3A_1699 = arith.select %eq3A_1689, %broadcast_in_dim3A_1698, %select_n3A_1686 : vector<256x128xi1>, vector<256x128xf32>
      %eq3A_1700 = arith.constant 15 : i32
      %eq3A_1701 = vector.broadcast %eq3A_1700 : i32 to vector<256x128xi32>
      %eq3A_1702 = arith.cmpi eq, %add3A_1501, %eq3A_1701 : vector<256x128xi32>
      %get3A_1703 = arith.constant 0 : index
      %get3A_1704 = arith.constant 15 : index
      %get3A_1705 = memref.load %arg2[%get3A_1703, %get3A_1704] : memref<2x16xf32, #tpu.memory_space<smem>>
      %broadcast_in_dim3A_1706 = vector.broadcast %get3A_1705 : f32 to vector<256x128xf32>
      %select_n3A_1707 = arith.select %eq3A_1702, %broadcast_in_dim3A_1706, %select_n3A_1694 : vector<256x128xi1>, vector<256x128xf32>
      %get3A_1708 = arith.constant 1 : index
      %get3A_1709 = arith.constant 15 : index
      %get3A_1710 = memref.load %arg2[%get3A_1708, %get3A_1709] : memref<2x16xf32, #tpu.memory_space<smem>>
      %broadcast_in_dim3A_1711 = vector.broadcast %get3A_1710 : f32 to vector<256x128xf32>
      %select_n3A_1712 = arith.select %eq3A_1702, %broadcast_in_dim3A_1711, %select_n3A_1699 : vector<256x128xi1>, vector<256x128xf32>
      %div3A = arith.divf %mul3A_1390, %select_n3A_1707 : vector<256x128xf32>
      %mul3A_1713 = arith.constant 2.560000e+02 : f32
      %mul3A_1714 = vector.broadcast %mul3A_1713 : f32 to vector<256x128xf32>
      %mul3A_1715 = arith.mulf %div3A, %mul3A_1714 : vector<256x128xf32>
      %swap3A_1716 = arith.constant 0 : index
      %swap3A_1717 = arith.constant 0 : index
      %swap3A_1718 = vector.load %arg10[%swap3A_1716, %swap3A_1717] : memref<256x128xf32, #tpu.memory_space<vmem>>, vector<256x128xf32>
      tpu.vector_store %arg10[%swap3A_1716, %swap3A_1717], %mul3A_1715 {strides = array<i32>} : memref<256x128xf32, #tpu.memory_space<vmem>>, vector<256x128xf32>,
      %div3A_1719 = arith.divf %mul3A_1400, %select_n3A_1712 : vector<256x128xf32>
      %mul3A_1720 = arith.constant 2.560000e+02 : f32
      %mul3A_1721 = vector.broadcast %mul3A_1720 : f32 to vector<256x128xf32>
      %mul3A_1722 = arith.mulf %div3A_1719, %mul3A_1721 : vector<256x128xf32>
      %swap3A_1723 = arith.constant 0 : index
      %swap3A_1724 = arith.constant 0 : index
      %swap3A_1725 = vector.load %arg11[%swap3A_1723, %swap3A_1724] : memref<256x128xf32, #tpu.memory_space<vmem>>, vector<256x128xf32>
      tpu.vector_store %arg11[%swap3A_1723, %swap3A_1724], %mul3A_1722 {strides = array<i32>} : memref<256x128xf32, #tpu.memory_space<vmem>>, vector<256x128xf32>,
      %convert_element_type3A_1726 = arith.sitofp %add3A_1501 : vector<256x128xi32> to vector<256x128xf32>
      %swap3A_1727 = arith.constant 0 : index
      %swap3A_1728 = arith.constant 0 : index
      %swap3A_1729 = vector.load %arg12[%swap3A_1727, %swap3A_1728] : memref<256x128xf32, #tpu.memory_space<vmem>>, vector<256x128xf32>
      tpu.vector_store %arg12[%swap3A_1727, %swap3A_1728], %convert_element_type3A_1726 {strides = array<i32>} : memref<256x128xf32, #tpu.memory_space<vmem>>, vector<256x128xf32>,
    } else {
    }
    %mul3A = arith.constant 64 : i32
    %mul3A_2 = arith.muli %arg0, %mul3A : i32
    %get3A = arith.index_cast %mul3A_2 : i32 to index
    %get3A_3 = arith.constant 0 : index
    %get3A_4 = vector.load %arg3[%get3A, %get3A_3] : memref<256x128xf32, #tpu.memory_space<vmem>>, vector<64x128xf32>
    %mul3A_5 = arith.constant 64 : i32
    %mul3A_6 = arith.muli %arg0, %mul3A_5 : i32
    %get3A_7 = arith.index_cast %mul3A_6 : i32 to index
    %get3A_8 = arith.constant 0 : index
    %get3A_9 = vector.load %arg4[%get3A_7, %get3A_8] : memref<256x128xf32, #tpu.memory_space<vmem>>, vector<64x128xf32>
    %mul3A_10 = arith.constant 64 : i32
    %mul3A_11 = arith.muli %arg0, %mul3A_10 : i32
    %get3A_12 = arith.index_cast %mul3A_11 : i32 to index
    %get3A_13 = arith.constant 0 : index
    %get3A_14 = vector.load %arg5[%get3A_12, %get3A_13] : memref<256x128xf32, #tpu.memory_space<vmem>>, vector<64x128xf32>
    %mul3A_15 = arith.constant 64 : i32
    %mul3A_16 = arith.muli %arg0, %mul3A_15 : i32
    %get3A_17 = arith.index_cast %mul3A_16 : i32 to index
    %get3A_18 = arith.constant 0 : index
    %get3A_19 = vector.load %arg6[%get3A_17, %get3A_18] : memref<256x128xf32, #tpu.memory_space<vmem>>, vector<64x128xf32>
    %sub3A = arith.subf %get3A_14, %get3A_4 : vector<64x128xf32>
    %sub3A_20 = arith.subf %get3A_19, %get3A_9 : vector<64x128xf32>
    %mul3A_21 = arith.mulf %sub3A, %sub3A_20 : vector<64x128xf32>
    %mul3A_22 = arith.constant 64 : i32
    %mul3A_23 = arith.muli %arg0, %mul3A_22 : i32
    %get3A_24 = arith.index_cast %mul3A_23 : i32 to index
    %get3A_25 = arith.constant 0 : index
    %get3A_26 = vector.load %arg10[%get3A_24, %get3A_25] : memref<256x128xf32, #tpu.memory_space<vmem>>, vector<64x128xf32>
    %mul3A_27 = arith.constant 64 : i32
    %mul3A_28 = arith.muli %arg0, %mul3A_27 : i32
    %get3A_29 = arith.index_cast %mul3A_28 : i32 to index
    %get3A_30 = arith.constant 0 : index
    %get3A_31 = vector.load %arg11[%get3A_29, %get3A_30] : memref<256x128xf32, #tpu.memory_space<vmem>>, vector<64x128xf32>
    %mul3A_32 = arith.constant 64 : i32
    %mul3A_33 = arith.muli %arg0, %mul3A_32 : i32
    %get3A_34 = arith.index_cast %mul3A_33 : i32 to index
    %get3A_35 = arith.constant 0 : index
    %get3A_36 = vector.load %arg12[%get3A_34, %get3A_35] : memref<256x128xf32, #tpu.memory_space<vmem>>, vector<64x128xf32>
    %get3A_37 = arith.constant 0 : index
    %get3A_38 = arith.constant 0 : index
    %get3A_39 = vector.load %arg7[%get3A_37, %get3A_38] : memref<10x128xf32, #tpu.memory_space<vmem>>, vector<10x128xf32>
    %get3A_40 = arith.constant 0 : index
    %get3A_41 = arith.constant 0 : index
    %get3A_42 = vector.load %arg8[%get3A_40, %get3A_41] : memref<1x128xf32, #tpu.memory_space<vmem>>, vector<1x128xf32>
    %slice3A = vector.extract_strided_slice %get3A_36 {offsets = [0, 0], sizes = [1, 128], strides = [1, 1]} : vector<64x128xf32> to vector<1x128xf32>
    %slice3A_43 = vector.extract_strided_slice %get3A_26 {offsets = [0, 0], sizes = [1, 128], strides = [1, 1]} : vector<64x128xf32> to vector<1x128xf32>
    %slice3A_44 = vector.extract_strided_slice %get3A_31 {offsets = [0, 0], sizes = [1, 128], strides = [1, 1]} : vector<64x128xf32> to vector<1x128xf32>
    %slice3A_45 = vector.extract_strided_slice %get3A_4 {offsets = [0, 0], sizes = [1, 128], strides = [1, 1]} : vector<64x128xf32> to vector<1x128xf32>
    %slice3A_46 = vector.extract_strided_slice %get3A_9 {offsets = [0, 0], sizes = [1, 128], strides = [1, 1]} : vector<64x128xf32> to vector<1x128xf32>
    %slice3A_47 = vector.extract_strided_slice %get3A_14 {offsets = [0, 0], sizes = [1, 128], strides = [1, 1]} : vector<64x128xf32> to vector<1x128xf32>
    %slice3A_48 = vector.extract_strided_slice %get3A_19 {offsets = [0, 0], sizes = [1, 128], strides = [1, 1]} : vector<64x128xf32> to vector<1x128xf32>
    %slice3A_49 = vector.extract_strided_slice %sub3A {offsets = [0, 0], sizes = [1, 128], strides = [1, 1]} : vector<64x128xf32> to vector<1x128xf32>
    %slice3A_50 = vector.extract_strided_slice %sub3A_20 {offsets = [0, 0], sizes = [1, 128], strides = [1, 1]} : vector<64x128xf32> to vector<1x128xf32>
    %slice3A_51 = vector.extract_strided_slice %mul3A_21 {offsets = [0, 0], sizes = [1, 128], strides = [1, 1]} : vector<64x128xf32> to vector<1x128xf32>
    %concatenate3A = tpu.concatenate %slice3A, %slice3A_43, %slice3A_44, %slice3A_45, %slice3A_46, %slice3A_47, %slice3A_48, %slice3A_49, %slice3A_50, %slice3A_51 in 0 : vector<1x128xf32>, vector<1x128xf32>, vector<1x128xf32>, vector<1x128xf32>, vector<1x128xf32>, vector<1x128xf32>, vector<1x128xf32>, vector<1x128xf32>, vector<1x128xf32>, vector<1x128xf32> -> vector<10x128xf32>
    %dot_general3A = arith.constant dense<0.000000e+00> : vector<128x128xf32>
    %dot_general3A_52 = tpu.matmul %concatenate3A, %get3A_39, %dot_general3A {dimension_numbers = #tpu.dot_dimension_numbers<[0], [0], [1], [1], [0, 1, 1, 1], [], []>, transpose_lhs_hint = false} : vector<10x128xf32>, vector<10x128xf32>, vector<128x128xf32> -> vector<128x128xf32>
    %add3A = vector.broadcast %get3A_42 : vector<1x128xf32> to vector<128x128xf32>
    %add3A_53 = arith.addf %dot_general3A_52, %add3A : vector<128x128xf32>
    %max3A = arith.constant 0.000000e+00 : f32
    %max3A_54 = vector.broadcast %max3A : f32 to vector<128x128xf32>
    %max3A_55 = arith.maximumf %add3A_53, %max3A_54 : vector<128x128xf32>
    %swap3A = arith.constant 0 : index
    %swap3A_56 = arith.constant 0 : index
    %swap3A_57 = vector.load %arg9[%swap3A, %swap3A_56] : memref<8192x128xf32, #tpu.memory_space<vmem>>, vector<128x128xf32>
    tpu.vector_store %arg9[%swap3A, %swap3A_56], %max3A_55 {strides = array<i32>} : memref<8192x128xf32, #tpu.memory_space<vmem>>, vector<128x128xf32>,
    %slice3A_58 = vector.extract_strided_slice %get3A_36 {offsets = [1, 0], sizes = [1, 128], strides = [1, 1]} : vector<64x128xf32> to vector<1x128xf32>
    %slice3A_59 = vector.extract_strided_slice %get3A_26 {offsets = [1, 0], sizes = [1, 128], strides = [1, 1]} : vector<64x128xf32> to vector<1x128xf32>
    %slice3A_60 = vector.extract_strided_slice %get3A_31 {offsets = [1, 0], sizes = [1, 128], strides = [1, 1]} : vector<64x128xf32> to vector<1x128xf32>
    %slice3A_61 = vector.extract_strided_slice %get3A_4 {offsets = [1, 0], sizes = [1, 128], strides = [1, 1]} : vector<64x128xf32> to vector<1x128xf32>
    %slice3A_62 = vector.extract_strided_slice %get3A_9 {offsets = [1, 0], sizes = [1, 128], strides = [1, 1]} : vector<64x128xf32> to vector<1x128xf32>
    %slice3A_63 = vector.extract_strided_slice %get3A_14 {offsets = [1, 0], sizes = [1, 128], strides = [1, 1]} : vector<64x128xf32> to vector<1x128xf32>
    %slice3A_64 = vector.extract_strided_slice %get3A_19 {offsets = [1, 0], sizes = [1, 128], strides = [1, 1]} : vector<64x128xf32> to vector<1x128xf32>
    %slice3A_65 = vector.extract_strided_slice %sub3A {offsets = [1, 0], sizes = [1, 128], strides = [1, 1]} : vector<64x128xf32> to vector<1x128xf32>
    %slice3A_66 = vector.extract_strided_slice %sub3A_20 {offsets = [1, 0], sizes = [1, 128], strides = [1, 1]} : vector<64x128xf32> to vector<1x128xf32>
    %slice3A_67 = vector.extract_strided_slice %mul3A_21 {offsets = [1, 0], sizes = [1, 128], strides = [1, 1]} : vector<64x128xf32> to vector<1x128xf32>
    %concatenate3A_68 = tpu.concatenate %slice3A_58, %slice3A_59, %slice3A_60, %slice3A_61, %slice3A_62, %slice3A_63, %slice3A_64, %slice3A_65, %slice3A_66, %slice3A_67 in 0 : vector<1x128xf32>, vector<1x128xf32>, vector<1x128xf32>, vector<1x128xf32>, vector<1x128xf32>, vector<1x128xf32>, vector<1x128xf32>, vector<1x128xf32>, vector<1x128xf32>, vector<1x128xf32> -> vector<10x128xf32>
    %dot_general3A_69 = arith.constant dense<0.000000e+00> : vector<128x128xf32>
    %dot_general3A_70 = tpu.matmul %concatenate3A_68, %get3A_39, %dot_general3A_69 {dimension_numbers = #tpu.dot_dimension_numbers<[0], [0], [1], [1], [0, 1, 1, 1], [], []>, transpose_lhs_hint = false} : vector<10x128xf32>, vector<10x128xf32>, vector<128x128xf32> -> vector<128x128xf32>
    %add3A_71 = vector.broadcast %get3A_42 : vector<1x128xf32> to vector<128x128xf32>
    %add3A_72 = arith.addf %dot_general3A_70, %add3A_71 : vector<128x128xf32>
    %max3A_73 = arith.constant 0.000000e+00 : f32
    %max3A_74 = vector.broadcast %max3A_73 : f32 to vector<128x128xf32>
    %max3A_75 = arith.maximumf %add3A_72, %max3A_74 : vector<128x128xf32>
    %swap3A_76 = arith.constant 128 : index
    %swap3A_77 = arith.constant 0 : index
    %swap3A_78 = vector.load %arg9[%swap3A_76, %swap3A_77] : memref<8192x128xf32, #tpu.memory_space<vmem>>, vector<128x128xf32>
    tpu.vector_store %arg9[%swap3A_76, %swap3A_77], %max3A_75 {strides = array<i32>} : memref<8192x128xf32, #tpu.memory_space<vmem>>, vector<128x128xf32>,
    %slice3A_79 = vector.extract_strided_slice %get3A_36 {offsets = [2, 0], sizes = [1, 128], strides = [1, 1]} : vector<64x128xf32> to vector<1x128xf32>
    %slice3A_80 = vector.extract_strided_slice %get3A_26 {offsets = [2, 0], sizes = [1, 128], strides = [1, 1]} : vector<64x128xf32> to vector<1x128xf32>
    %slice3A_81 = vector.extract_strided_slice %get3A_31 {offsets = [2, 0], sizes = [1, 128], strides = [1, 1]} : vector<64x128xf32> to vector<1x128xf32>
    %slice3A_82 = vector.extract_strided_slice %get3A_4 {offsets = [2, 0], sizes = [1, 128], strides = [1, 1]} : vector<64x128xf32> to vector<1x128xf32>
    %slice3A_83 = vector.extract_strided_slice %get3A_9 {offsets = [2, 0], sizes = [1, 128], strides = [1, 1]} : vector<64x128xf32> to vector<1x128xf32>
    %slice3A_84 = vector.extract_strided_slice %get3A_14 {offsets = [2, 0], sizes = [1, 128], strides = [1, 1]} : vector<64x128xf32> to vector<1x128xf32>
    %slice3A_85 = vector.extract_strided_slice %get3A_19 {offsets = [2, 0], sizes = [1, 128], strides = [1, 1]} : vector<64x128xf32> to vector<1x128xf32>
    %slice3A_86 = vector.extract_strided_slice %sub3A {offsets = [2, 0], sizes = [1, 128], strides = [1, 1]} : vector<64x128xf32> to vector<1x128xf32>
    %slice3A_87 = vector.extract_strided_slice %sub3A_20 {offsets = [2, 0], sizes = [1, 128], strides = [1, 1]} : vector<64x128xf32> to vector<1x128xf32>
    %slice3A_88 = vector.extract_strided_slice %mul3A_21 {offsets = [2, 0], sizes = [1, 128], strides = [1, 1]} : vector<64x128xf32> to vector<1x128xf32>
    %concatenate3A_89 = tpu.concatenate %slice3A_79, %slice3A_80, %slice3A_81, %slice3A_82, %slice3A_83, %slice3A_84, %slice3A_85, %slice3A_86, %slice3A_87, %slice3A_88 in 0 : vector<1x128xf32>, vector<1x128xf32>, vector<1x128xf32>, vector<1x128xf32>, vector<1x128xf32>, vector<1x128xf32>, vector<1x128xf32>, vector<1x128xf32>, vector<1x128xf32>, vector<1x128xf32> -> vector<10x128xf32>
    %dot_general3A_90 = arith.constant dense<0.000000e+00> : vector<128x128xf32>
    %dot_general3A_91 = tpu.matmul %concatenate3A_89, %get3A_39, %dot_general3A_90 {dimension_numbers = #tpu.dot_dimension_numbers<[0], [0], [1], [1], [0, 1, 1, 1], [], []>, transpose_lhs_hint = false} : vector<10x128xf32>, vector<10x128xf32>, vector<128x128xf32> -> vector<128x128xf32>
    %add3A_92 = vector.broadcast %get3A_42 : vector<1x128xf32> to vector<128x128xf32>
    %add3A_93 = arith.addf %dot_general3A_91, %add3A_92 : vector<128x128xf32>
    %max3A_94 = arith.constant 0.000000e+00 : f32
    %max3A_95 = vector.broadcast %max3A_94 : f32 to vector<128x128xf32>
    %max3A_96 = arith.maximumf %add3A_93, %max3A_95 : vector<128x128xf32>
    %swap3A_97 = arith.constant 256 : index
    %swap3A_98 = arith.constant 0 : index
    %swap3A_99 = vector.load %arg9[%swap3A_97, %swap3A_98] : memref<8192x128xf32, #tpu.memory_space<vmem>>, vector<128x128xf32>
    tpu.vector_store %arg9[%swap3A_97, %swap3A_98], %max3A_96 {strides = array<i32>} : memref<8192x128xf32, #tpu.memory_space<vmem>>, vector<128x128xf32>,
    %slice3A_100 = vector.extract_strided_slice %get3A_36 {offsets = [3, 0], sizes = [1, 128], strides = [1, 1]} : vector<64x128xf32> to vector<1x128xf32>
    %slice3A_101 = vector.extract_strided_slice %get3A_26 {offsets = [3, 0], sizes = [1, 128], strides = [1, 1]} : vector<64x128xf32> to vector<1x128xf32>
    %slice3A_102 = vector.extract_strided_slice %get3A_31 {offsets = [3, 0], sizes = [1, 128], strides = [1, 1]} : vector<64x128xf32> to vector<1x128xf32>
    %slice3A_103 = vector.extract_strided_slice %get3A_4 {offsets = [3, 0], sizes = [1, 128], strides = [1, 1]} : vector<64x128xf32> to vector<1x128xf32>
    %slice3A_104 = vector.extract_strided_slice %get3A_9 {offsets = [3, 0], sizes = [1, 128], strides = [1, 1]} : vector<64x128xf32> to vector<1x128xf32>
    %slice3A_105 = vector.extract_strided_slice %get3A_14 {offsets = [3, 0], sizes = [1, 128], strides = [1, 1]} : vector<64x128xf32> to vector<1x128xf32>
    %slice3A_106 = vector.extract_strided_slice %get3A_19 {offsets = [3, 0], sizes = [1, 128], strides = [1, 1]} : vector<64x128xf32> to vector<1x128xf32>
    %slice3A_107 = vector.extract_strided_slice %sub3A {offsets = [3, 0], sizes = [1, 128], strides = [1, 1]} : vector<64x128xf32> to vector<1x128xf32>
    %slice3A_108 = vector.extract_strided_slice %sub3A_20 {offsets = [3, 0], sizes = [1, 128], strides = [1, 1]} : vector<64x128xf32> to vector<1x128xf32>
    %slice3A_109 = vector.extract_strided_slice %mul3A_21 {offsets = [3, 0], sizes = [1, 128], strides = [1, 1]} : vector<64x128xf32> to vector<1x128xf32>
    %concatenate3A_110 = tpu.concatenate %slice3A_100, %slice3A_101, %slice3A_102, %slice3A_103, %slice3A_104, %slice3A_105, %slice3A_106, %slice3A_107, %slice3A_108, %slice3A_109 in 0 : vector<1x128xf32>, vector<1x128xf32>, vector<1x128xf32>, vector<1x128xf32>, vector<1x128xf32>, vector<1x128xf32>, vector<1x128xf32>, vector<1x128xf32>, vector<1x128xf32>, vector<1x128xf32> -> vector<10x128xf32>
    %dot_general3A_111 = arith.constant dense<0.000000e+00> : vector<128x128xf32>
    %dot_general3A_112 = tpu.matmul %concatenate3A_110, %get3A_39, %dot_general3A_111 {dimension_numbers = #tpu.dot_dimension_numbers<[0], [0], [1], [1], [0, 1, 1, 1], [], []>, transpose_lhs_hint = false} : vector<10x128xf32>, vector<10x128xf32>, vector<128x128xf32> -> vector<128x128xf32>
    %add3A_113 = vector.broadcast %get3A_42 : vector<1x128xf32> to vector<128x128xf32>
    %add3A_114 = arith.addf %dot_general3A_112, %add3A_113 : vector<128x128xf32>
    %max3A_115 = arith.constant 0.000000e+00 : f32
    %max3A_116 = vector.broadcast %max3A_115 : f32 to vector<128x128xf32>
    %max3A_117 = arith.maximumf %add3A_114, %max3A_116 : vector<128x128xf32>
    %swap3A_118 = arith.constant 384 : index
    %swap3A_119 = arith.constant 0 : index
    %swap3A_120 = vector.load %arg9[%swap3A_118, %swap3A_119] : memref<8192x128xf32, #tpu.memory_space<vmem>>, vector<128x128xf32>
    tpu.vector_store %arg9[%swap3A_118, %swap3A_119], %max3A_117 {strides = array<i32>} : memref<8192x128xf32, #tpu.memory_space<vmem>>, vector<128x128xf32>,
    %slice3A_121 = vector.extract_strided_slice %get3A_36 {offsets = [4, 0], sizes = [1, 128], strides = [1, 1]} : vector<64x128xf32> to vector<1x128xf32>
    %slice3A_122 = vector.extract_strided_slice %get3A_26 {offsets = [4, 0], sizes = [1, 128], strides = [1, 1]} : vector<64x128xf32> to vector<1x128xf32>
    %slice3A_123 = vector.extract_strided_slice %get3A_31 {offsets = [4, 0], sizes = [1, 128], strides = [1, 1]} : vector<64x128xf32> to vector<1x128xf32>
    %slice3A_124 = vector.extract_strided_slice %get3A_4 {offsets = [4, 0], sizes = [1, 128], strides = [1, 1]} : vector<64x128xf32> to vector<1x128xf32>
    %slice3A_125 = vector.extract_strided_slice %get3A_9 {offsets = [4, 0], sizes = [1, 128], strides = [1, 1]} : vector<64x128xf32> to vector<1x128xf32>
    %slice3A_126 = vector.extract_strided_slice %get3A_14 {offsets = [4, 0], sizes = [1, 128], strides = [1, 1]} : vector<64x128xf32> to vector<1x128xf32>
    %slice3A_127 = vector.extract_strided_slice %get3A_19 {offsets = [4, 0], sizes = [1, 128], strides = [1, 1]} : vector<64x128xf32> to vector<1x128xf32>
    %slice3A_128 = vector.extract_strided_slice %sub3A {offsets = [4, 0], sizes = [1, 128], strides = [1, 1]} : vector<64x128xf32> to vector<1x128xf32>
    %slice3A_129 = vector.extract_strided_slice %sub3A_20 {offsets = [4, 0], sizes = [1, 128], strides = [1, 1]} : vector<64x128xf32> to vector<1x128xf32>
    %slice3A_130 = vector.extract_strided_slice %mul3A_21 {offsets = [4, 0], sizes = [1, 128], strides = [1, 1]} : vector<64x128xf32> to vector<1x128xf32>
    %concatenate3A_131 = tpu.concatenate %slice3A_121, %slice3A_122, %slice3A_123, %slice3A_124, %slice3A_125, %slice3A_126, %slice3A_127, %slice3A_128, %slice3A_129, %slice3A_130 in 0 : vector<1x128xf32>, vector<1x128xf32>, vector<1x128xf32>, vector<1x128xf32>, vector<1x128xf32>, vector<1x128xf32>, vector<1x128xf32>, vector<1x128xf32>, vector<1x128xf32>, vector<1x128xf32> -> vector<10x128xf32>
    %dot_general3A_132 = arith.constant dense<0.000000e+00> : vector<128x128xf32>
    %dot_general3A_133 = tpu.matmul %concatenate3A_131, %get3A_39, %dot_general3A_132 {dimension_numbers = #tpu.dot_dimension_numbers<[0], [0], [1], [1], [0, 1, 1, 1], [], []>, transpose_lhs_hint = false} : vector<10x128xf32>, vector<10x128xf32>, vector<128x128xf32> -> vector<128x128xf32>
    %add3A_134 = vector.broadcast %get3A_42 : vector<1x128xf32> to vector<128x128xf32>
    %add3A_135 = arith.addf %dot_general3A_133, %add3A_134 : vector<128x128xf32>
    %max3A_136 = arith.constant 0.000000e+00 : f32
    %max3A_137 = vector.broadcast %max3A_136 : f32 to vector<128x128xf32>
    %max3A_138 = arith.maximumf %add3A_135, %max3A_137 : vector<128x128xf32>
    %swap3A_139 = arith.constant 512 : index
    %swap3A_140 = arith.constant 0 : index
    %swap3A_141 = vector.load %arg9[%swap3A_139, %swap3A_140] : memref<8192x128xf32, #tpu.memory_space<vmem>>, vector<128x128xf32>
    tpu.vector_store %arg9[%swap3A_139, %swap3A_140], %max3A_138 {strides = array<i32>} : memref<8192x128xf32, #tpu.memory_space<vmem>>, vector<128x128xf32>,
    %slice3A_142 = vector.extract_strided_slice %get3A_36 {offsets = [5, 0], sizes = [1, 128], strides = [1, 1]} : vector<64x128xf32> to vector<1x128xf32>
    %slice3A_143 = vector.extract_strided_slice %get3A_26 {offsets = [5, 0], sizes = [1, 128], strides = [1, 1]} : vector<64x128xf32> to vector<1x128xf32>
    %slice3A_144 = vector.extract_strided_slice %get3A_31 {offsets = [5, 0], sizes = [1, 128], strides = [1, 1]} : vector<64x128xf32> to vector<1x128xf32>
    %slice3A_145 = vector.extract_strided_slice %get3A_4 {offsets = [5, 0], sizes = [1, 128], strides = [1, 1]} : vector<64x128xf32> to vector<1x128xf32>
    %slice3A_146 = vector.extract_strided_slice %get3A_9 {offsets = [5, 0], sizes = [1, 128], strides = [1, 1]} : vector<64x128xf32> to vector<1x128xf32>
    %slice3A_147 = vector.extract_strided_slice %get3A_14 {offsets = [5, 0], sizes = [1, 128], strides = [1, 1]} : vector<64x128xf32> to vector<1x128xf32>
    %slice3A_148 = vector.extract_strided_slice %get3A_19 {offsets = [5, 0], sizes = [1, 128], strides = [1, 1]} : vector<64x128xf32> to vector<1x128xf32>
    %slice3A_149 = vector.extract_strided_slice %sub3A {offsets = [5, 0], sizes = [1, 128], strides = [1, 1]} : vector<64x128xf32> to vector<1x128xf32>
    %slice3A_150 = vector.extract_strided_slice %sub3A_20 {offsets = [5, 0], sizes = [1, 128], strides = [1, 1]} : vector<64x128xf32> to vector<1x128xf32>
    %slice3A_151 = vector.extract_strided_slice %mul3A_21 {offsets = [5, 0], sizes = [1, 128], strides = [1, 1]} : vector<64x128xf32> to vector<1x128xf32>
    %concatenate3A_152 = tpu.concatenate %slice3A_142, %slice3A_143, %slice3A_144, %slice3A_145, %slice3A_146, %slice3A_147, %slice3A_148, %slice3A_149, %slice3A_150, %slice3A_151 in 0 : vector<1x128xf32>, vector<1x128xf32>, vector<1x128xf32>, vector<1x128xf32>, vector<1x128xf32>, vector<1x128xf32>, vector<1x128xf32>, vector<1x128xf32>, vector<1x128xf32>, vector<1x128xf32> -> vector<10x128xf32>
    %dot_general3A_153 = arith.constant dense<0.000000e+00> : vector<128x128xf32>
    %dot_general3A_154 = tpu.matmul %concatenate3A_152, %get3A_39, %dot_general3A_153 {dimension_numbers = #tpu.dot_dimension_numbers<[0], [0], [1], [1], [0, 1, 1, 1], [], []>, transpose_lhs_hint = false} : vector<10x128xf32>, vector<10x128xf32>, vector<128x128xf32> -> vector<128x128xf32>
    %add3A_155 = vector.broadcast %get3A_42 : vector<1x128xf32> to vector<128x128xf32>
    %add3A_156 = arith.addf %dot_general3A_154, %add3A_155 : vector<128x128xf32>
    %max3A_157 = arith.constant 0.000000e+00 : f32
    %max3A_158 = vector.broadcast %max3A_157 : f32 to vector<128x128xf32>
    %max3A_159 = arith.maximumf %add3A_156, %max3A_158 : vector<128x128xf32>
    %swap3A_160 = arith.constant 640 : index
    %swap3A_161 = arith.constant 0 : index
    %swap3A_162 = vector.load %arg9[%swap3A_160, %swap3A_161] : memref<8192x128xf32, #tpu.memory_space<vmem>>, vector<128x128xf32>
    tpu.vector_store %arg9[%swap3A_160, %swap3A_161], %max3A_159 {strides = array<i32>} : memref<8192x128xf32, #tpu.memory_space<vmem>>, vector<128x128xf32>,
    %slice3A_163 = vector.extract_strided_slice %get3A_36 {offsets = [6, 0], sizes = [1, 128], strides = [1, 1]} : vector<64x128xf32> to vector<1x128xf32>
    %slice3A_164 = vector.extract_strided_slice %get3A_26 {offsets = [6, 0], sizes = [1, 128], strides = [1, 1]} : vector<64x128xf32> to vector<1x128xf32>
    %slice3A_165 = vector.extract_strided_slice %get3A_31 {offsets = [6, 0], sizes = [1, 128], strides = [1, 1]} : vector<64x128xf32> to vector<1x128xf32>
    %slice3A_166 = vector.extract_strided_slice %get3A_4 {offsets = [6, 0], sizes = [1, 128], strides = [1, 1]} : vector<64x128xf32> to vector<1x128xf32>
    %slice3A_167 = vector.extract_strided_slice %get3A_9 {offsets = [6, 0], sizes = [1, 128], strides = [1, 1]} : vector<64x128xf32> to vector<1x128xf32>
    %slice3A_168 = vector.extract_strided_slice %get3A_14 {offsets = [6, 0], sizes = [1, 128], strides = [1, 1]} : vector<64x128xf32> to vector<1x128xf32>
    %slice3A_169 = vector.extract_strided_slice %get3A_19 {offsets = [6, 0], sizes = [1, 128], strides = [1, 1]} : vector<64x128xf32> to vector<1x128xf32>
    %slice3A_170 = vector.extract_strided_slice %sub3A {offsets = [6, 0], sizes = [1, 128], strides = [1, 1]} : vector<64x128xf32> to vector<1x128xf32>
    %slice3A_171 = vector.extract_strided_slice %sub3A_20 {offsets = [6, 0], sizes = [1, 128], strides = [1, 1]} : vector<64x128xf32> to vector<1x128xf32>
    %slice3A_172 = vector.extract_strided_slice %mul3A_21 {offsets = [6, 0], sizes = [1, 128], strides = [1, 1]} : vector<64x128xf32> to vector<1x128xf32>
    %concatenate3A_173 = tpu.concatenate %slice3A_163, %slice3A_164, %slice3A_165, %slice3A_166, %slice3A_167, %slice3A_168, %slice3A_169, %slice3A_170, %slice3A_171, %slice3A_172 in 0 : vector<1x128xf32>, vector<1x128xf32>, vector<1x128xf32>, vector<1x128xf32>, vector<1x128xf32>, vector<1x128xf32>, vector<1x128xf32>, vector<1x128xf32>, vector<1x128xf32>, vector<1x128xf32> -> vector<10x128xf32>
    %dot_general3A_174 = arith.constant dense<0.000000e+00> : vector<128x128xf32>
    %dot_general3A_175 = tpu.matmul %concatenate3A_173, %get3A_39, %dot_general3A_174 {dimension_numbers = #tpu.dot_dimension_numbers<[0], [0], [1], [1], [0, 1, 1, 1], [], []>, transpose_lhs_hint = false} : vector<10x128xf32>, vector<10x128xf32>, vector<128x128xf32> -> vector<128x128xf32>
    %add3A_176 = vector.broadcast %get3A_42 : vector<1x128xf32> to vector<128x128xf32>
    %add3A_177 = arith.addf %dot_general3A_175, %add3A_176 : vector<128x128xf32>
    %max3A_178 = arith.constant 0.000000e+00 : f32
    %max3A_179 = vector.broadcast %max3A_178 : f32 to vector<128x128xf32>
    %max3A_180 = arith.maximumf %add3A_177, %max3A_179 : vector<128x128xf32>
    %swap3A_181 = arith.constant 768 : index
    %swap3A_182 = arith.constant 0 : index
    %swap3A_183 = vector.load %arg9[%swap3A_181, %swap3A_182] : memref<8192x128xf32, #tpu.memory_space<vmem>>, vector<128x128xf32>
    tpu.vector_store %arg9[%swap3A_181, %swap3A_182], %max3A_180 {strides = array<i32>} : memref<8192x128xf32, #tpu.memory_space<vmem>>, vector<128x128xf32>,
    %slice3A_184 = vector.extract_strided_slice %get3A_36 {offsets = [7, 0], sizes = [1, 128], strides = [1, 1]} : vector<64x128xf32> to vector<1x128xf32>
    %slice3A_185 = vector.extract_strided_slice %get3A_26 {offsets = [7, 0], sizes = [1, 128], strides = [1, 1]} : vector<64x128xf32> to vector<1x128xf32>
    %slice3A_186 = vector.extract_strided_slice %get3A_31 {offsets = [7, 0], sizes = [1, 128], strides = [1, 1]} : vector<64x128xf32> to vector<1x128xf32>
    %slice3A_187 = vector.extract_strided_slice %get3A_4 {offsets = [7, 0], sizes = [1, 128], strides = [1, 1]} : vector<64x128xf32> to vector<1x128xf32>
    %slice3A_188 = vector.extract_strided_slice %get3A_9 {offsets = [7, 0], sizes = [1, 128], strides = [1, 1]} : vector<64x128xf32> to vector<1x128xf32>
    %slice3A_189 = vector.extract_strided_slice %get3A_14 {offsets = [7, 0], sizes = [1, 128], strides = [1, 1]} : vector<64x128xf32> to vector<1x128xf32>
    %slice3A_190 = vector.extract_strided_slice %get3A_19 {offsets = [7, 0], sizes = [1, 128], strides = [1, 1]} : vector<64x128xf32> to vector<1x128xf32>
    %slice3A_191 = vector.extract_strided_slice %sub3A {offsets = [7, 0], sizes = [1, 128], strides = [1, 1]} : vector<64x128xf32> to vector<1x128xf32>
    %slice3A_192 = vector.extract_strided_slice %sub3A_20 {offsets = [7, 0], sizes = [1, 128], strides = [1, 1]} : vector<64x128xf32> to vector<1x128xf32>
    %slice3A_193 = vector.extract_strided_slice %mul3A_21 {offsets = [7, 0], sizes = [1, 128], strides = [1, 1]} : vector<64x128xf32> to vector<1x128xf32>
    %concatenate3A_194 = tpu.concatenate %slice3A_184, %slice3A_185, %slice3A_186, %slice3A_187, %slice3A_188, %slice3A_189, %slice3A_190, %slice3A_191, %slice3A_192, %slice3A_193 in 0 : vector<1x128xf32>, vector<1x128xf32>, vector<1x128xf32>, vector<1x128xf32>, vector<1x128xf32>, vector<1x128xf32>, vector<1x128xf32>, vector<1x128xf32>, vector<1x128xf32>, vector<1x128xf32> -> vector<10x128xf32>
    %dot_general3A_195 = arith.constant dense<0.000000e+00> : vector<128x128xf32>
    %dot_general3A_196 = tpu.matmul %concatenate3A_194, %get3A_39, %dot_general3A_195 {dimension_numbers = #tpu.dot_dimension_numbers<[0], [0], [1], [1], [0, 1, 1, 1], [], []>, transpose_lhs_hint = false} : vector<10x128xf32>, vector<10x128xf32>, vector<128x128xf32> -> vector<128x128xf32>
    %add3A_197 = vector.broadcast %get3A_42 : vector<1x128xf32> to vector<128x128xf32>
    %add3A_198 = arith.addf %dot_general3A_196, %add3A_197 : vector<128x128xf32>
    %max3A_199 = arith.constant 0.000000e+00 : f32
    %max3A_200 = vector.broadcast %max3A_199 : f32 to vector<128x128xf32>
    %max3A_201 = arith.maximumf %add3A_198, %max3A_200 : vector<128x128xf32>
    %swap3A_202 = arith.constant 896 : index
    %swap3A_203 = arith.constant 0 : index
    %swap3A_204 = vector.load %arg9[%swap3A_202, %swap3A_203] : memref<8192x128xf32, #tpu.memory_space<vmem>>, vector<128x128xf32>
    tpu.vector_store %arg9[%swap3A_202, %swap3A_203], %max3A_201 {strides = array<i32>} : memref<8192x128xf32, #tpu.memory_space<vmem>>, vector<128x128xf32>,
    %slice3A_205 = vector.extract_strided_slice %get3A_36 {offsets = [8, 0], sizes = [1, 128], strides = [1, 1]} : vector<64x128xf32> to vector<1x128xf32>
    %slice3A_206 = vector.extract_strided_slice %get3A_26 {offsets = [8, 0], sizes = [1, 128], strides = [1, 1]} : vector<64x128xf32> to vector<1x128xf32>
    %slice3A_207 = vector.extract_strided_slice %get3A_31 {offsets = [8, 0], sizes = [1, 128], strides = [1, 1]} : vector<64x128xf32> to vector<1x128xf32>
    %slice3A_208 = vector.extract_strided_slice %get3A_4 {offsets = [8, 0], sizes = [1, 128], strides = [1, 1]} : vector<64x128xf32> to vector<1x128xf32>
    %slice3A_209 = vector.extract_strided_slice %get3A_9 {offsets = [8, 0], sizes = [1, 128], strides = [1, 1]} : vector<64x128xf32> to vector<1x128xf32>
    %slice3A_210 = vector.extract_strided_slice %get3A_14 {offsets = [8, 0], sizes = [1, 128], strides = [1, 1]} : vector<64x128xf32> to vector<1x128xf32>
    %slice3A_211 = vector.extract_strided_slice %get3A_19 {offsets = [8, 0], sizes = [1, 128], strides = [1, 1]} : vector<64x128xf32> to vector<1x128xf32>
    %slice3A_212 = vector.extract_strided_slice %sub3A {offsets = [8, 0], sizes = [1, 128], strides = [1, 1]} : vector<64x128xf32> to vector<1x128xf32>
    %slice3A_213 = vector.extract_strided_slice %sub3A_20 {offsets = [8, 0], sizes = [1, 128], strides = [1, 1]} : vector<64x128xf32> to vector<1x128xf32>
    %slice3A_214 = vector.extract_strided_slice %mul3A_21 {offsets = [8, 0], sizes = [1, 128], strides = [1, 1]} : vector<64x128xf32> to vector<1x128xf32>
    %concatenate3A_215 = tpu.concatenate %slice3A_205, %slice3A_206, %slice3A_207, %slice3A_208, %slice3A_209, %slice3A_210, %slice3A_211, %slice3A_212, %slice3A_213, %slice3A_214 in 0 : vector<1x128xf32>, vector<1x128xf32>, vector<1x128xf32>, vector<1x128xf32>, vector<1x128xf32>, vector<1x128xf32>, vector<1x128xf32>, vector<1x128xf32>, vector<1x128xf32>, vector<1x128xf32> -> vector<10x128xf32>
    %dot_general3A_216 = arith.constant dense<0.000000e+00> : vector<128x128xf32>
    %dot_general3A_217 = tpu.matmul %concatenate3A_215, %get3A_39, %dot_general3A_216 {dimension_numbers = #tpu.dot_dimension_numbers<[0], [0], [1], [1], [0, 1, 1, 1], [], []>, transpose_lhs_hint = false} : vector<10x128xf32>, vector<10x128xf32>, vector<128x128xf32> -> vector<128x128xf32>
    %add3A_218 = vector.broadcast %get3A_42 : vector<1x128xf32> to vector<128x128xf32>
    %add3A_219 = arith.addf %dot_general3A_217, %add3A_218 : vector<128x128xf32>
    %max3A_220 = arith.constant 0.000000e+00 : f32
    %max3A_221 = vector.broadcast %max3A_220 : f32 to vector<128x128xf32>
    %max3A_222 = arith.maximumf %add3A_219, %max3A_221 : vector<128x128xf32>
    %swap3A_223 = arith.constant 1024 : index
    %swap3A_224 = arith.constant 0 : index
    %swap3A_225 = vector.load %arg9[%swap3A_223, %swap3A_224] : memref<8192x128xf32, #tpu.memory_space<vmem>>, vector<128x128xf32>
    tpu.vector_store %arg9[%swap3A_223, %swap3A_224], %max3A_222 {strides = array<i32>} : memref<8192x128xf32, #tpu.memory_space<vmem>>, vector<128x128xf32>,
    %slice3A_226 = vector.extract_strided_slice %get3A_36 {offsets = [9, 0], sizes = [1, 128], strides = [1, 1]} : vector<64x128xf32> to vector<1x128xf32>
    %slice3A_227 = vector.extract_strided_slice %get3A_26 {offsets = [9, 0], sizes = [1, 128], strides = [1, 1]} : vector<64x128xf32> to vector<1x128xf32>
    %slice3A_228 = vector.extract_strided_slice %get3A_31 {offsets = [9, 0], sizes = [1, 128], strides = [1, 1]} : vector<64x128xf32> to vector<1x128xf32>
    %slice3A_229 = vector.extract_strided_slice %get3A_4 {offsets = [9, 0], sizes = [1, 128], strides = [1, 1]} : vector<64x128xf32> to vector<1x128xf32>
    %slice3A_230 = vector.extract_strided_slice %get3A_9 {offsets = [9, 0], sizes = [1, 128], strides = [1, 1]} : vector<64x128xf32> to vector<1x128xf32>
    %slice3A_231 = vector.extract_strided_slice %get3A_14 {offsets = [9, 0], sizes = [1, 128], strides = [1, 1]} : vector<64x128xf32> to vector<1x128xf32>
    %slice3A_232 = vector.extract_strided_slice %get3A_19 {offsets = [9, 0], sizes = [1, 128], strides = [1, 1]} : vector<64x128xf32> to vector<1x128xf32>
    %slice3A_233 = vector.extract_strided_slice %sub3A {offsets = [9, 0], sizes = [1, 128], strides = [1, 1]} : vector<64x128xf32> to vector<1x128xf32>
    %slice3A_234 = vector.extract_strided_slice %sub3A_20 {offsets = [9, 0], sizes = [1, 128], strides = [1, 1]} : vector<64x128xf32> to vector<1x128xf32>
    %slice3A_235 = vector.extract_strided_slice %mul3A_21 {offsets = [9, 0], sizes = [1, 128], strides = [1, 1]} : vector<64x128xf32> to vector<1x128xf32>
    %concatenate3A_236 = tpu.concatenate %slice3A_226, %slice3A_227, %slice3A_228, %slice3A_229, %slice3A_230, %slice3A_231, %slice3A_232, %slice3A_233, %slice3A_234, %slice3A_235 in 0 : vector<1x128xf32>, vector<1x128xf32>, vector<1x128xf32>, vector<1x128xf32>, vector<1x128xf32>, vector<1x128xf32>, vector<1x128xf32>, vector<1x128xf32>, vector<1x128xf32>, vector<1x128xf32> -> vector<10x128xf32>
    %dot_general3A_237 = arith.constant dense<0.000000e+00> : vector<128x128xf32>
    %dot_general3A_238 = tpu.matmul %concatenate3A_236, %get3A_39, %dot_general3A_237 {dimension_numbers = #tpu.dot_dimension_numbers<[0], [0], [1], [1], [0, 1, 1, 1], [], []>, transpose_lhs_hint = false} : vector<10x128xf32>, vector<10x128xf32>, vector<128x128xf32> -> vector<128x128xf32>
    %add3A_239 = vector.broadcast %get3A_42 : vector<1x128xf32> to vector<128x128xf32>
    %add3A_240 = arith.addf %dot_general3A_238, %add3A_239 : vector<128x128xf32>
    %max3A_241 = arith.constant 0.000000e+00 : f32
    %max3A_242 = vector.broadcast %max3A_241 : f32 to vector<128x128xf32>
    %max3A_243 = arith.maximumf %add3A_240, %max3A_242 : vector<128x128xf32>
    %swap3A_244 = arith.constant 1152 : index
    %swap3A_245 = arith.constant 0 : index
    %swap3A_246 = vector.load %arg9[%swap3A_244, %swap3A_245] : memref<8192x128xf32, #tpu.memory_space<vmem>>, vector<128x128xf32>
    tpu.vector_store %arg9[%swap3A_244, %swap3A_245], %max3A_243 {strides = array<i32>} : memref<8192x128xf32, #tpu.memory_space<vmem>>, vector<128x128xf32>,
    %slice3A_247 = vector.extract_strided_slice %get3A_36 {offsets = [10, 0], sizes = [1, 128], strides = [1, 1]} : vector<64x128xf32> to vector<1x128xf32>
    %slice3A_248 = vector.extract_strided_slice %get3A_26 {offsets = [10, 0], sizes = [1, 128], strides = [1, 1]} : vector<64x128xf32> to vector<1x128xf32>
    %slice3A_249 = vector.extract_strided_slice %get3A_31 {offsets = [10, 0], sizes = [1, 128], strides = [1, 1]} : vector<64x128xf32> to vector<1x128xf32>
    %slice3A_250 = vector.extract_strided_slice %get3A_4 {offsets = [10, 0], sizes = [1, 128], strides = [1, 1]} : vector<64x128xf32> to vector<1x128xf32>
    %slice3A_251 = vector.extract_strided_slice %get3A_9 {offsets = [10, 0], sizes = [1, 128], strides = [1, 1]} : vector<64x128xf32> to vector<1x128xf32>
    %slice3A_252 = vector.extract_strided_slice %get3A_14 {offsets = [10, 0], sizes = [1, 128], strides = [1, 1]} : vector<64x128xf32> to vector<1x128xf32>
    %slice3A_253 = vector.extract_strided_slice %get3A_19 {offsets = [10, 0], sizes = [1, 128], strides = [1, 1]} : vector<64x128xf32> to vector<1x128xf32>
    %slice3A_254 = vector.extract_strided_slice %sub3A {offsets = [10, 0], sizes = [1, 128], strides = [1, 1]} : vector<64x128xf32> to vector<1x128xf32>
    %slice3A_255 = vector.extract_strided_slice %sub3A_20 {offsets = [10, 0], sizes = [1, 128], strides = [1, 1]} : vector<64x128xf32> to vector<1x128xf32>
    %slice3A_256 = vector.extract_strided_slice %mul3A_21 {offsets = [10, 0], sizes = [1, 128], strides = [1, 1]} : vector<64x128xf32> to vector<1x128xf32>
    %concatenate3A_257 = tpu.concatenate %slice3A_247, %slice3A_248, %slice3A_249, %slice3A_250, %slice3A_251, %slice3A_252, %slice3A_253, %slice3A_254, %slice3A_255, %slice3A_256 in 0 : vector<1x128xf32>, vector<1x128xf32>, vector<1x128xf32>, vector<1x128xf32>, vector<1x128xf32>, vector<1x128xf32>, vector<1x128xf32>, vector<1x128xf32>, vector<1x128xf32>, vector<1x128xf32> -> vector<10x128xf32>
    %dot_general3A_258 = arith.constant dense<0.000000e+00> : vector<128x128xf32>
    %dot_general3A_259 = tpu.matmul %concatenate3A_257, %get3A_39, %dot_general3A_258 {dimension_numbers = #tpu.dot_dimension_numbers<[0], [0], [1], [1], [0, 1, 1, 1], [], []>, transpose_lhs_hint = false} : vector<10x128xf32>, vector<10x128xf32>, vector<128x128xf32> -> vector<128x128xf32>
    %add3A_260 = vector.broadcast %get3A_42 : vector<1x128xf32> to vector<128x128xf32>
    %add3A_261 = arith.addf %dot_general3A_259, %add3A_260 : vector<128x128xf32>
    %max3A_262 = arith.constant 0.000000e+00 : f32
    %max3A_263 = vector.broadcast %max3A_262 : f32 to vector<128x128xf32>
    %max3A_264 = arith.maximumf %add3A_261, %max3A_263 : vector<128x128xf32>
    %swap3A_265 = arith.constant 1280 : index
    %swap3A_266 = arith.constant 0 : index
    %swap3A_267 = vector.load %arg9[%swap3A_265, %swap3A_266] : memref<8192x128xf32, #tpu.memory_space<vmem>>, vector<128x128xf32>
    tpu.vector_store %arg9[%swap3A_265, %swap3A_266], %max3A_264 {strides = array<i32>} : memref<8192x128xf32, #tpu.memory_space<vmem>>, vector<128x128xf32>,
    %slice3A_268 = vector.extract_strided_slice %get3A_36 {offsets = [11, 0], sizes = [1, 128], strides = [1, 1]} : vector<64x128xf32> to vector<1x128xf32>
    %slice3A_269 = vector.extract_strided_slice %get3A_26 {offsets = [11, 0], sizes = [1, 128], strides = [1, 1]} : vector<64x128xf32> to vector<1x128xf32>
    %slice3A_270 = vector.extract_strided_slice %get3A_31 {offsets = [11, 0], sizes = [1, 128], strides = [1, 1]} : vector<64x128xf32> to vector<1x128xf32>
    %slice3A_271 = vector.extract_strided_slice %get3A_4 {offsets = [11, 0], sizes = [1, 128], strides = [1, 1]} : vector<64x128xf32> to vector<1x128xf32>
    %slice3A_272 = vector.extract_strided_slice %get3A_9 {offsets = [11, 0], sizes = [1, 128], strides = [1, 1]} : vector<64x128xf32> to vector<1x128xf32>
    %slice3A_273 = vector.extract_strided_slice %get3A_14 {offsets = [11, 0], sizes = [1, 128], strides = [1, 1]} : vector<64x128xf32> to vector<1x128xf32>
    %slice3A_274 = vector.extract_strided_slice %get3A_19 {offsets = [11, 0], sizes = [1, 128], strides = [1, 1]} : vector<64x128xf32> to vector<1x128xf32>
    %slice3A_275 = vector.extract_strided_slice %sub3A {offsets = [11, 0], sizes = [1, 128], strides = [1, 1]} : vector<64x128xf32> to vector<1x128xf32>
    %slice3A_276 = vector.extract_strided_slice %sub3A_20 {offsets = [11, 0], sizes = [1, 128], strides = [1, 1]} : vector<64x128xf32> to vector<1x128xf32>
    %slice3A_277 = vector.extract_strided_slice %mul3A_21 {offsets = [11, 0], sizes = [1, 128], strides = [1, 1]} : vector<64x128xf32> to vector<1x128xf32>
    %concatenate3A_278 = tpu.concatenate %slice3A_268, %slice3A_269, %slice3A_270, %slice3A_271, %slice3A_272, %slice3A_273, %slice3A_274, %slice3A_275, %slice3A_276, %slice3A_277 in 0 : vector<1x128xf32>, vector<1x128xf32>, vector<1x128xf32>, vector<1x128xf32>, vector<1x128xf32>, vector<1x128xf32>, vector<1x128xf32>, vector<1x128xf32>, vector<1x128xf32>, vector<1x128xf32> -> vector<10x128xf32>
    %dot_general3A_279 = arith.constant dense<0.000000e+00> : vector<128x128xf32>
    %dot_general3A_280 = tpu.matmul %concatenate3A_278, %get3A_39, %dot_general3A_279 {dimension_numbers = #tpu.dot_dimension_numbers<[0], [0], [1], [1], [0, 1, 1, 1], [], []>, transpose_lhs_hint = false} : vector<10x128xf32>, vector<10x128xf32>, vector<128x128xf32> -> vector<128x128xf32>
    %add3A_281 = vector.broadcast %get3A_42 : vector<1x128xf32> to vector<128x128xf32>
    %add3A_282 = arith.addf %dot_general3A_280, %add3A_281 : vector<128x128xf32>
    %max3A_283 = arith.constant 0.000000e+00 : f32
    %max3A_284 = vector.broadcast %max3A_283 : f32 to vector<128x128xf32>
    %max3A_285 = arith.maximumf %add3A_282, %max3A_284 : vector<128x128xf32>
    %swap3A_286 = arith.constant 1408 : index
    %swap3A_287 = arith.constant 0 : index
    %swap3A_288 = vector.load %arg9[%swap3A_286, %swap3A_287] : memref<8192x128xf32, #tpu.memory_space<vmem>>, vector<128x128xf32>
    tpu.vector_store %arg9[%swap3A_286, %swap3A_287], %max3A_285 {strides = array<i32>} : memref<8192x128xf32, #tpu.memory_space<vmem>>, vector<128x128xf32>,
    %slice3A_289 = vector.extract_strided_slice %get3A_36 {offsets = [12, 0], sizes = [1, 128], strides = [1, 1]} : vector<64x128xf32> to vector<1x128xf32>
    %slice3A_290 = vector.extract_strided_slice %get3A_26 {offsets = [12, 0], sizes = [1, 128], strides = [1, 1]} : vector<64x128xf32> to vector<1x128xf32>
    %slice3A_291 = vector.extract_strided_slice %get3A_31 {offsets = [12, 0], sizes = [1, 128], strides = [1, 1]} : vector<64x128xf32> to vector<1x128xf32>
    %slice3A_292 = vector.extract_strided_slice %get3A_4 {offsets = [12, 0], sizes = [1, 128], strides = [1, 1]} : vector<64x128xf32> to vector<1x128xf32>
    %slice3A_293 = vector.extract_strided_slice %get3A_9 {offsets = [12, 0], sizes = [1, 128], strides = [1, 1]} : vector<64x128xf32> to vector<1x128xf32>
    %slice3A_294 = vector.extract_strided_slice %get3A_14 {offsets = [12, 0], sizes = [1, 128], strides = [1, 1]} : vector<64x128xf32> to vector<1x128xf32>
    %slice3A_295 = vector.extract_strided_slice %get3A_19 {offsets = [12, 0], sizes = [1, 128], strides = [1, 1]} : vector<64x128xf32> to vector<1x128xf32>
    %slice3A_296 = vector.extract_strided_slice %sub3A {offsets = [12, 0], sizes = [1, 128], strides = [1, 1]} : vector<64x128xf32> to vector<1x128xf32>
    %slice3A_297 = vector.extract_strided_slice %sub3A_20 {offsets = [12, 0], sizes = [1, 128], strides = [1, 1]} : vector<64x128xf32> to vector<1x128xf32>
    %slice3A_298 = vector.extract_strided_slice %mul3A_21 {offsets = [12, 0], sizes = [1, 128], strides = [1, 1]} : vector<64x128xf32> to vector<1x128xf32>
    %concatenate3A_299 = tpu.concatenate %slice3A_289, %slice3A_290, %slice3A_291, %slice3A_292, %slice3A_293, %slice3A_294, %slice3A_295, %slice3A_296, %slice3A_297, %slice3A_298 in 0 : vector<1x128xf32>, vector<1x128xf32>, vector<1x128xf32>, vector<1x128xf32>, vector<1x128xf32>, vector<1x128xf32>, vector<1x128xf32>, vector<1x128xf32>, vector<1x128xf32>, vector<1x128xf32> -> vector<10x128xf32>
    %dot_general3A_300 = arith.constant dense<0.000000e+00> : vector<128x128xf32>
    %dot_general3A_301 = tpu.matmul %concatenate3A_299, %get3A_39, %dot_general3A_300 {dimension_numbers = #tpu.dot_dimension_numbers<[0], [0], [1], [1], [0, 1, 1, 1], [], []>, transpose_lhs_hint = false} : vector<10x128xf32>, vector<10x128xf32>, vector<128x128xf32> -> vector<128x128xf32>
    %add3A_302 = vector.broadcast %get3A_42 : vector<1x128xf32> to vector<128x128xf32>
    %add3A_303 = arith.addf %dot_general3A_301, %add3A_302 : vector<128x128xf32>
    %max3A_304 = arith.constant 0.000000e+00 : f32
    %max3A_305 = vector.broadcast %max3A_304 : f32 to vector<128x128xf32>
    %max3A_306 = arith.maximumf %add3A_303, %max3A_305 : vector<128x128xf32>
    %swap3A_307 = arith.constant 1536 : index
    %swap3A_308 = arith.constant 0 : index
    %swap3A_309 = vector.load %arg9[%swap3A_307, %swap3A_308] : memref<8192x128xf32, #tpu.memory_space<vmem>>, vector<128x128xf32>
    tpu.vector_store %arg9[%swap3A_307, %swap3A_308], %max3A_306 {strides = array<i32>} : memref<8192x128xf32, #tpu.memory_space<vmem>>, vector<128x128xf32>,
    %slice3A_310 = vector.extract_strided_slice %get3A_36 {offsets = [13, 0], sizes = [1, 128], strides = [1, 1]} : vector<64x128xf32> to vector<1x128xf32>
    %slice3A_311 = vector.extract_strided_slice %get3A_26 {offsets = [13, 0], sizes = [1, 128], strides = [1, 1]} : vector<64x128xf32> to vector<1x128xf32>
    %slice3A_312 = vector.extract_strided_slice %get3A_31 {offsets = [13, 0], sizes = [1, 128], strides = [1, 1]} : vector<64x128xf32> to vector<1x128xf32>
    %slice3A_313 = vector.extract_strided_slice %get3A_4 {offsets = [13, 0], sizes = [1, 128], strides = [1, 1]} : vector<64x128xf32> to vector<1x128xf32>
    %slice3A_314 = vector.extract_strided_slice %get3A_9 {offsets = [13, 0], sizes = [1, 128], strides = [1, 1]} : vector<64x128xf32> to vector<1x128xf32>
    %slice3A_315 = vector.extract_strided_slice %get3A_14 {offsets = [13, 0], sizes = [1, 128], strides = [1, 1]} : vector<64x128xf32> to vector<1x128xf32>
    %slice3A_316 = vector.extract_strided_slice %get3A_19 {offsets = [13, 0], sizes = [1, 128], strides = [1, 1]} : vector<64x128xf32> to vector<1x128xf32>
    %slice3A_317 = vector.extract_strided_slice %sub3A {offsets = [13, 0], sizes = [1, 128], strides = [1, 1]} : vector<64x128xf32> to vector<1x128xf32>
    %slice3A_318 = vector.extract_strided_slice %sub3A_20 {offsets = [13, 0], sizes = [1, 128], strides = [1, 1]} : vector<64x128xf32> to vector<1x128xf32>
    %slice3A_319 = vector.extract_strided_slice %mul3A_21 {offsets = [13, 0], sizes = [1, 128], strides = [1, 1]} : vector<64x128xf32> to vector<1x128xf32>
    %concatenate3A_320 = tpu.concatenate %slice3A_310, %slice3A_311, %slice3A_312, %slice3A_313, %slice3A_314, %slice3A_315, %slice3A_316, %slice3A_317, %slice3A_318, %slice3A_319 in 0 : vector<1x128xf32>, vector<1x128xf32>, vector<1x128xf32>, vector<1x128xf32>, vector<1x128xf32>, vector<1x128xf32>, vector<1x128xf32>, vector<1x128xf32>, vector<1x128xf32>, vector<1x128xf32> -> vector<10x128xf32>
    %dot_general3A_321 = arith.constant dense<0.000000e+00> : vector<128x128xf32>
    %dot_general3A_322 = tpu.matmul %concatenate3A_320, %get3A_39, %dot_general3A_321 {dimension_numbers = #tpu.dot_dimension_numbers<[0], [0], [1], [1], [0, 1, 1, 1], [], []>, transpose_lhs_hint = false} : vector<10x128xf32>, vector<10x128xf32>, vector<128x128xf32> -> vector<128x128xf32>
    %add3A_323 = vector.broadcast %get3A_42 : vector<1x128xf32> to vector<128x128xf32>
    %add3A_324 = arith.addf %dot_general3A_322, %add3A_323 : vector<128x128xf32>
    %max3A_325 = arith.constant 0.000000e+00 : f32
    %max3A_326 = vector.broadcast %max3A_325 : f32 to vector<128x128xf32>
    %max3A_327 = arith.maximumf %add3A_324, %max3A_326 : vector<128x128xf32>
    %swap3A_328 = arith.constant 1664 : index
    %swap3A_329 = arith.constant 0 : index
    %swap3A_330 = vector.load %arg9[%swap3A_328, %swap3A_329] : memref<8192x128xf32, #tpu.memory_space<vmem>>, vector<128x128xf32>
    tpu.vector_store %arg9[%swap3A_328, %swap3A_329], %max3A_327 {strides = array<i32>} : memref<8192x128xf32, #tpu.memory_space<vmem>>, vector<128x128xf32>,
    %slice3A_331 = vector.extract_strided_slice %get3A_36 {offsets = [14, 0], sizes = [1, 128], strides = [1, 1]} : vector<64x128xf32> to vector<1x128xf32>
    %slice3A_332 = vector.extract_strided_slice %get3A_26 {offsets = [14, 0], sizes = [1, 128], strides = [1, 1]} : vector<64x128xf32> to vector<1x128xf32>
    %slice3A_333 = vector.extract_strided_slice %get3A_31 {offsets = [14, 0], sizes = [1, 128], strides = [1, 1]} : vector<64x128xf32> to vector<1x128xf32>
    %slice3A_334 = vector.extract_strided_slice %get3A_4 {offsets = [14, 0], sizes = [1, 128], strides = [1, 1]} : vector<64x128xf32> to vector<1x128xf32>
    %slice3A_335 = vector.extract_strided_slice %get3A_9 {offsets = [14, 0], sizes = [1, 128], strides = [1, 1]} : vector<64x128xf32> to vector<1x128xf32>
    %slice3A_336 = vector.extract_strided_slice %get3A_14 {offsets = [14, 0], sizes = [1, 128], strides = [1, 1]} : vector<64x128xf32> to vector<1x128xf32>
    %slice3A_337 = vector.extract_strided_slice %get3A_19 {offsets = [14, 0], sizes = [1, 128], strides = [1, 1]} : vector<64x128xf32> to vector<1x128xf32>
    %slice3A_338 = vector.extract_strided_slice %sub3A {offsets = [14, 0], sizes = [1, 128], strides = [1, 1]} : vector<64x128xf32> to vector<1x128xf32>
    %slice3A_339 = vector.extract_strided_slice %sub3A_20 {offsets = [14, 0], sizes = [1, 128], strides = [1, 1]} : vector<64x128xf32> to vector<1x128xf32>
    %slice3A_340 = vector.extract_strided_slice %mul3A_21 {offsets = [14, 0], sizes = [1, 128], strides = [1, 1]} : vector<64x128xf32> to vector<1x128xf32>
    %concatenate3A_341 = tpu.concatenate %slice3A_331, %slice3A_332, %slice3A_333, %slice3A_334, %slice3A_335, %slice3A_336, %slice3A_337, %slice3A_338, %slice3A_339, %slice3A_340 in 0 : vector<1x128xf32>, vector<1x128xf32>, vector<1x128xf32>, vector<1x128xf32>, vector<1x128xf32>, vector<1x128xf32>, vector<1x128xf32>, vector<1x128xf32>, vector<1x128xf32>, vector<1x128xf32> -> vector<10x128xf32>
    %dot_general3A_342 = arith.constant dense<0.000000e+00> : vector<128x128xf32>
    %dot_general3A_343 = tpu.matmul %concatenate3A_341, %get3A_39, %dot_general3A_342 {dimension_numbers = #tpu.dot_dimension_numbers<[0], [0], [1], [1], [0, 1, 1, 1], [], []>, transpose_lhs_hint = false} : vector<10x128xf32>, vector<10x128xf32>, vector<128x128xf32> -> vector<128x128xf32>
    %add3A_344 = vector.broadcast %get3A_42 : vector<1x128xf32> to vector<128x128xf32>
    %add3A_345 = arith.addf %dot_general3A_343, %add3A_344 : vector<128x128xf32>
    %max3A_346 = arith.constant 0.000000e+00 : f32
    %max3A_347 = vector.broadcast %max3A_346 : f32 to vector<128x128xf32>
    %max3A_348 = arith.maximumf %add3A_345, %max3A_347 : vector<128x128xf32>
    %swap3A_349 = arith.constant 1792 : index
    %swap3A_350 = arith.constant 0 : index
    %swap3A_351 = vector.load %arg9[%swap3A_349, %swap3A_350] : memref<8192x128xf32, #tpu.memory_space<vmem>>, vector<128x128xf32>
    tpu.vector_store %arg9[%swap3A_349, %swap3A_350], %max3A_348 {strides = array<i32>} : memref<8192x128xf32, #tpu.memory_space<vmem>>, vector<128x128xf32>,
    %slice3A_352 = vector.extract_strided_slice %get3A_36 {offsets = [15, 0], sizes = [1, 128], strides = [1, 1]} : vector<64x128xf32> to vector<1x128xf32>
    %slice3A_353 = vector.extract_strided_slice %get3A_26 {offsets = [15, 0], sizes = [1, 128], strides = [1, 1]} : vector<64x128xf32> to vector<1x128xf32>
    %slice3A_354 = vector.extract_strided_slice %get3A_31 {offsets = [15, 0], sizes = [1, 128], strides = [1, 1]} : vector<64x128xf32> to vector<1x128xf32>
    %slice3A_355 = vector.extract_strided_slice %get3A_4 {offsets = [15, 0], sizes = [1, 128], strides = [1, 1]} : vector<64x128xf32> to vector<1x128xf32>
    %slice3A_356 = vector.extract_strided_slice %get3A_9 {offsets = [15, 0], sizes = [1, 128], strides = [1, 1]} : vector<64x128xf32> to vector<1x128xf32>
    %slice3A_357 = vector.extract_strided_slice %get3A_14 {offsets = [15, 0], sizes = [1, 128], strides = [1, 1]} : vector<64x128xf32> to vector<1x128xf32>
    %slice3A_358 = vector.extract_strided_slice %get3A_19 {offsets = [15, 0], sizes = [1, 128], strides = [1, 1]} : vector<64x128xf32> to vector<1x128xf32>
    %slice3A_359 = vector.extract_strided_slice %sub3A {offsets = [15, 0], sizes = [1, 128], strides = [1, 1]} : vector<64x128xf32> to vector<1x128xf32>
    %slice3A_360 = vector.extract_strided_slice %sub3A_20 {offsets = [15, 0], sizes = [1, 128], strides = [1, 1]} : vector<64x128xf32> to vector<1x128xf32>
    %slice3A_361 = vector.extract_strided_slice %mul3A_21 {offsets = [15, 0], sizes = [1, 128], strides = [1, 1]} : vector<64x128xf32> to vector<1x128xf32>
    %concatenate3A_362 = tpu.concatenate %slice3A_352, %slice3A_353, %slice3A_354, %slice3A_355, %slice3A_356, %slice3A_357, %slice3A_358, %slice3A_359, %slice3A_360, %slice3A_361 in 0 : vector<1x128xf32>, vector<1x128xf32>, vector<1x128xf32>, vector<1x128xf32>, vector<1x128xf32>, vector<1x128xf32>, vector<1x128xf32>, vector<1x128xf32>, vector<1x128xf32>, vector<1x128xf32> -> vector<10x128xf32>
    %dot_general3A_363 = arith.constant dense<0.000000e+00> : vector<128x128xf32>
    %dot_general3A_364 = tpu.matmul %concatenate3A_362, %get3A_39, %dot_general3A_363 {dimension_numbers = #tpu.dot_dimension_numbers<[0], [0], [1], [1], [0, 1, 1, 1], [], []>, transpose_lhs_hint = false} : vector<10x128xf32>, vector<10x128xf32>, vector<128x128xf32> -> vector<128x128xf32>
    %add3A_365 = vector.broadcast %get3A_42 : vector<1x128xf32> to vector<128x128xf32>
    %add3A_366 = arith.addf %dot_general3A_364, %add3A_365 : vector<128x128xf32>
    %max3A_367 = arith.constant 0.000000e+00 : f32
    %max3A_368 = vector.broadcast %max3A_367 : f32 to vector<128x128xf32>
    %max3A_369 = arith.maximumf %add3A_366, %max3A_368 : vector<128x128xf32>
    %swap3A_370 = arith.constant 1920 : index
    %swap3A_371 = arith.constant 0 : index
    %swap3A_372 = vector.load %arg9[%swap3A_370, %swap3A_371] : memref<8192x128xf32, #tpu.memory_space<vmem>>, vector<128x128xf32>
    tpu.vector_store %arg9[%swap3A_370, %swap3A_371], %max3A_369 {strides = array<i32>} : memref<8192x128xf32, #tpu.memory_space<vmem>>, vector<128x128xf32>,
    %slice3A_373 = vector.extract_strided_slice %get3A_36 {offsets = [16, 0], sizes = [1, 128], strides = [1, 1]} : vector<64x128xf32> to vector<1x128xf32>
    %slice3A_374 = vector.extract_strided_slice %get3A_26 {offsets = [16, 0], sizes = [1, 128], strides = [1, 1]} : vector<64x128xf32> to vector<1x128xf32>
    %slice3A_375 = vector.extract_strided_slice %get3A_31 {offsets = [16, 0], sizes = [1, 128], strides = [1, 1]} : vector<64x128xf32> to vector<1x128xf32>
    %slice3A_376 = vector.extract_strided_slice %get3A_4 {offsets = [16, 0], sizes = [1, 128], strides = [1, 1]} : vector<64x128xf32> to vector<1x128xf32>
    %slice3A_377 = vector.extract_strided_slice %get3A_9 {offsets = [16, 0], sizes = [1, 128], strides = [1, 1]} : vector<64x128xf32> to vector<1x128xf32>
    %slice3A_378 = vector.extract_strided_slice %get3A_14 {offsets = [16, 0], sizes = [1, 128], strides = [1, 1]} : vector<64x128xf32> to vector<1x128xf32>
    %slice3A_379 = vector.extract_strided_slice %get3A_19 {offsets = [16, 0], sizes = [1, 128], strides = [1, 1]} : vector<64x128xf32> to vector<1x128xf32>
    %slice3A_380 = vector.extract_strided_slice %sub3A {offsets = [16, 0], sizes = [1, 128], strides = [1, 1]} : vector<64x128xf32> to vector<1x128xf32>
    %slice3A_381 = vector.extract_strided_slice %sub3A_20 {offsets = [16, 0], sizes = [1, 128], strides = [1, 1]} : vector<64x128xf32> to vector<1x128xf32>
    %slice3A_382 = vector.extract_strided_slice %mul3A_21 {offsets = [16, 0], sizes = [1, 128], strides = [1, 1]} : vector<64x128xf32> to vector<1x128xf32>
    %concatenate3A_383 = tpu.concatenate %slice3A_373, %slice3A_374, %slice3A_375, %slice3A_376, %slice3A_377, %slice3A_378, %slice3A_379, %slice3A_380, %slice3A_381, %slice3A_382 in 0 : vector<1x128xf32>, vector<1x128xf32>, vector<1x128xf32>, vector<1x128xf32>, vector<1x128xf32>, vector<1x128xf32>, vector<1x128xf32>, vector<1x128xf32>, vector<1x128xf32>, vector<1x128xf32> -> vector<10x128xf32>
    %dot_general3A_384 = arith.constant dense<0.000000e+00> : vector<128x128xf32>
    %dot_general3A_385 = tpu.matmul %concatenate3A_383, %get3A_39, %dot_general3A_384 {dimension_numbers = #tpu.dot_dimension_numbers<[0], [0], [1], [1], [0, 1, 1, 1], [], []>, transpose_lhs_hint = false} : vector<10x128xf32>, vector<10x128xf32>, vector<128x128xf32> -> vector<128x128xf32>
    %add3A_386 = vector.broadcast %get3A_42 : vector<1x128xf32> to vector<128x128xf32>
    %add3A_387 = arith.addf %dot_general3A_385, %add3A_386 : vector<128x128xf32>
    %max3A_388 = arith.constant 0.000000e+00 : f32
    %max3A_389 = vector.broadcast %max3A_388 : f32 to vector<128x128xf32>
    %max3A_390 = arith.maximumf %add3A_387, %max3A_389 : vector<128x128xf32>
    %swap3A_391 = arith.constant 2048 : index
    %swap3A_392 = arith.constant 0 : index
    %swap3A_393 = vector.load %arg9[%swap3A_391, %swap3A_392] : memref<8192x128xf32, #tpu.memory_space<vmem>>, vector<128x128xf32>
    tpu.vector_store %arg9[%swap3A_391, %swap3A_392], %max3A_390 {strides = array<i32>} : memref<8192x128xf32, #tpu.memory_space<vmem>>, vector<128x128xf32>,
    %slice3A_394 = vector.extract_strided_slice %get3A_36 {offsets = [17, 0], sizes = [1, 128], strides = [1, 1]} : vector<64x128xf32> to vector<1x128xf32>
    %slice3A_395 = vector.extract_strided_slice %get3A_26 {offsets = [17, 0], sizes = [1, 128], strides = [1, 1]} : vector<64x128xf32> to vector<1x128xf32>
    %slice3A_396 = vector.extract_strided_slice %get3A_31 {offsets = [17, 0], sizes = [1, 128], strides = [1, 1]} : vector<64x128xf32> to vector<1x128xf32>
    %slice3A_397 = vector.extract_strided_slice %get3A_4 {offsets = [17, 0], sizes = [1, 128], strides = [1, 1]} : vector<64x128xf32> to vector<1x128xf32>
    %slice3A_398 = vector.extract_strided_slice %get3A_9 {offsets = [17, 0], sizes = [1, 128], strides = [1, 1]} : vector<64x128xf32> to vector<1x128xf32>
    %slice3A_399 = vector.extract_strided_slice %get3A_14 {offsets = [17, 0], sizes = [1, 128], strides = [1, 1]} : vector<64x128xf32> to vector<1x128xf32>
    %slice3A_400 = vector.extract_strided_slice %get3A_19 {offsets = [17, 0], sizes = [1, 128], strides = [1, 1]} : vector<64x128xf32> to vector<1x128xf32>
    %slice3A_401 = vector.extract_strided_slice %sub3A {offsets = [17, 0], sizes = [1, 128], strides = [1, 1]} : vector<64x128xf32> to vector<1x128xf32>
    %slice3A_402 = vector.extract_strided_slice %sub3A_20 {offsets = [17, 0], sizes = [1, 128], strides = [1, 1]} : vector<64x128xf32> to vector<1x128xf32>
    %slice3A_403 = vector.extract_strided_slice %mul3A_21 {offsets = [17, 0], sizes = [1, 128], strides = [1, 1]} : vector<64x128xf32> to vector<1x128xf32>
    %concatenate3A_404 = tpu.concatenate %slice3A_394, %slice3A_395, %slice3A_396, %slice3A_397, %slice3A_398, %slice3A_399, %slice3A_400, %slice3A_401, %slice3A_402, %slice3A_403 in 0 : vector<1x128xf32>, vector<1x128xf32>, vector<1x128xf32>, vector<1x128xf32>, vector<1x128xf32>, vector<1x128xf32>, vector<1x128xf32>, vector<1x128xf32>, vector<1x128xf32>, vector<1x128xf32> -> vector<10x128xf32>
    %dot_general3A_405 = arith.constant dense<0.000000e+00> : vector<128x128xf32>
    %dot_general3A_406 = tpu.matmul %concatenate3A_404, %get3A_39, %dot_general3A_405 {dimension_numbers = #tpu.dot_dimension_numbers<[0], [0], [1], [1], [0, 1, 1, 1], [], []>, transpose_lhs_hint = false} : vector<10x128xf32>, vector<10x128xf32>, vector<128x128xf32> -> vector<128x128xf32>
    %add3A_407 = vector.broadcast %get3A_42 : vector<1x128xf32> to vector<128x128xf32>
    %add3A_408 = arith.addf %dot_general3A_406, %add3A_407 : vector<128x128xf32>
    %max3A_409 = arith.constant 0.000000e+00 : f32
    %max3A_410 = vector.broadcast %max3A_409 : f32 to vector<128x128xf32>
    %max3A_411 = arith.maximumf %add3A_408, %max3A_410 : vector<128x128xf32>
    %swap3A_412 = arith.constant 2176 : index
    %swap3A_413 = arith.constant 0 : index
    %swap3A_414 = vector.load %arg9[%swap3A_412, %swap3A_413] : memref<8192x128xf32, #tpu.memory_space<vmem>>, vector<128x128xf32>
    tpu.vector_store %arg9[%swap3A_412, %swap3A_413], %max3A_411 {strides = array<i32>} : memref<8192x128xf32, #tpu.memory_space<vmem>>, vector<128x128xf32>,
    %slice3A_415 = vector.extract_strided_slice %get3A_36 {offsets = [18, 0], sizes = [1, 128], strides = [1, 1]} : vector<64x128xf32> to vector<1x128xf32>
    %slice3A_416 = vector.extract_strided_slice %get3A_26 {offsets = [18, 0], sizes = [1, 128], strides = [1, 1]} : vector<64x128xf32> to vector<1x128xf32>
    %slice3A_417 = vector.extract_strided_slice %get3A_31 {offsets = [18, 0], sizes = [1, 128], strides = [1, 1]} : vector<64x128xf32> to vector<1x128xf32>
    %slice3A_418 = vector.extract_strided_slice %get3A_4 {offsets = [18, 0], sizes = [1, 128], strides = [1, 1]} : vector<64x128xf32> to vector<1x128xf32>
    %slice3A_419 = vector.extract_strided_slice %get3A_9 {offsets = [18, 0], sizes = [1, 128], strides = [1, 1]} : vector<64x128xf32> to vector<1x128xf32>
    %slice3A_420 = vector.extract_strided_slice %get3A_14 {offsets = [18, 0], sizes = [1, 128], strides = [1, 1]} : vector<64x128xf32> to vector<1x128xf32>
    %slice3A_421 = vector.extract_strided_slice %get3A_19 {offsets = [18, 0], sizes = [1, 128], strides = [1, 1]} : vector<64x128xf32> to vector<1x128xf32>
    %slice3A_422 = vector.extract_strided_slice %sub3A {offsets = [18, 0], sizes = [1, 128], strides = [1, 1]} : vector<64x128xf32> to vector<1x128xf32>
    %slice3A_423 = vector.extract_strided_slice %sub3A_20 {offsets = [18, 0], sizes = [1, 128], strides = [1, 1]} : vector<64x128xf32> to vector<1x128xf32>
    %slice3A_424 = vector.extract_strided_slice %mul3A_21 {offsets = [18, 0], sizes = [1, 128], strides = [1, 1]} : vector<64x128xf32> to vector<1x128xf32>
    %concatenate3A_425 = tpu.concatenate %slice3A_415, %slice3A_416, %slice3A_417, %slice3A_418, %slice3A_419, %slice3A_420, %slice3A_421, %slice3A_422, %slice3A_423, %slice3A_424 in 0 : vector<1x128xf32>, vector<1x128xf32>, vector<1x128xf32>, vector<1x128xf32>, vector<1x128xf32>, vector<1x128xf32>, vector<1x128xf32>, vector<1x128xf32>, vector<1x128xf32>, vector<1x128xf32> -> vector<10x128xf32>
    %dot_general3A_426 = arith.constant dense<0.000000e+00> : vector<128x128xf32>
    %dot_general3A_427 = tpu.matmul %concatenate3A_425, %get3A_39, %dot_general3A_426 {dimension_numbers = #tpu.dot_dimension_numbers<[0], [0], [1], [1], [0, 1, 1, 1], [], []>, transpose_lhs_hint = false} : vector<10x128xf32>, vector<10x128xf32>, vector<128x128xf32> -> vector<128x128xf32>
    %add3A_428 = vector.broadcast %get3A_42 : vector<1x128xf32> to vector<128x128xf32>
    %add3A_429 = arith.addf %dot_general3A_427, %add3A_428 : vector<128x128xf32>
    %max3A_430 = arith.constant 0.000000e+00 : f32
    %max3A_431 = vector.broadcast %max3A_430 : f32 to vector<128x128xf32>
    %max3A_432 = arith.maximumf %add3A_429, %max3A_431 : vector<128x128xf32>
    %swap3A_433 = arith.constant 2304 : index
    %swap3A_434 = arith.constant 0 : index
    %swap3A_435 = vector.load %arg9[%swap3A_433, %swap3A_434] : memref<8192x128xf32, #tpu.memory_space<vmem>>, vector<128x128xf32>
    tpu.vector_store %arg9[%swap3A_433, %swap3A_434], %max3A_432 {strides = array<i32>} : memref<8192x128xf32, #tpu.memory_space<vmem>>, vector<128x128xf32>,
    %slice3A_436 = vector.extract_strided_slice %get3A_36 {offsets = [19, 0], sizes = [1, 128], strides = [1, 1]} : vector<64x128xf32> to vector<1x128xf32>
    %slice3A_437 = vector.extract_strided_slice %get3A_26 {offsets = [19, 0], sizes = [1, 128], strides = [1, 1]} : vector<64x128xf32> to vector<1x128xf32>
    %slice3A_438 = vector.extract_strided_slice %get3A_31 {offsets = [19, 0], sizes = [1, 128], strides = [1, 1]} : vector<64x128xf32> to vector<1x128xf32>
    %slice3A_439 = vector.extract_strided_slice %get3A_4 {offsets = [19, 0], sizes = [1, 128], strides = [1, 1]} : vector<64x128xf32> to vector<1x128xf32>
    %slice3A_440 = vector.extract_strided_slice %get3A_9 {offsets = [19, 0], sizes = [1, 128], strides = [1, 1]} : vector<64x128xf32> to vector<1x128xf32>
    %slice3A_441 = vector.extract_strided_slice %get3A_14 {offsets = [19, 0], sizes = [1, 128], strides = [1, 1]} : vector<64x128xf32> to vector<1x128xf32>
    %slice3A_442 = vector.extract_strided_slice %get3A_19 {offsets = [19, 0], sizes = [1, 128], strides = [1, 1]} : vector<64x128xf32> to vector<1x128xf32>
    %slice3A_443 = vector.extract_strided_slice %sub3A {offsets = [19, 0], sizes = [1, 128], strides = [1, 1]} : vector<64x128xf32> to vector<1x128xf32>
    %slice3A_444 = vector.extract_strided_slice %sub3A_20 {offsets = [19, 0], sizes = [1, 128], strides = [1, 1]} : vector<64x128xf32> to vector<1x128xf32>
    %slice3A_445 = vector.extract_strided_slice %mul3A_21 {offsets = [19, 0], sizes = [1, 128], strides = [1, 1]} : vector<64x128xf32> to vector<1x128xf32>
    %concatenate3A_446 = tpu.concatenate %slice3A_436, %slice3A_437, %slice3A_438, %slice3A_439, %slice3A_440, %slice3A_441, %slice3A_442, %slice3A_443, %slice3A_444, %slice3A_445 in 0 : vector<1x128xf32>, vector<1x128xf32>, vector<1x128xf32>, vector<1x128xf32>, vector<1x128xf32>, vector<1x128xf32>, vector<1x128xf32>, vector<1x128xf32>, vector<1x128xf32>, vector<1x128xf32> -> vector<10x128xf32>
    %dot_general3A_447 = arith.constant dense<0.000000e+00> : vector<128x128xf32>
    %dot_general3A_448 = tpu.matmul %concatenate3A_446, %get3A_39, %dot_general3A_447 {dimension_numbers = #tpu.dot_dimension_numbers<[0], [0], [1], [1], [0, 1, 1, 1], [], []>, transpose_lhs_hint = false} : vector<10x128xf32>, vector<10x128xf32>, vector<128x128xf32> -> vector<128x128xf32>
    %add3A_449 = vector.broadcast %get3A_42 : vector<1x128xf32> to vector<128x128xf32>
    %add3A_450 = arith.addf %dot_general3A_448, %add3A_449 : vector<128x128xf32>
    %max3A_451 = arith.constant 0.000000e+00 : f32
    %max3A_452 = vector.broadcast %max3A_451 : f32 to vector<128x128xf32>
    %max3A_453 = arith.maximumf %add3A_450, %max3A_452 : vector<128x128xf32>
    %swap3A_454 = arith.constant 2432 : index
    %swap3A_455 = arith.constant 0 : index
    %swap3A_456 = vector.load %arg9[%swap3A_454, %swap3A_455] : memref<8192x128xf32, #tpu.memory_space<vmem>>, vector<128x128xf32>
    tpu.vector_store %arg9[%swap3A_454, %swap3A_455], %max3A_453 {strides = array<i32>} : memref<8192x128xf32, #tpu.memory_space<vmem>>, vector<128x128xf32>,
    %slice3A_457 = vector.extract_strided_slice %get3A_36 {offsets = [20, 0], sizes = [1, 128], strides = [1, 1]} : vector<64x128xf32> to vector<1x128xf32>
    %slice3A_458 = vector.extract_strided_slice %get3A_26 {offsets = [20, 0], sizes = [1, 128], strides = [1, 1]} : vector<64x128xf32> to vector<1x128xf32>
    %slice3A_459 = vector.extract_strided_slice %get3A_31 {offsets = [20, 0], sizes = [1, 128], strides = [1, 1]} : vector<64x128xf32> to vector<1x128xf32>
    %slice3A_460 = vector.extract_strided_slice %get3A_4 {offsets = [20, 0], sizes = [1, 128], strides = [1, 1]} : vector<64x128xf32> to vector<1x128xf32>
    %slice3A_461 = vector.extract_strided_slice %get3A_9 {offsets = [20, 0], sizes = [1, 128], strides = [1, 1]} : vector<64x128xf32> to vector<1x128xf32>
    %slice3A_462 = vector.extract_strided_slice %get3A_14 {offsets = [20, 0], sizes = [1, 128], strides = [1, 1]} : vector<64x128xf32> to vector<1x128xf32>
    %slice3A_463 = vector.extract_strided_slice %get3A_19 {offsets = [20, 0], sizes = [1, 128], strides = [1, 1]} : vector<64x128xf32> to vector<1x128xf32>
    %slice3A_464 = vector.extract_strided_slice %sub3A {offsets = [20, 0], sizes = [1, 128], strides = [1, 1]} : vector<64x128xf32> to vector<1x128xf32>
    %slice3A_465 = vector.extract_strided_slice %sub3A_20 {offsets = [20, 0], sizes = [1, 128], strides = [1, 1]} : vector<64x128xf32> to vector<1x128xf32>
    %slice3A_466 = vector.extract_strided_slice %mul3A_21 {offsets = [20, 0], sizes = [1, 128], strides = [1, 1]} : vector<64x128xf32> to vector<1x128xf32>
    %concatenate3A_467 = tpu.concatenate %slice3A_457, %slice3A_458, %slice3A_459, %slice3A_460, %slice3A_461, %slice3A_462, %slice3A_463, %slice3A_464, %slice3A_465, %slice3A_466 in 0 : vector<1x128xf32>, vector<1x128xf32>, vector<1x128xf32>, vector<1x128xf32>, vector<1x128xf32>, vector<1x128xf32>, vector<1x128xf32>, vector<1x128xf32>, vector<1x128xf32>, vector<1x128xf32> -> vector<10x128xf32>
    %dot_general3A_468 = arith.constant dense<0.000000e+00> : vector<128x128xf32>
    %dot_general3A_469 = tpu.matmul %concatenate3A_467, %get3A_39, %dot_general3A_468 {dimension_numbers = #tpu.dot_dimension_numbers<[0], [0], [1], [1], [0, 1, 1, 1], [], []>, transpose_lhs_hint = false} : vector<10x128xf32>, vector<10x128xf32>, vector<128x128xf32> -> vector<128x128xf32>
    %add3A_470 = vector.broadcast %get3A_42 : vector<1x128xf32> to vector<128x128xf32>
    %add3A_471 = arith.addf %dot_general3A_469, %add3A_470 : vector<128x128xf32>
    %max3A_472 = arith.constant 0.000000e+00 : f32
    %max3A_473 = vector.broadcast %max3A_472 : f32 to vector<128x128xf32>
    %max3A_474 = arith.maximumf %add3A_471, %max3A_473 : vector<128x128xf32>
    %swap3A_475 = arith.constant 2560 : index
    %swap3A_476 = arith.constant 0 : index
    %swap3A_477 = vector.load %arg9[%swap3A_475, %swap3A_476] : memref<8192x128xf32, #tpu.memory_space<vmem>>, vector<128x128xf32>
    tpu.vector_store %arg9[%swap3A_475, %swap3A_476], %max3A_474 {strides = array<i32>} : memref<8192x128xf32, #tpu.memory_space<vmem>>, vector<128x128xf32>,
    %slice3A_478 = vector.extract_strided_slice %get3A_36 {offsets = [21, 0], sizes = [1, 128], strides = [1, 1]} : vector<64x128xf32> to vector<1x128xf32>
    %slice3A_479 = vector.extract_strided_slice %get3A_26 {offsets = [21, 0], sizes = [1, 128], strides = [1, 1]} : vector<64x128xf32> to vector<1x128xf32>
    %slice3A_480 = vector.extract_strided_slice %get3A_31 {offsets = [21, 0], sizes = [1, 128], strides = [1, 1]} : vector<64x128xf32> to vector<1x128xf32>
    %slice3A_481 = vector.extract_strided_slice %get3A_4 {offsets = [21, 0], sizes = [1, 128], strides = [1, 1]} : vector<64x128xf32> to vector<1x128xf32>
    %slice3A_482 = vector.extract_strided_slice %get3A_9 {offsets = [21, 0], sizes = [1, 128], strides = [1, 1]} : vector<64x128xf32> to vector<1x128xf32>
    %slice3A_483 = vector.extract_strided_slice %get3A_14 {offsets = [21, 0], sizes = [1, 128], strides = [1, 1]} : vector<64x128xf32> to vector<1x128xf32>
    %slice3A_484 = vector.extract_strided_slice %get3A_19 {offsets = [21, 0], sizes = [1, 128], strides = [1, 1]} : vector<64x128xf32> to vector<1x128xf32>
    %slice3A_485 = vector.extract_strided_slice %sub3A {offsets = [21, 0], sizes = [1, 128], strides = [1, 1]} : vector<64x128xf32> to vector<1x128xf32>
    %slice3A_486 = vector.extract_strided_slice %sub3A_20 {offsets = [21, 0], sizes = [1, 128], strides = [1, 1]} : vector<64x128xf32> to vector<1x128xf32>
    %slice3A_487 = vector.extract_strided_slice %mul3A_21 {offsets = [21, 0], sizes = [1, 128], strides = [1, 1]} : vector<64x128xf32> to vector<1x128xf32>
    %concatenate3A_488 = tpu.concatenate %slice3A_478, %slice3A_479, %slice3A_480, %slice3A_481, %slice3A_482, %slice3A_483, %slice3A_484, %slice3A_485, %slice3A_486, %slice3A_487 in 0 : vector<1x128xf32>, vector<1x128xf32>, vector<1x128xf32>, vector<1x128xf32>, vector<1x128xf32>, vector<1x128xf32>, vector<1x128xf32>, vector<1x128xf32>, vector<1x128xf32>, vector<1x128xf32> -> vector<10x128xf32>
    %dot_general3A_489 = arith.constant dense<0.000000e+00> : vector<128x128xf32>
    %dot_general3A_490 = tpu.matmul %concatenate3A_488, %get3A_39, %dot_general3A_489 {dimension_numbers = #tpu.dot_dimension_numbers<[0], [0], [1], [1], [0, 1, 1, 1], [], []>, transpose_lhs_hint = false} : vector<10x128xf32>, vector<10x128xf32>, vector<128x128xf32> -> vector<128x128xf32>
    %add3A_491 = vector.broadcast %get3A_42 : vector<1x128xf32> to vector<128x128xf32>
    %add3A_492 = arith.addf %dot_general3A_490, %add3A_491 : vector<128x128xf32>
    %max3A_493 = arith.constant 0.000000e+00 : f32
    %max3A_494 = vector.broadcast %max3A_493 : f32 to vector<128x128xf32>
    %max3A_495 = arith.maximumf %add3A_492, %max3A_494 : vector<128x128xf32>
    %swap3A_496 = arith.constant 2688 : index
    %swap3A_497 = arith.constant 0 : index
    %swap3A_498 = vector.load %arg9[%swap3A_496, %swap3A_497] : memref<8192x128xf32, #tpu.memory_space<vmem>>, vector<128x128xf32>
    tpu.vector_store %arg9[%swap3A_496, %swap3A_497], %max3A_495 {strides = array<i32>} : memref<8192x128xf32, #tpu.memory_space<vmem>>, vector<128x128xf32>,
    %slice3A_499 = vector.extract_strided_slice %get3A_36 {offsets = [22, 0], sizes = [1, 128], strides = [1, 1]} : vector<64x128xf32> to vector<1x128xf32>
    %slice3A_500 = vector.extract_strided_slice %get3A_26 {offsets = [22, 0], sizes = [1, 128], strides = [1, 1]} : vector<64x128xf32> to vector<1x128xf32>
    %slice3A_501 = vector.extract_strided_slice %get3A_31 {offsets = [22, 0], sizes = [1, 128], strides = [1, 1]} : vector<64x128xf32> to vector<1x128xf32>
    %slice3A_502 = vector.extract_strided_slice %get3A_4 {offsets = [22, 0], sizes = [1, 128], strides = [1, 1]} : vector<64x128xf32> to vector<1x128xf32>
    %slice3A_503 = vector.extract_strided_slice %get3A_9 {offsets = [22, 0], sizes = [1, 128], strides = [1, 1]} : vector<64x128xf32> to vector<1x128xf32>
    %slice3A_504 = vector.extract_strided_slice %get3A_14 {offsets = [22, 0], sizes = [1, 128], strides = [1, 1]} : vector<64x128xf32> to vector<1x128xf32>
    %slice3A_505 = vector.extract_strided_slice %get3A_19 {offsets = [22, 0], sizes = [1, 128], strides = [1, 1]} : vector<64x128xf32> to vector<1x128xf32>
    %slice3A_506 = vector.extract_strided_slice %sub3A {offsets = [22, 0], sizes = [1, 128], strides = [1, 1]} : vector<64x128xf32> to vector<1x128xf32>
    %slice3A_507 = vector.extract_strided_slice %sub3A_20 {offsets = [22, 0], sizes = [1, 128], strides = [1, 1]} : vector<64x128xf32> to vector<1x128xf32>
    %slice3A_508 = vector.extract_strided_slice %mul3A_21 {offsets = [22, 0], sizes = [1, 128], strides = [1, 1]} : vector<64x128xf32> to vector<1x128xf32>
    %concatenate3A_509 = tpu.concatenate %slice3A_499, %slice3A_500, %slice3A_501, %slice3A_502, %slice3A_503, %slice3A_504, %slice3A_505, %slice3A_506, %slice3A_507, %slice3A_508 in 0 : vector<1x128xf32>, vector<1x128xf32>, vector<1x128xf32>, vector<1x128xf32>, vector<1x128xf32>, vector<1x128xf32>, vector<1x128xf32>, vector<1x128xf32>, vector<1x128xf32>, vector<1x128xf32> -> vector<10x128xf32>
    %dot_general3A_510 = arith.constant dense<0.000000e+00> : vector<128x128xf32>
    %dot_general3A_511 = tpu.matmul %concatenate3A_509, %get3A_39, %dot_general3A_510 {dimension_numbers = #tpu.dot_dimension_numbers<[0], [0], [1], [1], [0, 1, 1, 1], [], []>, transpose_lhs_hint = false} : vector<10x128xf32>, vector<10x128xf32>, vector<128x128xf32> -> vector<128x128xf32>
    %add3A_512 = vector.broadcast %get3A_42 : vector<1x128xf32> to vector<128x128xf32>
    %add3A_513 = arith.addf %dot_general3A_511, %add3A_512 : vector<128x128xf32>
    %max3A_514 = arith.constant 0.000000e+00 : f32
    %max3A_515 = vector.broadcast %max3A_514 : f32 to vector<128x128xf32>
    %max3A_516 = arith.maximumf %add3A_513, %max3A_515 : vector<128x128xf32>
    %swap3A_517 = arith.constant 2816 : index
    %swap3A_518 = arith.constant 0 : index
    %swap3A_519 = vector.load %arg9[%swap3A_517, %swap3A_518] : memref<8192x128xf32, #tpu.memory_space<vmem>>, vector<128x128xf32>
    tpu.vector_store %arg9[%swap3A_517, %swap3A_518], %max3A_516 {strides = array<i32>} : memref<8192x128xf32, #tpu.memory_space<vmem>>, vector<128x128xf32>,
    %slice3A_520 = vector.extract_strided_slice %get3A_36 {offsets = [23, 0], sizes = [1, 128], strides = [1, 1]} : vector<64x128xf32> to vector<1x128xf32>
    %slice3A_521 = vector.extract_strided_slice %get3A_26 {offsets = [23, 0], sizes = [1, 128], strides = [1, 1]} : vector<64x128xf32> to vector<1x128xf32>
    %slice3A_522 = vector.extract_strided_slice %get3A_31 {offsets = [23, 0], sizes = [1, 128], strides = [1, 1]} : vector<64x128xf32> to vector<1x128xf32>
    %slice3A_523 = vector.extract_strided_slice %get3A_4 {offsets = [23, 0], sizes = [1, 128], strides = [1, 1]} : vector<64x128xf32> to vector<1x128xf32>
    %slice3A_524 = vector.extract_strided_slice %get3A_9 {offsets = [23, 0], sizes = [1, 128], strides = [1, 1]} : vector<64x128xf32> to vector<1x128xf32>
    %slice3A_525 = vector.extract_strided_slice %get3A_14 {offsets = [23, 0], sizes = [1, 128], strides = [1, 1]} : vector<64x128xf32> to vector<1x128xf32>
    %slice3A_526 = vector.extract_strided_slice %get3A_19 {offsets = [23, 0], sizes = [1, 128], strides = [1, 1]} : vector<64x128xf32> to vector<1x128xf32>
    %slice3A_527 = vector.extract_strided_slice %sub3A {offsets = [23, 0], sizes = [1, 128], strides = [1, 1]} : vector<64x128xf32> to vector<1x128xf32>
    %slice3A_528 = vector.extract_strided_slice %sub3A_20 {offsets = [23, 0], sizes = [1, 128], strides = [1, 1]} : vector<64x128xf32> to vector<1x128xf32>
    %slice3A_529 = vector.extract_strided_slice %mul3A_21 {offsets = [23, 0], sizes = [1, 128], strides = [1, 1]} : vector<64x128xf32> to vector<1x128xf32>
    %concatenate3A_530 = tpu.concatenate %slice3A_520, %slice3A_521, %slice3A_522, %slice3A_523, %slice3A_524, %slice3A_525, %slice3A_526, %slice3A_527, %slice3A_528, %slice3A_529 in 0 : vector<1x128xf32>, vector<1x128xf32>, vector<1x128xf32>, vector<1x128xf32>, vector<1x128xf32>, vector<1x128xf32>, vector<1x128xf32>, vector<1x128xf32>, vector<1x128xf32>, vector<1x128xf32> -> vector<10x128xf32>
    %dot_general3A_531 = arith.constant dense<0.000000e+00> : vector<128x128xf32>
    %dot_general3A_532 = tpu.matmul %concatenate3A_530, %get3A_39, %dot_general3A_531 {dimension_numbers = #tpu.dot_dimension_numbers<[0], [0], [1], [1], [0, 1, 1, 1], [], []>, transpose_lhs_hint = false} : vector<10x128xf32>, vector<10x128xf32>, vector<128x128xf32> -> vector<128x128xf32>
    %add3A_533 = vector.broadcast %get3A_42 : vector<1x128xf32> to vector<128x128xf32>
    %add3A_534 = arith.addf %dot_general3A_532, %add3A_533 : vector<128x128xf32>
    %max3A_535 = arith.constant 0.000000e+00 : f32
    %max3A_536 = vector.broadcast %max3A_535 : f32 to vector<128x128xf32>
    %max3A_537 = arith.maximumf %add3A_534, %max3A_536 : vector<128x128xf32>
    %swap3A_538 = arith.constant 2944 : index
    %swap3A_539 = arith.constant 0 : index
    %swap3A_540 = vector.load %arg9[%swap3A_538, %swap3A_539] : memref<8192x128xf32, #tpu.memory_space<vmem>>, vector<128x128xf32>
    tpu.vector_store %arg9[%swap3A_538, %swap3A_539], %max3A_537 {strides = array<i32>} : memref<8192x128xf32, #tpu.memory_space<vmem>>, vector<128x128xf32>,
    %slice3A_541 = vector.extract_strided_slice %get3A_36 {offsets = [24, 0], sizes = [1, 128], strides = [1, 1]} : vector<64x128xf32> to vector<1x128xf32>
    %slice3A_542 = vector.extract_strided_slice %get3A_26 {offsets = [24, 0], sizes = [1, 128], strides = [1, 1]} : vector<64x128xf32> to vector<1x128xf32>
    %slice3A_543 = vector.extract_strided_slice %get3A_31 {offsets = [24, 0], sizes = [1, 128], strides = [1, 1]} : vector<64x128xf32> to vector<1x128xf32>
    %slice3A_544 = vector.extract_strided_slice %get3A_4 {offsets = [24, 0], sizes = [1, 128], strides = [1, 1]} : vector<64x128xf32> to vector<1x128xf32>
    %slice3A_545 = vector.extract_strided_slice %get3A_9 {offsets = [24, 0], sizes = [1, 128], strides = [1, 1]} : vector<64x128xf32> to vector<1x128xf32>
    %slice3A_546 = vector.extract_strided_slice %get3A_14 {offsets = [24, 0], sizes = [1, 128], strides = [1, 1]} : vector<64x128xf32> to vector<1x128xf32>
    %slice3A_547 = vector.extract_strided_slice %get3A_19 {offsets = [24, 0], sizes = [1, 128], strides = [1, 1]} : vector<64x128xf32> to vector<1x128xf32>
    %slice3A_548 = vector.extract_strided_slice %sub3A {offsets = [24, 0], sizes = [1, 128], strides = [1, 1]} : vector<64x128xf32> to vector<1x128xf32>
    %slice3A_549 = vector.extract_strided_slice %sub3A_20 {offsets = [24, 0], sizes = [1, 128], strides = [1, 1]} : vector<64x128xf32> to vector<1x128xf32>
    %slice3A_550 = vector.extract_strided_slice %mul3A_21 {offsets = [24, 0], sizes = [1, 128], strides = [1, 1]} : vector<64x128xf32> to vector<1x128xf32>
    %concatenate3A_551 = tpu.concatenate %slice3A_541, %slice3A_542, %slice3A_543, %slice3A_544, %slice3A_545, %slice3A_546, %slice3A_547, %slice3A_548, %slice3A_549, %slice3A_550 in 0 : vector<1x128xf32>, vector<1x128xf32>, vector<1x128xf32>, vector<1x128xf32>, vector<1x128xf32>, vector<1x128xf32>, vector<1x128xf32>, vector<1x128xf32>, vector<1x128xf32>, vector<1x128xf32> -> vector<10x128xf32>
    %dot_general3A_552 = arith.constant dense<0.000000e+00> : vector<128x128xf32>
    %dot_general3A_553 = tpu.matmul %concatenate3A_551, %get3A_39, %dot_general3A_552 {dimension_numbers = #tpu.dot_dimension_numbers<[0], [0], [1], [1], [0, 1, 1, 1], [], []>, transpose_lhs_hint = false} : vector<10x128xf32>, vector<10x128xf32>, vector<128x128xf32> -> vector<128x128xf32>
    %add3A_554 = vector.broadcast %get3A_42 : vector<1x128xf32> to vector<128x128xf32>
    %add3A_555 = arith.addf %dot_general3A_553, %add3A_554 : vector<128x128xf32>
    %max3A_556 = arith.constant 0.000000e+00 : f32
    %max3A_557 = vector.broadcast %max3A_556 : f32 to vector<128x128xf32>
    %max3A_558 = arith.maximumf %add3A_555, %max3A_557 : vector<128x128xf32>
    %swap3A_559 = arith.constant 3072 : index
    %swap3A_560 = arith.constant 0 : index
    %swap3A_561 = vector.load %arg9[%swap3A_559, %swap3A_560] : memref<8192x128xf32, #tpu.memory_space<vmem>>, vector<128x128xf32>
    tpu.vector_store %arg9[%swap3A_559, %swap3A_560], %max3A_558 {strides = array<i32>} : memref<8192x128xf32, #tpu.memory_space<vmem>>, vector<128x128xf32>,
    %slice3A_562 = vector.extract_strided_slice %get3A_36 {offsets = [25, 0], sizes = [1, 128], strides = [1, 1]} : vector<64x128xf32> to vector<1x128xf32>
    %slice3A_563 = vector.extract_strided_slice %get3A_26 {offsets = [25, 0], sizes = [1, 128], strides = [1, 1]} : vector<64x128xf32> to vector<1x128xf32>
    %slice3A_564 = vector.extract_strided_slice %get3A_31 {offsets = [25, 0], sizes = [1, 128], strides = [1, 1]} : vector<64x128xf32> to vector<1x128xf32>
    %slice3A_565 = vector.extract_strided_slice %get3A_4 {offsets = [25, 0], sizes = [1, 128], strides = [1, 1]} : vector<64x128xf32> to vector<1x128xf32>
    %slice3A_566 = vector.extract_strided_slice %get3A_9 {offsets = [25, 0], sizes = [1, 128], strides = [1, 1]} : vector<64x128xf32> to vector<1x128xf32>
    %slice3A_567 = vector.extract_strided_slice %get3A_14 {offsets = [25, 0], sizes = [1, 128], strides = [1, 1]} : vector<64x128xf32> to vector<1x128xf32>
    %slice3A_568 = vector.extract_strided_slice %get3A_19 {offsets = [25, 0], sizes = [1, 128], strides = [1, 1]} : vector<64x128xf32> to vector<1x128xf32>
    %slice3A_569 = vector.extract_strided_slice %sub3A {offsets = [25, 0], sizes = [1, 128], strides = [1, 1]} : vector<64x128xf32> to vector<1x128xf32>
    %slice3A_570 = vector.extract_strided_slice %sub3A_20 {offsets = [25, 0], sizes = [1, 128], strides = [1, 1]} : vector<64x128xf32> to vector<1x128xf32>
    %slice3A_571 = vector.extract_strided_slice %mul3A_21 {offsets = [25, 0], sizes = [1, 128], strides = [1, 1]} : vector<64x128xf32> to vector<1x128xf32>
    %concatenate3A_572 = tpu.concatenate %slice3A_562, %slice3A_563, %slice3A_564, %slice3A_565, %slice3A_566, %slice3A_567, %slice3A_568, %slice3A_569, %slice3A_570, %slice3A_571 in 0 : vector<1x128xf32>, vector<1x128xf32>, vector<1x128xf32>, vector<1x128xf32>, vector<1x128xf32>, vector<1x128xf32>, vector<1x128xf32>, vector<1x128xf32>, vector<1x128xf32>, vector<1x128xf32> -> vector<10x128xf32>
    %dot_general3A_573 = arith.constant dense<0.000000e+00> : vector<128x128xf32>
    %dot_general3A_574 = tpu.matmul %concatenate3A_572, %get3A_39, %dot_general3A_573 {dimension_numbers = #tpu.dot_dimension_numbers<[0], [0], [1], [1], [0, 1, 1, 1], [], []>, transpose_lhs_hint = false} : vector<10x128xf32>, vector<10x128xf32>, vector<128x128xf32> -> vector<128x128xf32>
    %add3A_575 = vector.broadcast %get3A_42 : vector<1x128xf32> to vector<128x128xf32>
    %add3A_576 = arith.addf %dot_general3A_574, %add3A_575 : vector<128x128xf32>
    %max3A_577 = arith.constant 0.000000e+00 : f32
    %max3A_578 = vector.broadcast %max3A_577 : f32 to vector<128x128xf32>
    %max3A_579 = arith.maximumf %add3A_576, %max3A_578 : vector<128x128xf32>
    %swap3A_580 = arith.constant 3200 : index
    %swap3A_581 = arith.constant 0 : index
    %swap3A_582 = vector.load %arg9[%swap3A_580, %swap3A_581] : memref<8192x128xf32, #tpu.memory_space<vmem>>, vector<128x128xf32>
    tpu.vector_store %arg9[%swap3A_580, %swap3A_581], %max3A_579 {strides = array<i32>} : memref<8192x128xf32, #tpu.memory_space<vmem>>, vector<128x128xf32>,
    %slice3A_583 = vector.extract_strided_slice %get3A_36 {offsets = [26, 0], sizes = [1, 128], strides = [1, 1]} : vector<64x128xf32> to vector<1x128xf32>
    %slice3A_584 = vector.extract_strided_slice %get3A_26 {offsets = [26, 0], sizes = [1, 128], strides = [1, 1]} : vector<64x128xf32> to vector<1x128xf32>
    %slice3A_585 = vector.extract_strided_slice %get3A_31 {offsets = [26, 0], sizes = [1, 128], strides = [1, 1]} : vector<64x128xf32> to vector<1x128xf32>
    %slice3A_586 = vector.extract_strided_slice %get3A_4 {offsets = [26, 0], sizes = [1, 128], strides = [1, 1]} : vector<64x128xf32> to vector<1x128xf32>
    %slice3A_587 = vector.extract_strided_slice %get3A_9 {offsets = [26, 0], sizes = [1, 128], strides = [1, 1]} : vector<64x128xf32> to vector<1x128xf32>
    %slice3A_588 = vector.extract_strided_slice %get3A_14 {offsets = [26, 0], sizes = [1, 128], strides = [1, 1]} : vector<64x128xf32> to vector<1x128xf32>
    %slice3A_589 = vector.extract_strided_slice %get3A_19 {offsets = [26, 0], sizes = [1, 128], strides = [1, 1]} : vector<64x128xf32> to vector<1x128xf32>
    %slice3A_590 = vector.extract_strided_slice %sub3A {offsets = [26, 0], sizes = [1, 128], strides = [1, 1]} : vector<64x128xf32> to vector<1x128xf32>
    %slice3A_591 = vector.extract_strided_slice %sub3A_20 {offsets = [26, 0], sizes = [1, 128], strides = [1, 1]} : vector<64x128xf32> to vector<1x128xf32>
    %slice3A_592 = vector.extract_strided_slice %mul3A_21 {offsets = [26, 0], sizes = [1, 128], strides = [1, 1]} : vector<64x128xf32> to vector<1x128xf32>
    %concatenate3A_593 = tpu.concatenate %slice3A_583, %slice3A_584, %slice3A_585, %slice3A_586, %slice3A_587, %slice3A_588, %slice3A_589, %slice3A_590, %slice3A_591, %slice3A_592 in 0 : vector<1x128xf32>, vector<1x128xf32>, vector<1x128xf32>, vector<1x128xf32>, vector<1x128xf32>, vector<1x128xf32>, vector<1x128xf32>, vector<1x128xf32>, vector<1x128xf32>, vector<1x128xf32> -> vector<10x128xf32>
    %dot_general3A_594 = arith.constant dense<0.000000e+00> : vector<128x128xf32>
    %dot_general3A_595 = tpu.matmul %concatenate3A_593, %get3A_39, %dot_general3A_594 {dimension_numbers = #tpu.dot_dimension_numbers<[0], [0], [1], [1], [0, 1, 1, 1], [], []>, transpose_lhs_hint = false} : vector<10x128xf32>, vector<10x128xf32>, vector<128x128xf32> -> vector<128x128xf32>
    %add3A_596 = vector.broadcast %get3A_42 : vector<1x128xf32> to vector<128x128xf32>
    %add3A_597 = arith.addf %dot_general3A_595, %add3A_596 : vector<128x128xf32>
    %max3A_598 = arith.constant 0.000000e+00 : f32
    %max3A_599 = vector.broadcast %max3A_598 : f32 to vector<128x128xf32>
    %max3A_600 = arith.maximumf %add3A_597, %max3A_599 : vector<128x128xf32>
    %swap3A_601 = arith.constant 3328 : index
    %swap3A_602 = arith.constant 0 : index
    %swap3A_603 = vector.load %arg9[%swap3A_601, %swap3A_602] : memref<8192x128xf32, #tpu.memory_space<vmem>>, vector<128x128xf32>
    tpu.vector_store %arg9[%swap3A_601, %swap3A_602], %max3A_600 {strides = array<i32>} : memref<8192x128xf32, #tpu.memory_space<vmem>>, vector<128x128xf32>,
    %slice3A_604 = vector.extract_strided_slice %get3A_36 {offsets = [27, 0], sizes = [1, 128], strides = [1, 1]} : vector<64x128xf32> to vector<1x128xf32>
    %slice3A_605 = vector.extract_strided_slice %get3A_26 {offsets = [27, 0], sizes = [1, 128], strides = [1, 1]} : vector<64x128xf32> to vector<1x128xf32>
    %slice3A_606 = vector.extract_strided_slice %get3A_31 {offsets = [27, 0], sizes = [1, 128], strides = [1, 1]} : vector<64x128xf32> to vector<1x128xf32>
    %slice3A_607 = vector.extract_strided_slice %get3A_4 {offsets = [27, 0], sizes = [1, 128], strides = [1, 1]} : vector<64x128xf32> to vector<1x128xf32>
    %slice3A_608 = vector.extract_strided_slice %get3A_9 {offsets = [27, 0], sizes = [1, 128], strides = [1, 1]} : vector<64x128xf32> to vector<1x128xf32>
    %slice3A_609 = vector.extract_strided_slice %get3A_14 {offsets = [27, 0], sizes = [1, 128], strides = [1, 1]} : vector<64x128xf32> to vector<1x128xf32>
    %slice3A_610 = vector.extract_strided_slice %get3A_19 {offsets = [27, 0], sizes = [1, 128], strides = [1, 1]} : vector<64x128xf32> to vector<1x128xf32>
    %slice3A_611 = vector.extract_strided_slice %sub3A {offsets = [27, 0], sizes = [1, 128], strides = [1, 1]} : vector<64x128xf32> to vector<1x128xf32>
    %slice3A_612 = vector.extract_strided_slice %sub3A_20 {offsets = [27, 0], sizes = [1, 128], strides = [1, 1]} : vector<64x128xf32> to vector<1x128xf32>
    %slice3A_613 = vector.extract_strided_slice %mul3A_21 {offsets = [27, 0], sizes = [1, 128], strides = [1, 1]} : vector<64x128xf32> to vector<1x128xf32>
    %concatenate3A_614 = tpu.concatenate %slice3A_604, %slice3A_605, %slice3A_606, %slice3A_607, %slice3A_608, %slice3A_609, %slice3A_610, %slice3A_611, %slice3A_612, %slice3A_613 in 0 : vector<1x128xf32>, vector<1x128xf32>, vector<1x128xf32>, vector<1x128xf32>, vector<1x128xf32>, vector<1x128xf32>, vector<1x128xf32>, vector<1x128xf32>, vector<1x128xf32>, vector<1x128xf32> -> vector<10x128xf32>
    %dot_general3A_615 = arith.constant dense<0.000000e+00> : vector<128x128xf32>
    %dot_general3A_616 = tpu.matmul %concatenate3A_614, %get3A_39, %dot_general3A_615 {dimension_numbers = #tpu.dot_dimension_numbers<[0], [0], [1], [1], [0, 1, 1, 1], [], []>, transpose_lhs_hint = false} : vector<10x128xf32>, vector<10x128xf32>, vector<128x128xf32> -> vector<128x128xf32>
    %add3A_617 = vector.broadcast %get3A_42 : vector<1x128xf32> to vector<128x128xf32>
    %add3A_618 = arith.addf %dot_general3A_616, %add3A_617 : vector<128x128xf32>
    %max3A_619 = arith.constant 0.000000e+00 : f32
    %max3A_620 = vector.broadcast %max3A_619 : f32 to vector<128x128xf32>
    %max3A_621 = arith.maximumf %add3A_618, %max3A_620 : vector<128x128xf32>
    %swap3A_622 = arith.constant 3456 : index
    %swap3A_623 = arith.constant 0 : index
    %swap3A_624 = vector.load %arg9[%swap3A_622, %swap3A_623] : memref<8192x128xf32, #tpu.memory_space<vmem>>, vector<128x128xf32>
    tpu.vector_store %arg9[%swap3A_622, %swap3A_623], %max3A_621 {strides = array<i32>} : memref<8192x128xf32, #tpu.memory_space<vmem>>, vector<128x128xf32>,
    %slice3A_625 = vector.extract_strided_slice %get3A_36 {offsets = [28, 0], sizes = [1, 128], strides = [1, 1]} : vector<64x128xf32> to vector<1x128xf32>
    %slice3A_626 = vector.extract_strided_slice %get3A_26 {offsets = [28, 0], sizes = [1, 128], strides = [1, 1]} : vector<64x128xf32> to vector<1x128xf32>
    %slice3A_627 = vector.extract_strided_slice %get3A_31 {offsets = [28, 0], sizes = [1, 128], strides = [1, 1]} : vector<64x128xf32> to vector<1x128xf32>
    %slice3A_628 = vector.extract_strided_slice %get3A_4 {offsets = [28, 0], sizes = [1, 128], strides = [1, 1]} : vector<64x128xf32> to vector<1x128xf32>
    %slice3A_629 = vector.extract_strided_slice %get3A_9 {offsets = [28, 0], sizes = [1, 128], strides = [1, 1]} : vector<64x128xf32> to vector<1x128xf32>
    %slice3A_630 = vector.extract_strided_slice %get3A_14 {offsets = [28, 0], sizes = [1, 128], strides = [1, 1]} : vector<64x128xf32> to vector<1x128xf32>
    %slice3A_631 = vector.extract_strided_slice %get3A_19 {offsets = [28, 0], sizes = [1, 128], strides = [1, 1]} : vector<64x128xf32> to vector<1x128xf32>
    %slice3A_632 = vector.extract_strided_slice %sub3A {offsets = [28, 0], sizes = [1, 128], strides = [1, 1]} : vector<64x128xf32> to vector<1x128xf32>
    %slice3A_633 = vector.extract_strided_slice %sub3A_20 {offsets = [28, 0], sizes = [1, 128], strides = [1, 1]} : vector<64x128xf32> to vector<1x128xf32>
    %slice3A_634 = vector.extract_strided_slice %mul3A_21 {offsets = [28, 0], sizes = [1, 128], strides = [1, 1]} : vector<64x128xf32> to vector<1x128xf32>
    %concatenate3A_635 = tpu.concatenate %slice3A_625, %slice3A_626, %slice3A_627, %slice3A_628, %slice3A_629, %slice3A_630, %slice3A_631, %slice3A_632, %slice3A_633, %slice3A_634 in 0 : vector<1x128xf32>, vector<1x128xf32>, vector<1x128xf32>, vector<1x128xf32>, vector<1x128xf32>, vector<1x128xf32>, vector<1x128xf32>, vector<1x128xf32>, vector<1x128xf32>, vector<1x128xf32> -> vector<10x128xf32>
    %dot_general3A_636 = arith.constant dense<0.000000e+00> : vector<128x128xf32>
    %dot_general3A_637 = tpu.matmul %concatenate3A_635, %get3A_39, %dot_general3A_636 {dimension_numbers = #tpu.dot_dimension_numbers<[0], [0], [1], [1], [0, 1, 1, 1], [], []>, transpose_lhs_hint = false} : vector<10x128xf32>, vector<10x128xf32>, vector<128x128xf32> -> vector<128x128xf32>
    %add3A_638 = vector.broadcast %get3A_42 : vector<1x128xf32> to vector<128x128xf32>
    %add3A_639 = arith.addf %dot_general3A_637, %add3A_638 : vector<128x128xf32>
    %max3A_640 = arith.constant 0.000000e+00 : f32
    %max3A_641 = vector.broadcast %max3A_640 : f32 to vector<128x128xf32>
    %max3A_642 = arith.maximumf %add3A_639, %max3A_641 : vector<128x128xf32>
    %swap3A_643 = arith.constant 3584 : index
    %swap3A_644 = arith.constant 0 : index
    %swap3A_645 = vector.load %arg9[%swap3A_643, %swap3A_644] : memref<8192x128xf32, #tpu.memory_space<vmem>>, vector<128x128xf32>
    tpu.vector_store %arg9[%swap3A_643, %swap3A_644], %max3A_642 {strides = array<i32>} : memref<8192x128xf32, #tpu.memory_space<vmem>>, vector<128x128xf32>,
    %slice3A_646 = vector.extract_strided_slice %get3A_36 {offsets = [29, 0], sizes = [1, 128], strides = [1, 1]} : vector<64x128xf32> to vector<1x128xf32>
    %slice3A_647 = vector.extract_strided_slice %get3A_26 {offsets = [29, 0], sizes = [1, 128], strides = [1, 1]} : vector<64x128xf32> to vector<1x128xf32>
    %slice3A_648 = vector.extract_strided_slice %get3A_31 {offsets = [29, 0], sizes = [1, 128], strides = [1, 1]} : vector<64x128xf32> to vector<1x128xf32>
    %slice3A_649 = vector.extract_strided_slice %get3A_4 {offsets = [29, 0], sizes = [1, 128], strides = [1, 1]} : vector<64x128xf32> to vector<1x128xf32>
    %slice3A_650 = vector.extract_strided_slice %get3A_9 {offsets = [29, 0], sizes = [1, 128], strides = [1, 1]} : vector<64x128xf32> to vector<1x128xf32>
    %slice3A_651 = vector.extract_strided_slice %get3A_14 {offsets = [29, 0], sizes = [1, 128], strides = [1, 1]} : vector<64x128xf32> to vector<1x128xf32>
    %slice3A_652 = vector.extract_strided_slice %get3A_19 {offsets = [29, 0], sizes = [1, 128], strides = [1, 1]} : vector<64x128xf32> to vector<1x128xf32>
    %slice3A_653 = vector.extract_strided_slice %sub3A {offsets = [29, 0], sizes = [1, 128], strides = [1, 1]} : vector<64x128xf32> to vector<1x128xf32>
    %slice3A_654 = vector.extract_strided_slice %sub3A_20 {offsets = [29, 0], sizes = [1, 128], strides = [1, 1]} : vector<64x128xf32> to vector<1x128xf32>
    %slice3A_655 = vector.extract_strided_slice %mul3A_21 {offsets = [29, 0], sizes = [1, 128], strides = [1, 1]} : vector<64x128xf32> to vector<1x128xf32>
    %concatenate3A_656 = tpu.concatenate %slice3A_646, %slice3A_647, %slice3A_648, %slice3A_649, %slice3A_650, %slice3A_651, %slice3A_652, %slice3A_653, %slice3A_654, %slice3A_655 in 0 : vector<1x128xf32>, vector<1x128xf32>, vector<1x128xf32>, vector<1x128xf32>, vector<1x128xf32>, vector<1x128xf32>, vector<1x128xf32>, vector<1x128xf32>, vector<1x128xf32>, vector<1x128xf32> -> vector<10x128xf32>
    %dot_general3A_657 = arith.constant dense<0.000000e+00> : vector<128x128xf32>
    %dot_general3A_658 = tpu.matmul %concatenate3A_656, %get3A_39, %dot_general3A_657 {dimension_numbers = #tpu.dot_dimension_numbers<[0], [0], [1], [1], [0, 1, 1, 1], [], []>, transpose_lhs_hint = false} : vector<10x128xf32>, vector<10x128xf32>, vector<128x128xf32> -> vector<128x128xf32>
    %add3A_659 = vector.broadcast %get3A_42 : vector<1x128xf32> to vector<128x128xf32>
    %add3A_660 = arith.addf %dot_general3A_658, %add3A_659 : vector<128x128xf32>
    %max3A_661 = arith.constant 0.000000e+00 : f32
    %max3A_662 = vector.broadcast %max3A_661 : f32 to vector<128x128xf32>
    %max3A_663 = arith.maximumf %add3A_660, %max3A_662 : vector<128x128xf32>
    %swap3A_664 = arith.constant 3712 : index
    %swap3A_665 = arith.constant 0 : index
    %swap3A_666 = vector.load %arg9[%swap3A_664, %swap3A_665] : memref<8192x128xf32, #tpu.memory_space<vmem>>, vector<128x128xf32>
    tpu.vector_store %arg9[%swap3A_664, %swap3A_665], %max3A_663 {strides = array<i32>} : memref<8192x128xf32, #tpu.memory_space<vmem>>, vector<128x128xf32>,
    %slice3A_667 = vector.extract_strided_slice %get3A_36 {offsets = [30, 0], sizes = [1, 128], strides = [1, 1]} : vector<64x128xf32> to vector<1x128xf32>
    %slice3A_668 = vector.extract_strided_slice %get3A_26 {offsets = [30, 0], sizes = [1, 128], strides = [1, 1]} : vector<64x128xf32> to vector<1x128xf32>
    %slice3A_669 = vector.extract_strided_slice %get3A_31 {offsets = [30, 0], sizes = [1, 128], strides = [1, 1]} : vector<64x128xf32> to vector<1x128xf32>
    %slice3A_670 = vector.extract_strided_slice %get3A_4 {offsets = [30, 0], sizes = [1, 128], strides = [1, 1]} : vector<64x128xf32> to vector<1x128xf32>
    %slice3A_671 = vector.extract_strided_slice %get3A_9 {offsets = [30, 0], sizes = [1, 128], strides = [1, 1]} : vector<64x128xf32> to vector<1x128xf32>
    %slice3A_672 = vector.extract_strided_slice %get3A_14 {offsets = [30, 0], sizes = [1, 128], strides = [1, 1]} : vector<64x128xf32> to vector<1x128xf32>
    %slice3A_673 = vector.extract_strided_slice %get3A_19 {offsets = [30, 0], sizes = [1, 128], strides = [1, 1]} : vector<64x128xf32> to vector<1x128xf32>
    %slice3A_674 = vector.extract_strided_slice %sub3A {offsets = [30, 0], sizes = [1, 128], strides = [1, 1]} : vector<64x128xf32> to vector<1x128xf32>
    %slice3A_675 = vector.extract_strided_slice %sub3A_20 {offsets = [30, 0], sizes = [1, 128], strides = [1, 1]} : vector<64x128xf32> to vector<1x128xf32>
    %slice3A_676 = vector.extract_strided_slice %mul3A_21 {offsets = [30, 0], sizes = [1, 128], strides = [1, 1]} : vector<64x128xf32> to vector<1x128xf32>
    %concatenate3A_677 = tpu.concatenate %slice3A_667, %slice3A_668, %slice3A_669, %slice3A_670, %slice3A_671, %slice3A_672, %slice3A_673, %slice3A_674, %slice3A_675, %slice3A_676 in 0 : vector<1x128xf32>, vector<1x128xf32>, vector<1x128xf32>, vector<1x128xf32>, vector<1x128xf32>, vector<1x128xf32>, vector<1x128xf32>, vector<1x128xf32>, vector<1x128xf32>, vector<1x128xf32> -> vector<10x128xf32>
    %dot_general3A_678 = arith.constant dense<0.000000e+00> : vector<128x128xf32>
    %dot_general3A_679 = tpu.matmul %concatenate3A_677, %get3A_39, %dot_general3A_678 {dimension_numbers = #tpu.dot_dimension_numbers<[0], [0], [1], [1], [0, 1, 1, 1], [], []>, transpose_lhs_hint = false} : vector<10x128xf32>, vector<10x128xf32>, vector<128x128xf32> -> vector<128x128xf32>
    %add3A_680 = vector.broadcast %get3A_42 : vector<1x128xf32> to vector<128x128xf32>
    %add3A_681 = arith.addf %dot_general3A_679, %add3A_680 : vector<128x128xf32>
    %max3A_682 = arith.constant 0.000000e+00 : f32
    %max3A_683 = vector.broadcast %max3A_682 : f32 to vector<128x128xf32>
    %max3A_684 = arith.maximumf %add3A_681, %max3A_683 : vector<128x128xf32>
    %swap3A_685 = arith.constant 3840 : index
    %swap3A_686 = arith.constant 0 : index
    %swap3A_687 = vector.load %arg9[%swap3A_685, %swap3A_686] : memref<8192x128xf32, #tpu.memory_space<vmem>>, vector<128x128xf32>
    tpu.vector_store %arg9[%swap3A_685, %swap3A_686], %max3A_684 {strides = array<i32>} : memref<8192x128xf32, #tpu.memory_space<vmem>>, vector<128x128xf32>,
    %slice3A_688 = vector.extract_strided_slice %get3A_36 {offsets = [31, 0], sizes = [1, 128], strides = [1, 1]} : vector<64x128xf32> to vector<1x128xf32>
    %slice3A_689 = vector.extract_strided_slice %get3A_26 {offsets = [31, 0], sizes = [1, 128], strides = [1, 1]} : vector<64x128xf32> to vector<1x128xf32>
    %slice3A_690 = vector.extract_strided_slice %get3A_31 {offsets = [31, 0], sizes = [1, 128], strides = [1, 1]} : vector<64x128xf32> to vector<1x128xf32>
    %slice3A_691 = vector.extract_strided_slice %get3A_4 {offsets = [31, 0], sizes = [1, 128], strides = [1, 1]} : vector<64x128xf32> to vector<1x128xf32>
    %slice3A_692 = vector.extract_strided_slice %get3A_9 {offsets = [31, 0], sizes = [1, 128], strides = [1, 1]} : vector<64x128xf32> to vector<1x128xf32>
    %slice3A_693 = vector.extract_strided_slice %get3A_14 {offsets = [31, 0], sizes = [1, 128], strides = [1, 1]} : vector<64x128xf32> to vector<1x128xf32>
    %slice3A_694 = vector.extract_strided_slice %get3A_19 {offsets = [31, 0], sizes = [1, 128], strides = [1, 1]} : vector<64x128xf32> to vector<1x128xf32>
    %slice3A_695 = vector.extract_strided_slice %sub3A {offsets = [31, 0], sizes = [1, 128], strides = [1, 1]} : vector<64x128xf32> to vector<1x128xf32>
    %slice3A_696 = vector.extract_strided_slice %sub3A_20 {offsets = [31, 0], sizes = [1, 128], strides = [1, 1]} : vector<64x128xf32> to vector<1x128xf32>
    %slice3A_697 = vector.extract_strided_slice %mul3A_21 {offsets = [31, 0], sizes = [1, 128], strides = [1, 1]} : vector<64x128xf32> to vector<1x128xf32>
    %concatenate3A_698 = tpu.concatenate %slice3A_688, %slice3A_689, %slice3A_690, %slice3A_691, %slice3A_692, %slice3A_693, %slice3A_694, %slice3A_695, %slice3A_696, %slice3A_697 in 0 : vector<1x128xf32>, vector<1x128xf32>, vector<1x128xf32>, vector<1x128xf32>, vector<1x128xf32>, vector<1x128xf32>, vector<1x128xf32>, vector<1x128xf32>, vector<1x128xf32>, vector<1x128xf32> -> vector<10x128xf32>
    %dot_general3A_699 = arith.constant dense<0.000000e+00> : vector<128x128xf32>
    %dot_general3A_700 = tpu.matmul %concatenate3A_698, %get3A_39, %dot_general3A_699 {dimension_numbers = #tpu.dot_dimension_numbers<[0], [0], [1], [1], [0, 1, 1, 1], [], []>, transpose_lhs_hint = false} : vector<10x128xf32>, vector<10x128xf32>, vector<128x128xf32> -> vector<128x128xf32>
    %add3A_701 = vector.broadcast %get3A_42 : vector<1x128xf32> to vector<128x128xf32>
    %add3A_702 = arith.addf %dot_general3A_700, %add3A_701 : vector<128x128xf32>
    %max3A_703 = arith.constant 0.000000e+00 : f32
    %max3A_704 = vector.broadcast %max3A_703 : f32 to vector<128x128xf32>
    %max3A_705 = arith.maximumf %add3A_702, %max3A_704 : vector<128x128xf32>
    %swap3A_706 = arith.constant 3968 : index
    %swap3A_707 = arith.constant 0 : index
    %swap3A_708 = vector.load %arg9[%swap3A_706, %swap3A_707] : memref<8192x128xf32, #tpu.memory_space<vmem>>, vector<128x128xf32>
    tpu.vector_store %arg9[%swap3A_706, %swap3A_707], %max3A_705 {strides = array<i32>} : memref<8192x128xf32, #tpu.memory_space<vmem>>, vector<128x128xf32>,
    %slice3A_709 = vector.extract_strided_slice %get3A_36 {offsets = [32, 0], sizes = [1, 128], strides = [1, 1]} : vector<64x128xf32> to vector<1x128xf32>
    %slice3A_710 = vector.extract_strided_slice %get3A_26 {offsets = [32, 0], sizes = [1, 128], strides = [1, 1]} : vector<64x128xf32> to vector<1x128xf32>
    %slice3A_711 = vector.extract_strided_slice %get3A_31 {offsets = [32, 0], sizes = [1, 128], strides = [1, 1]} : vector<64x128xf32> to vector<1x128xf32>
    %slice3A_712 = vector.extract_strided_slice %get3A_4 {offsets = [32, 0], sizes = [1, 128], strides = [1, 1]} : vector<64x128xf32> to vector<1x128xf32>
    %slice3A_713 = vector.extract_strided_slice %get3A_9 {offsets = [32, 0], sizes = [1, 128], strides = [1, 1]} : vector<64x128xf32> to vector<1x128xf32>
    %slice3A_714 = vector.extract_strided_slice %get3A_14 {offsets = [32, 0], sizes = [1, 128], strides = [1, 1]} : vector<64x128xf32> to vector<1x128xf32>
    %slice3A_715 = vector.extract_strided_slice %get3A_19 {offsets = [32, 0], sizes = [1, 128], strides = [1, 1]} : vector<64x128xf32> to vector<1x128xf32>
    %slice3A_716 = vector.extract_strided_slice %sub3A {offsets = [32, 0], sizes = [1, 128], strides = [1, 1]} : vector<64x128xf32> to vector<1x128xf32>
    %slice3A_717 = vector.extract_strided_slice %sub3A_20 {offsets = [32, 0], sizes = [1, 128], strides = [1, 1]} : vector<64x128xf32> to vector<1x128xf32>
    %slice3A_718 = vector.extract_strided_slice %mul3A_21 {offsets = [32, 0], sizes = [1, 128], strides = [1, 1]} : vector<64x128xf32> to vector<1x128xf32>
    %concatenate3A_719 = tpu.concatenate %slice3A_709, %slice3A_710, %slice3A_711, %slice3A_712, %slice3A_713, %slice3A_714, %slice3A_715, %slice3A_716, %slice3A_717, %slice3A_718 in 0 : vector<1x128xf32>, vector<1x128xf32>, vector<1x128xf32>, vector<1x128xf32>, vector<1x128xf32>, vector<1x128xf32>, vector<1x128xf32>, vector<1x128xf32>, vector<1x128xf32>, vector<1x128xf32> -> vector<10x128xf32>
    %dot_general3A_720 = arith.constant dense<0.000000e+00> : vector<128x128xf32>
    %dot_general3A_721 = tpu.matmul %concatenate3A_719, %get3A_39, %dot_general3A_720 {dimension_numbers = #tpu.dot_dimension_numbers<[0], [0], [1], [1], [0, 1, 1, 1], [], []>, transpose_lhs_hint = false} : vector<10x128xf32>, vector<10x128xf32>, vector<128x128xf32> -> vector<128x128xf32>
    %add3A_722 = vector.broadcast %get3A_42 : vector<1x128xf32> to vector<128x128xf32>
    %add3A_723 = arith.addf %dot_general3A_721, %add3A_722 : vector<128x128xf32>
    %max3A_724 = arith.constant 0.000000e+00 : f32
    %max3A_725 = vector.broadcast %max3A_724 : f32 to vector<128x128xf32>
    %max3A_726 = arith.maximumf %add3A_723, %max3A_725 : vector<128x128xf32>
    %swap3A_727 = arith.constant 4096 : index
    %swap3A_728 = arith.constant 0 : index
    %swap3A_729 = vector.load %arg9[%swap3A_727, %swap3A_728] : memref<8192x128xf32, #tpu.memory_space<vmem>>, vector<128x128xf32>
    tpu.vector_store %arg9[%swap3A_727, %swap3A_728], %max3A_726 {strides = array<i32>} : memref<8192x128xf32, #tpu.memory_space<vmem>>, vector<128x128xf32>,
    %slice3A_730 = vector.extract_strided_slice %get3A_36 {offsets = [33, 0], sizes = [1, 128], strides = [1, 1]} : vector<64x128xf32> to vector<1x128xf32>
    %slice3A_731 = vector.extract_strided_slice %get3A_26 {offsets = [33, 0], sizes = [1, 128], strides = [1, 1]} : vector<64x128xf32> to vector<1x128xf32>
    %slice3A_732 = vector.extract_strided_slice %get3A_31 {offsets = [33, 0], sizes = [1, 128], strides = [1, 1]} : vector<64x128xf32> to vector<1x128xf32>
    %slice3A_733 = vector.extract_strided_slice %get3A_4 {offsets = [33, 0], sizes = [1, 128], strides = [1, 1]} : vector<64x128xf32> to vector<1x128xf32>
    %slice3A_734 = vector.extract_strided_slice %get3A_9 {offsets = [33, 0], sizes = [1, 128], strides = [1, 1]} : vector<64x128xf32> to vector<1x128xf32>
    %slice3A_735 = vector.extract_strided_slice %get3A_14 {offsets = [33, 0], sizes = [1, 128], strides = [1, 1]} : vector<64x128xf32> to vector<1x128xf32>
    %slice3A_736 = vector.extract_strided_slice %get3A_19 {offsets = [33, 0], sizes = [1, 128], strides = [1, 1]} : vector<64x128xf32> to vector<1x128xf32>
    %slice3A_737 = vector.extract_strided_slice %sub3A {offsets = [33, 0], sizes = [1, 128], strides = [1, 1]} : vector<64x128xf32> to vector<1x128xf32>
    %slice3A_738 = vector.extract_strided_slice %sub3A_20 {offsets = [33, 0], sizes = [1, 128], strides = [1, 1]} : vector<64x128xf32> to vector<1x128xf32>
    %slice3A_739 = vector.extract_strided_slice %mul3A_21 {offsets = [33, 0], sizes = [1, 128], strides = [1, 1]} : vector<64x128xf32> to vector<1x128xf32>
    %concatenate3A_740 = tpu.concatenate %slice3A_730, %slice3A_731, %slice3A_732, %slice3A_733, %slice3A_734, %slice3A_735, %slice3A_736, %slice3A_737, %slice3A_738, %slice3A_739 in 0 : vector<1x128xf32>, vector<1x128xf32>, vector<1x128xf32>, vector<1x128xf32>, vector<1x128xf32>, vector<1x128xf32>, vector<1x128xf32>, vector<1x128xf32>, vector<1x128xf32>, vector<1x128xf32> -> vector<10x128xf32>
    %dot_general3A_741 = arith.constant dense<0.000000e+00> : vector<128x128xf32>
    %dot_general3A_742 = tpu.matmul %concatenate3A_740, %get3A_39, %dot_general3A_741 {dimension_numbers = #tpu.dot_dimension_numbers<[0], [0], [1], [1], [0, 1, 1, 1], [], []>, transpose_lhs_hint = false} : vector<10x128xf32>, vector<10x128xf32>, vector<128x128xf32> -> vector<128x128xf32>
    %add3A_743 = vector.broadcast %get3A_42 : vector<1x128xf32> to vector<128x128xf32>
    %add3A_744 = arith.addf %dot_general3A_742, %add3A_743 : vector<128x128xf32>
    %max3A_745 = arith.constant 0.000000e+00 : f32
    %max3A_746 = vector.broadcast %max3A_745 : f32 to vector<128x128xf32>
    %max3A_747 = arith.maximumf %add3A_744, %max3A_746 : vector<128x128xf32>
    %swap3A_748 = arith.constant 4224 : index
    %swap3A_749 = arith.constant 0 : index
    %swap3A_750 = vector.load %arg9[%swap3A_748, %swap3A_749] : memref<8192x128xf32, #tpu.memory_space<vmem>>, vector<128x128xf32>
    tpu.vector_store %arg9[%swap3A_748, %swap3A_749], %max3A_747 {strides = array<i32>} : memref<8192x128xf32, #tpu.memory_space<vmem>>, vector<128x128xf32>,
    %slice3A_751 = vector.extract_strided_slice %get3A_36 {offsets = [34, 0], sizes = [1, 128], strides = [1, 1]} : vector<64x128xf32> to vector<1x128xf32>
    %slice3A_752 = vector.extract_strided_slice %get3A_26 {offsets = [34, 0], sizes = [1, 128], strides = [1, 1]} : vector<64x128xf32> to vector<1x128xf32>
    %slice3A_753 = vector.extract_strided_slice %get3A_31 {offsets = [34, 0], sizes = [1, 128], strides = [1, 1]} : vector<64x128xf32> to vector<1x128xf32>
    %slice3A_754 = vector.extract_strided_slice %get3A_4 {offsets = [34, 0], sizes = [1, 128], strides = [1, 1]} : vector<64x128xf32> to vector<1x128xf32>
    %slice3A_755 = vector.extract_strided_slice %get3A_9 {offsets = [34, 0], sizes = [1, 128], strides = [1, 1]} : vector<64x128xf32> to vector<1x128xf32>
    %slice3A_756 = vector.extract_strided_slice %get3A_14 {offsets = [34, 0], sizes = [1, 128], strides = [1, 1]} : vector<64x128xf32> to vector<1x128xf32>
    %slice3A_757 = vector.extract_strided_slice %get3A_19 {offsets = [34, 0], sizes = [1, 128], strides = [1, 1]} : vector<64x128xf32> to vector<1x128xf32>
    %slice3A_758 = vector.extract_strided_slice %sub3A {offsets = [34, 0], sizes = [1, 128], strides = [1, 1]} : vector<64x128xf32> to vector<1x128xf32>
    %slice3A_759 = vector.extract_strided_slice %sub3A_20 {offsets = [34, 0], sizes = [1, 128], strides = [1, 1]} : vector<64x128xf32> to vector<1x128xf32>
    %slice3A_760 = vector.extract_strided_slice %mul3A_21 {offsets = [34, 0], sizes = [1, 128], strides = [1, 1]} : vector<64x128xf32> to vector<1x128xf32>
    %concatenate3A_761 = tpu.concatenate %slice3A_751, %slice3A_752, %slice3A_753, %slice3A_754, %slice3A_755, %slice3A_756, %slice3A_757, %slice3A_758, %slice3A_759, %slice3A_760 in 0 : vector<1x128xf32>, vector<1x128xf32>, vector<1x128xf32>, vector<1x128xf32>, vector<1x128xf32>, vector<1x128xf32>, vector<1x128xf32>, vector<1x128xf32>, vector<1x128xf32>, vector<1x128xf32> -> vector<10x128xf32>
    %dot_general3A_762 = arith.constant dense<0.000000e+00> : vector<128x128xf32>
    %dot_general3A_763 = tpu.matmul %concatenate3A_761, %get3A_39, %dot_general3A_762 {dimension_numbers = #tpu.dot_dimension_numbers<[0], [0], [1], [1], [0, 1, 1, 1], [], []>, transpose_lhs_hint = false} : vector<10x128xf32>, vector<10x128xf32>, vector<128x128xf32> -> vector<128x128xf32>
    %add3A_764 = vector.broadcast %get3A_42 : vector<1x128xf32> to vector<128x128xf32>
    %add3A_765 = arith.addf %dot_general3A_763, %add3A_764 : vector<128x128xf32>
    %max3A_766 = arith.constant 0.000000e+00 : f32
    %max3A_767 = vector.broadcast %max3A_766 : f32 to vector<128x128xf32>
    %max3A_768 = arith.maximumf %add3A_765, %max3A_767 : vector<128x128xf32>
    %swap3A_769 = arith.constant 4352 : index
    %swap3A_770 = arith.constant 0 : index
    %swap3A_771 = vector.load %arg9[%swap3A_769, %swap3A_770] : memref<8192x128xf32, #tpu.memory_space<vmem>>, vector<128x128xf32>
    tpu.vector_store %arg9[%swap3A_769, %swap3A_770], %max3A_768 {strides = array<i32>} : memref<8192x128xf32, #tpu.memory_space<vmem>>, vector<128x128xf32>,
    %slice3A_772 = vector.extract_strided_slice %get3A_36 {offsets = [35, 0], sizes = [1, 128], strides = [1, 1]} : vector<64x128xf32> to vector<1x128xf32>
    %slice3A_773 = vector.extract_strided_slice %get3A_26 {offsets = [35, 0], sizes = [1, 128], strides = [1, 1]} : vector<64x128xf32> to vector<1x128xf32>
    %slice3A_774 = vector.extract_strided_slice %get3A_31 {offsets = [35, 0], sizes = [1, 128], strides = [1, 1]} : vector<64x128xf32> to vector<1x128xf32>
    %slice3A_775 = vector.extract_strided_slice %get3A_4 {offsets = [35, 0], sizes = [1, 128], strides = [1, 1]} : vector<64x128xf32> to vector<1x128xf32>
    %slice3A_776 = vector.extract_strided_slice %get3A_9 {offsets = [35, 0], sizes = [1, 128], strides = [1, 1]} : vector<64x128xf32> to vector<1x128xf32>
    %slice3A_777 = vector.extract_strided_slice %get3A_14 {offsets = [35, 0], sizes = [1, 128], strides = [1, 1]} : vector<64x128xf32> to vector<1x128xf32>
    %slice3A_778 = vector.extract_strided_slice %get3A_19 {offsets = [35, 0], sizes = [1, 128], strides = [1, 1]} : vector<64x128xf32> to vector<1x128xf32>
    %slice3A_779 = vector.extract_strided_slice %sub3A {offsets = [35, 0], sizes = [1, 128], strides = [1, 1]} : vector<64x128xf32> to vector<1x128xf32>
    %slice3A_780 = vector.extract_strided_slice %sub3A_20 {offsets = [35, 0], sizes = [1, 128], strides = [1, 1]} : vector<64x128xf32> to vector<1x128xf32>
    %slice3A_781 = vector.extract_strided_slice %mul3A_21 {offsets = [35, 0], sizes = [1, 128], strides = [1, 1]} : vector<64x128xf32> to vector<1x128xf32>
    %concatenate3A_782 = tpu.concatenate %slice3A_772, %slice3A_773, %slice3A_774, %slice3A_775, %slice3A_776, %slice3A_777, %slice3A_778, %slice3A_779, %slice3A_780, %slice3A_781 in 0 : vector<1x128xf32>, vector<1x128xf32>, vector<1x128xf32>, vector<1x128xf32>, vector<1x128xf32>, vector<1x128xf32>, vector<1x128xf32>, vector<1x128xf32>, vector<1x128xf32>, vector<1x128xf32> -> vector<10x128xf32>
    %dot_general3A_783 = arith.constant dense<0.000000e+00> : vector<128x128xf32>
    %dot_general3A_784 = tpu.matmul %concatenate3A_782, %get3A_39, %dot_general3A_783 {dimension_numbers = #tpu.dot_dimension_numbers<[0], [0], [1], [1], [0, 1, 1, 1], [], []>, transpose_lhs_hint = false} : vector<10x128xf32>, vector<10x128xf32>, vector<128x128xf32> -> vector<128x128xf32>
    %add3A_785 = vector.broadcast %get3A_42 : vector<1x128xf32> to vector<128x128xf32>
    %add3A_786 = arith.addf %dot_general3A_784, %add3A_785 : vector<128x128xf32>
    %max3A_787 = arith.constant 0.000000e+00 : f32
    %max3A_788 = vector.broadcast %max3A_787 : f32 to vector<128x128xf32>
    %max3A_789 = arith.maximumf %add3A_786, %max3A_788 : vector<128x128xf32>
    %swap3A_790 = arith.constant 4480 : index
    %swap3A_791 = arith.constant 0 : index
    %swap3A_792 = vector.load %arg9[%swap3A_790, %swap3A_791] : memref<8192x128xf32, #tpu.memory_space<vmem>>, vector<128x128xf32>
    tpu.vector_store %arg9[%swap3A_790, %swap3A_791], %max3A_789 {strides = array<i32>} : memref<8192x128xf32, #tpu.memory_space<vmem>>, vector<128x128xf32>,
    %slice3A_793 = vector.extract_strided_slice %get3A_36 {offsets = [36, 0], sizes = [1, 128], strides = [1, 1]} : vector<64x128xf32> to vector<1x128xf32>
    %slice3A_794 = vector.extract_strided_slice %get3A_26 {offsets = [36, 0], sizes = [1, 128], strides = [1, 1]} : vector<64x128xf32> to vector<1x128xf32>
    %slice3A_795 = vector.extract_strided_slice %get3A_31 {offsets = [36, 0], sizes = [1, 128], strides = [1, 1]} : vector<64x128xf32> to vector<1x128xf32>
    %slice3A_796 = vector.extract_strided_slice %get3A_4 {offsets = [36, 0], sizes = [1, 128], strides = [1, 1]} : vector<64x128xf32> to vector<1x128xf32>
    %slice3A_797 = vector.extract_strided_slice %get3A_9 {offsets = [36, 0], sizes = [1, 128], strides = [1, 1]} : vector<64x128xf32> to vector<1x128xf32>
    %slice3A_798 = vector.extract_strided_slice %get3A_14 {offsets = [36, 0], sizes = [1, 128], strides = [1, 1]} : vector<64x128xf32> to vector<1x128xf32>
    %slice3A_799 = vector.extract_strided_slice %get3A_19 {offsets = [36, 0], sizes = [1, 128], strides = [1, 1]} : vector<64x128xf32> to vector<1x128xf32>
    %slice3A_800 = vector.extract_strided_slice %sub3A {offsets = [36, 0], sizes = [1, 128], strides = [1, 1]} : vector<64x128xf32> to vector<1x128xf32>
    %slice3A_801 = vector.extract_strided_slice %sub3A_20 {offsets = [36, 0], sizes = [1, 128], strides = [1, 1]} : vector<64x128xf32> to vector<1x128xf32>
    %slice3A_802 = vector.extract_strided_slice %mul3A_21 {offsets = [36, 0], sizes = [1, 128], strides = [1, 1]} : vector<64x128xf32> to vector<1x128xf32>
    %concatenate3A_803 = tpu.concatenate %slice3A_793, %slice3A_794, %slice3A_795, %slice3A_796, %slice3A_797, %slice3A_798, %slice3A_799, %slice3A_800, %slice3A_801, %slice3A_802 in 0 : vector<1x128xf32>, vector<1x128xf32>, vector<1x128xf32>, vector<1x128xf32>, vector<1x128xf32>, vector<1x128xf32>, vector<1x128xf32>, vector<1x128xf32>, vector<1x128xf32>, vector<1x128xf32> -> vector<10x128xf32>
    %dot_general3A_804 = arith.constant dense<0.000000e+00> : vector<128x128xf32>
    %dot_general3A_805 = tpu.matmul %concatenate3A_803, %get3A_39, %dot_general3A_804 {dimension_numbers = #tpu.dot_dimension_numbers<[0], [0], [1], [1], [0, 1, 1, 1], [], []>, transpose_lhs_hint = false} : vector<10x128xf32>, vector<10x128xf32>, vector<128x128xf32> -> vector<128x128xf32>
    %add3A_806 = vector.broadcast %get3A_42 : vector<1x128xf32> to vector<128x128xf32>
    %add3A_807 = arith.addf %dot_general3A_805, %add3A_806 : vector<128x128xf32>
    %max3A_808 = arith.constant 0.000000e+00 : f32
    %max3A_809 = vector.broadcast %max3A_808 : f32 to vector<128x128xf32>
    %max3A_810 = arith.maximumf %add3A_807, %max3A_809 : vector<128x128xf32>
    %swap3A_811 = arith.constant 4608 : index
    %swap3A_812 = arith.constant 0 : index
    %swap3A_813 = vector.load %arg9[%swap3A_811, %swap3A_812] : memref<8192x128xf32, #tpu.memory_space<vmem>>, vector<128x128xf32>
    tpu.vector_store %arg9[%swap3A_811, %swap3A_812], %max3A_810 {strides = array<i32>} : memref<8192x128xf32, #tpu.memory_space<vmem>>, vector<128x128xf32>,
    %slice3A_814 = vector.extract_strided_slice %get3A_36 {offsets = [37, 0], sizes = [1, 128], strides = [1, 1]} : vector<64x128xf32> to vector<1x128xf32>
    %slice3A_815 = vector.extract_strided_slice %get3A_26 {offsets = [37, 0], sizes = [1, 128], strides = [1, 1]} : vector<64x128xf32> to vector<1x128xf32>
    %slice3A_816 = vector.extract_strided_slice %get3A_31 {offsets = [37, 0], sizes = [1, 128], strides = [1, 1]} : vector<64x128xf32> to vector<1x128xf32>
    %slice3A_817 = vector.extract_strided_slice %get3A_4 {offsets = [37, 0], sizes = [1, 128], strides = [1, 1]} : vector<64x128xf32> to vector<1x128xf32>
    %slice3A_818 = vector.extract_strided_slice %get3A_9 {offsets = [37, 0], sizes = [1, 128], strides = [1, 1]} : vector<64x128xf32> to vector<1x128xf32>
    %slice3A_819 = vector.extract_strided_slice %get3A_14 {offsets = [37, 0], sizes = [1, 128], strides = [1, 1]} : vector<64x128xf32> to vector<1x128xf32>
    %slice3A_820 = vector.extract_strided_slice %get3A_19 {offsets = [37, 0], sizes = [1, 128], strides = [1, 1]} : vector<64x128xf32> to vector<1x128xf32>
    %slice3A_821 = vector.extract_strided_slice %sub3A {offsets = [37, 0], sizes = [1, 128], strides = [1, 1]} : vector<64x128xf32> to vector<1x128xf32>
    %slice3A_822 = vector.extract_strided_slice %sub3A_20 {offsets = [37, 0], sizes = [1, 128], strides = [1, 1]} : vector<64x128xf32> to vector<1x128xf32>
    %slice3A_823 = vector.extract_strided_slice %mul3A_21 {offsets = [37, 0], sizes = [1, 128], strides = [1, 1]} : vector<64x128xf32> to vector<1x128xf32>
    %concatenate3A_824 = tpu.concatenate %slice3A_814, %slice3A_815, %slice3A_816, %slice3A_817, %slice3A_818, %slice3A_819, %slice3A_820, %slice3A_821, %slice3A_822, %slice3A_823 in 0 : vector<1x128xf32>, vector<1x128xf32>, vector<1x128xf32>, vector<1x128xf32>, vector<1x128xf32>, vector<1x128xf32>, vector<1x128xf32>, vector<1x128xf32>, vector<1x128xf32>, vector<1x128xf32> -> vector<10x128xf32>
    %dot_general3A_825 = arith.constant dense<0.000000e+00> : vector<128x128xf32>
    %dot_general3A_826 = tpu.matmul %concatenate3A_824, %get3A_39, %dot_general3A_825 {dimension_numbers = #tpu.dot_dimension_numbers<[0], [0], [1], [1], [0, 1, 1, 1], [], []>, transpose_lhs_hint = false} : vector<10x128xf32>, vector<10x128xf32>, vector<128x128xf32> -> vector<128x128xf32>
    %add3A_827 = vector.broadcast %get3A_42 : vector<1x128xf32> to vector<128x128xf32>
    %add3A_828 = arith.addf %dot_general3A_826, %add3A_827 : vector<128x128xf32>
    %max3A_829 = arith.constant 0.000000e+00 : f32
    %max3A_830 = vector.broadcast %max3A_829 : f32 to vector<128x128xf32>
    %max3A_831 = arith.maximumf %add3A_828, %max3A_830 : vector<128x128xf32>
    %swap3A_832 = arith.constant 4736 : index
    %swap3A_833 = arith.constant 0 : index
    %swap3A_834 = vector.load %arg9[%swap3A_832, %swap3A_833] : memref<8192x128xf32, #tpu.memory_space<vmem>>, vector<128x128xf32>
    tpu.vector_store %arg9[%swap3A_832, %swap3A_833], %max3A_831 {strides = array<i32>} : memref<8192x128xf32, #tpu.memory_space<vmem>>, vector<128x128xf32>,
    %slice3A_835 = vector.extract_strided_slice %get3A_36 {offsets = [38, 0], sizes = [1, 128], strides = [1, 1]} : vector<64x128xf32> to vector<1x128xf32>
    %slice3A_836 = vector.extract_strided_slice %get3A_26 {offsets = [38, 0], sizes = [1, 128], strides = [1, 1]} : vector<64x128xf32> to vector<1x128xf32>
    %slice3A_837 = vector.extract_strided_slice %get3A_31 {offsets = [38, 0], sizes = [1, 128], strides = [1, 1]} : vector<64x128xf32> to vector<1x128xf32>
    %slice3A_838 = vector.extract_strided_slice %get3A_4 {offsets = [38, 0], sizes = [1, 128], strides = [1, 1]} : vector<64x128xf32> to vector<1x128xf32>
    %slice3A_839 = vector.extract_strided_slice %get3A_9 {offsets = [38, 0], sizes = [1, 128], strides = [1, 1]} : vector<64x128xf32> to vector<1x128xf32>
    %slice3A_840 = vector.extract_strided_slice %get3A_14 {offsets = [38, 0], sizes = [1, 128], strides = [1, 1]} : vector<64x128xf32> to vector<1x128xf32>
    %slice3A_841 = vector.extract_strided_slice %get3A_19 {offsets = [38, 0], sizes = [1, 128], strides = [1, 1]} : vector<64x128xf32> to vector<1x128xf32>
    %slice3A_842 = vector.extract_strided_slice %sub3A {offsets = [38, 0], sizes = [1, 128], strides = [1, 1]} : vector<64x128xf32> to vector<1x128xf32>
    %slice3A_843 = vector.extract_strided_slice %sub3A_20 {offsets = [38, 0], sizes = [1, 128], strides = [1, 1]} : vector<64x128xf32> to vector<1x128xf32>
    %slice3A_844 = vector.extract_strided_slice %mul3A_21 {offsets = [38, 0], sizes = [1, 128], strides = [1, 1]} : vector<64x128xf32> to vector<1x128xf32>
    %concatenate3A_845 = tpu.concatenate %slice3A_835, %slice3A_836, %slice3A_837, %slice3A_838, %slice3A_839, %slice3A_840, %slice3A_841, %slice3A_842, %slice3A_843, %slice3A_844 in 0 : vector<1x128xf32>, vector<1x128xf32>, vector<1x128xf32>, vector<1x128xf32>, vector<1x128xf32>, vector<1x128xf32>, vector<1x128xf32>, vector<1x128xf32>, vector<1x128xf32>, vector<1x128xf32> -> vector<10x128xf32>
    %dot_general3A_846 = arith.constant dense<0.000000e+00> : vector<128x128xf32>
    %dot_general3A_847 = tpu.matmul %concatenate3A_845, %get3A_39, %dot_general3A_846 {dimension_numbers = #tpu.dot_dimension_numbers<[0], [0], [1], [1], [0, 1, 1, 1], [], []>, transpose_lhs_hint = false} : vector<10x128xf32>, vector<10x128xf32>, vector<128x128xf32> -> vector<128x128xf32>
    %add3A_848 = vector.broadcast %get3A_42 : vector<1x128xf32> to vector<128x128xf32>
    %add3A_849 = arith.addf %dot_general3A_847, %add3A_848 : vector<128x128xf32>
    %max3A_850 = arith.constant 0.000000e+00 : f32
    %max3A_851 = vector.broadcast %max3A_850 : f32 to vector<128x128xf32>
    %max3A_852 = arith.maximumf %add3A_849, %max3A_851 : vector<128x128xf32>
    %swap3A_853 = arith.constant 4864 : index
    %swap3A_854 = arith.constant 0 : index
    %swap3A_855 = vector.load %arg9[%swap3A_853, %swap3A_854] : memref<8192x128xf32, #tpu.memory_space<vmem>>, vector<128x128xf32>
    tpu.vector_store %arg9[%swap3A_853, %swap3A_854], %max3A_852 {strides = array<i32>} : memref<8192x128xf32, #tpu.memory_space<vmem>>, vector<128x128xf32>,
    %slice3A_856 = vector.extract_strided_slice %get3A_36 {offsets = [39, 0], sizes = [1, 128], strides = [1, 1]} : vector<64x128xf32> to vector<1x128xf32>
    %slice3A_857 = vector.extract_strided_slice %get3A_26 {offsets = [39, 0], sizes = [1, 128], strides = [1, 1]} : vector<64x128xf32> to vector<1x128xf32>
    %slice3A_858 = vector.extract_strided_slice %get3A_31 {offsets = [39, 0], sizes = [1, 128], strides = [1, 1]} : vector<64x128xf32> to vector<1x128xf32>
    %slice3A_859 = vector.extract_strided_slice %get3A_4 {offsets = [39, 0], sizes = [1, 128], strides = [1, 1]} : vector<64x128xf32> to vector<1x128xf32>
    %slice3A_860 = vector.extract_strided_slice %get3A_9 {offsets = [39, 0], sizes = [1, 128], strides = [1, 1]} : vector<64x128xf32> to vector<1x128xf32>
    %slice3A_861 = vector.extract_strided_slice %get3A_14 {offsets = [39, 0], sizes = [1, 128], strides = [1, 1]} : vector<64x128xf32> to vector<1x128xf32>
    %slice3A_862 = vector.extract_strided_slice %get3A_19 {offsets = [39, 0], sizes = [1, 128], strides = [1, 1]} : vector<64x128xf32> to vector<1x128xf32>
    %slice3A_863 = vector.extract_strided_slice %sub3A {offsets = [39, 0], sizes = [1, 128], strides = [1, 1]} : vector<64x128xf32> to vector<1x128xf32>
    %slice3A_864 = vector.extract_strided_slice %sub3A_20 {offsets = [39, 0], sizes = [1, 128], strides = [1, 1]} : vector<64x128xf32> to vector<1x128xf32>
    %slice3A_865 = vector.extract_strided_slice %mul3A_21 {offsets = [39, 0], sizes = [1, 128], strides = [1, 1]} : vector<64x128xf32> to vector<1x128xf32>
    %concatenate3A_866 = tpu.concatenate %slice3A_856, %slice3A_857, %slice3A_858, %slice3A_859, %slice3A_860, %slice3A_861, %slice3A_862, %slice3A_863, %slice3A_864, %slice3A_865 in 0 : vector<1x128xf32>, vector<1x128xf32>, vector<1x128xf32>, vector<1x128xf32>, vector<1x128xf32>, vector<1x128xf32>, vector<1x128xf32>, vector<1x128xf32>, vector<1x128xf32>, vector<1x128xf32> -> vector<10x128xf32>
    %dot_general3A_867 = arith.constant dense<0.000000e+00> : vector<128x128xf32>
    %dot_general3A_868 = tpu.matmul %concatenate3A_866, %get3A_39, %dot_general3A_867 {dimension_numbers = #tpu.dot_dimension_numbers<[0], [0], [1], [1], [0, 1, 1, 1], [], []>, transpose_lhs_hint = false} : vector<10x128xf32>, vector<10x128xf32>, vector<128x128xf32> -> vector<128x128xf32>
    %add3A_869 = vector.broadcast %get3A_42 : vector<1x128xf32> to vector<128x128xf32>
    %add3A_870 = arith.addf %dot_general3A_868, %add3A_869 : vector<128x128xf32>
    %max3A_871 = arith.constant 0.000000e+00 : f32
    %max3A_872 = vector.broadcast %max3A_871 : f32 to vector<128x128xf32>
    %max3A_873 = arith.maximumf %add3A_870, %max3A_872 : vector<128x128xf32>
    %swap3A_874 = arith.constant 4992 : index
    %swap3A_875 = arith.constant 0 : index
    %swap3A_876 = vector.load %arg9[%swap3A_874, %swap3A_875] : memref<8192x128xf32, #tpu.memory_space<vmem>>, vector<128x128xf32>
    tpu.vector_store %arg9[%swap3A_874, %swap3A_875], %max3A_873 {strides = array<i32>} : memref<8192x128xf32, #tpu.memory_space<vmem>>, vector<128x128xf32>,
    %slice3A_877 = vector.extract_strided_slice %get3A_36 {offsets = [40, 0], sizes = [1, 128], strides = [1, 1]} : vector<64x128xf32> to vector<1x128xf32>
    %slice3A_878 = vector.extract_strided_slice %get3A_26 {offsets = [40, 0], sizes = [1, 128], strides = [1, 1]} : vector<64x128xf32> to vector<1x128xf32>
    %slice3A_879 = vector.extract_strided_slice %get3A_31 {offsets = [40, 0], sizes = [1, 128], strides = [1, 1]} : vector<64x128xf32> to vector<1x128xf32>
    %slice3A_880 = vector.extract_strided_slice %get3A_4 {offsets = [40, 0], sizes = [1, 128], strides = [1, 1]} : vector<64x128xf32> to vector<1x128xf32>
    %slice3A_881 = vector.extract_strided_slice %get3A_9 {offsets = [40, 0], sizes = [1, 128], strides = [1, 1]} : vector<64x128xf32> to vector<1x128xf32>
    %slice3A_882 = vector.extract_strided_slice %get3A_14 {offsets = [40, 0], sizes = [1, 128], strides = [1, 1]} : vector<64x128xf32> to vector<1x128xf32>
    %slice3A_883 = vector.extract_strided_slice %get3A_19 {offsets = [40, 0], sizes = [1, 128], strides = [1, 1]} : vector<64x128xf32> to vector<1x128xf32>
    %slice3A_884 = vector.extract_strided_slice %sub3A {offsets = [40, 0], sizes = [1, 128], strides = [1, 1]} : vector<64x128xf32> to vector<1x128xf32>
    %slice3A_885 = vector.extract_strided_slice %sub3A_20 {offsets = [40, 0], sizes = [1, 128], strides = [1, 1]} : vector<64x128xf32> to vector<1x128xf32>
    %slice3A_886 = vector.extract_strided_slice %mul3A_21 {offsets = [40, 0], sizes = [1, 128], strides = [1, 1]} : vector<64x128xf32> to vector<1x128xf32>
    %concatenate3A_887 = tpu.concatenate %slice3A_877, %slice3A_878, %slice3A_879, %slice3A_880, %slice3A_881, %slice3A_882, %slice3A_883, %slice3A_884, %slice3A_885, %slice3A_886 in 0 : vector<1x128xf32>, vector<1x128xf32>, vector<1x128xf32>, vector<1x128xf32>, vector<1x128xf32>, vector<1x128xf32>, vector<1x128xf32>, vector<1x128xf32>, vector<1x128xf32>, vector<1x128xf32> -> vector<10x128xf32>
    %dot_general3A_888 = arith.constant dense<0.000000e+00> : vector<128x128xf32>
    %dot_general3A_889 = tpu.matmul %concatenate3A_887, %get3A_39, %dot_general3A_888 {dimension_numbers = #tpu.dot_dimension_numbers<[0], [0], [1], [1], [0, 1, 1, 1], [], []>, transpose_lhs_hint = false} : vector<10x128xf32>, vector<10x128xf32>, vector<128x128xf32> -> vector<128x128xf32>
    %add3A_890 = vector.broadcast %get3A_42 : vector<1x128xf32> to vector<128x128xf32>
    %add3A_891 = arith.addf %dot_general3A_889, %add3A_890 : vector<128x128xf32>
    %max3A_892 = arith.constant 0.000000e+00 : f32
    %max3A_893 = vector.broadcast %max3A_892 : f32 to vector<128x128xf32>
    %max3A_894 = arith.maximumf %add3A_891, %max3A_893 : vector<128x128xf32>
    %swap3A_895 = arith.constant 5120 : index
    %swap3A_896 = arith.constant 0 : index
    %swap3A_897 = vector.load %arg9[%swap3A_895, %swap3A_896] : memref<8192x128xf32, #tpu.memory_space<vmem>>, vector<128x128xf32>
    tpu.vector_store %arg9[%swap3A_895, %swap3A_896], %max3A_894 {strides = array<i32>} : memref<8192x128xf32, #tpu.memory_space<vmem>>, vector<128x128xf32>,
    %slice3A_898 = vector.extract_strided_slice %get3A_36 {offsets = [41, 0], sizes = [1, 128], strides = [1, 1]} : vector<64x128xf32> to vector<1x128xf32>
    %slice3A_899 = vector.extract_strided_slice %get3A_26 {offsets = [41, 0], sizes = [1, 128], strides = [1, 1]} : vector<64x128xf32> to vector<1x128xf32>
    %slice3A_900 = vector.extract_strided_slice %get3A_31 {offsets = [41, 0], sizes = [1, 128], strides = [1, 1]} : vector<64x128xf32> to vector<1x128xf32>
    %slice3A_901 = vector.extract_strided_slice %get3A_4 {offsets = [41, 0], sizes = [1, 128], strides = [1, 1]} : vector<64x128xf32> to vector<1x128xf32>
    %slice3A_902 = vector.extract_strided_slice %get3A_9 {offsets = [41, 0], sizes = [1, 128], strides = [1, 1]} : vector<64x128xf32> to vector<1x128xf32>
    %slice3A_903 = vector.extract_strided_slice %get3A_14 {offsets = [41, 0], sizes = [1, 128], strides = [1, 1]} : vector<64x128xf32> to vector<1x128xf32>
    %slice3A_904 = vector.extract_strided_slice %get3A_19 {offsets = [41, 0], sizes = [1, 128], strides = [1, 1]} : vector<64x128xf32> to vector<1x128xf32>
    %slice3A_905 = vector.extract_strided_slice %sub3A {offsets = [41, 0], sizes = [1, 128], strides = [1, 1]} : vector<64x128xf32> to vector<1x128xf32>
    %slice3A_906 = vector.extract_strided_slice %sub3A_20 {offsets = [41, 0], sizes = [1, 128], strides = [1, 1]} : vector<64x128xf32> to vector<1x128xf32>
    %slice3A_907 = vector.extract_strided_slice %mul3A_21 {offsets = [41, 0], sizes = [1, 128], strides = [1, 1]} : vector<64x128xf32> to vector<1x128xf32>
    %concatenate3A_908 = tpu.concatenate %slice3A_898, %slice3A_899, %slice3A_900, %slice3A_901, %slice3A_902, %slice3A_903, %slice3A_904, %slice3A_905, %slice3A_906, %slice3A_907 in 0 : vector<1x128xf32>, vector<1x128xf32>, vector<1x128xf32>, vector<1x128xf32>, vector<1x128xf32>, vector<1x128xf32>, vector<1x128xf32>, vector<1x128xf32>, vector<1x128xf32>, vector<1x128xf32> -> vector<10x128xf32>
    %dot_general3A_909 = arith.constant dense<0.000000e+00> : vector<128x128xf32>
    %dot_general3A_910 = tpu.matmul %concatenate3A_908, %get3A_39, %dot_general3A_909 {dimension_numbers = #tpu.dot_dimension_numbers<[0], [0], [1], [1], [0, 1, 1, 1], [], []>, transpose_lhs_hint = false} : vector<10x128xf32>, vector<10x128xf32>, vector<128x128xf32> -> vector<128x128xf32>
    %add3A_911 = vector.broadcast %get3A_42 : vector<1x128xf32> to vector<128x128xf32>
    %add3A_912 = arith.addf %dot_general3A_910, %add3A_911 : vector<128x128xf32>
    %max3A_913 = arith.constant 0.000000e+00 : f32
    %max3A_914 = vector.broadcast %max3A_913 : f32 to vector<128x128xf32>
    %max3A_915 = arith.maximumf %add3A_912, %max3A_914 : vector<128x128xf32>
    %swap3A_916 = arith.constant 5248 : index
    %swap3A_917 = arith.constant 0 : index
    %swap3A_918 = vector.load %arg9[%swap3A_916, %swap3A_917] : memref<8192x128xf32, #tpu.memory_space<vmem>>, vector<128x128xf32>
    tpu.vector_store %arg9[%swap3A_916, %swap3A_917], %max3A_915 {strides = array<i32>} : memref<8192x128xf32, #tpu.memory_space<vmem>>, vector<128x128xf32>,
    %slice3A_919 = vector.extract_strided_slice %get3A_36 {offsets = [42, 0], sizes = [1, 128], strides = [1, 1]} : vector<64x128xf32> to vector<1x128xf32>
    %slice3A_920 = vector.extract_strided_slice %get3A_26 {offsets = [42, 0], sizes = [1, 128], strides = [1, 1]} : vector<64x128xf32> to vector<1x128xf32>
    %slice3A_921 = vector.extract_strided_slice %get3A_31 {offsets = [42, 0], sizes = [1, 128], strides = [1, 1]} : vector<64x128xf32> to vector<1x128xf32>
    %slice3A_922 = vector.extract_strided_slice %get3A_4 {offsets = [42, 0], sizes = [1, 128], strides = [1, 1]} : vector<64x128xf32> to vector<1x128xf32>
    %slice3A_923 = vector.extract_strided_slice %get3A_9 {offsets = [42, 0], sizes = [1, 128], strides = [1, 1]} : vector<64x128xf32> to vector<1x128xf32>
    %slice3A_924 = vector.extract_strided_slice %get3A_14 {offsets = [42, 0], sizes = [1, 128], strides = [1, 1]} : vector<64x128xf32> to vector<1x128xf32>
    %slice3A_925 = vector.extract_strided_slice %get3A_19 {offsets = [42, 0], sizes = [1, 128], strides = [1, 1]} : vector<64x128xf32> to vector<1x128xf32>
    %slice3A_926 = vector.extract_strided_slice %sub3A {offsets = [42, 0], sizes = [1, 128], strides = [1, 1]} : vector<64x128xf32> to vector<1x128xf32>
    %slice3A_927 = vector.extract_strided_slice %sub3A_20 {offsets = [42, 0], sizes = [1, 128], strides = [1, 1]} : vector<64x128xf32> to vector<1x128xf32>
    %slice3A_928 = vector.extract_strided_slice %mul3A_21 {offsets = [42, 0], sizes = [1, 128], strides = [1, 1]} : vector<64x128xf32> to vector<1x128xf32>
    %concatenate3A_929 = tpu.concatenate %slice3A_919, %slice3A_920, %slice3A_921, %slice3A_922, %slice3A_923, %slice3A_924, %slice3A_925, %slice3A_926, %slice3A_927, %slice3A_928 in 0 : vector<1x128xf32>, vector<1x128xf32>, vector<1x128xf32>, vector<1x128xf32>, vector<1x128xf32>, vector<1x128xf32>, vector<1x128xf32>, vector<1x128xf32>, vector<1x128xf32>, vector<1x128xf32> -> vector<10x128xf32>
    %dot_general3A_930 = arith.constant dense<0.000000e+00> : vector<128x128xf32>
    %dot_general3A_931 = tpu.matmul %concatenate3A_929, %get3A_39, %dot_general3A_930 {dimension_numbers = #tpu.dot_dimension_numbers<[0], [0], [1], [1], [0, 1, 1, 1], [], []>, transpose_lhs_hint = false} : vector<10x128xf32>, vector<10x128xf32>, vector<128x128xf32> -> vector<128x128xf32>
    %add3A_932 = vector.broadcast %get3A_42 : vector<1x128xf32> to vector<128x128xf32>
    %add3A_933 = arith.addf %dot_general3A_931, %add3A_932 : vector<128x128xf32>
    %max3A_934 = arith.constant 0.000000e+00 : f32
    %max3A_935 = vector.broadcast %max3A_934 : f32 to vector<128x128xf32>
    %max3A_936 = arith.maximumf %add3A_933, %max3A_935 : vector<128x128xf32>
    %swap3A_937 = arith.constant 5376 : index
    %swap3A_938 = arith.constant 0 : index
    %swap3A_939 = vector.load %arg9[%swap3A_937, %swap3A_938] : memref<8192x128xf32, #tpu.memory_space<vmem>>, vector<128x128xf32>
    tpu.vector_store %arg9[%swap3A_937, %swap3A_938], %max3A_936 {strides = array<i32>} : memref<8192x128xf32, #tpu.memory_space<vmem>>, vector<128x128xf32>,
    %slice3A_940 = vector.extract_strided_slice %get3A_36 {offsets = [43, 0], sizes = [1, 128], strides = [1, 1]} : vector<64x128xf32> to vector<1x128xf32>
    %slice3A_941 = vector.extract_strided_slice %get3A_26 {offsets = [43, 0], sizes = [1, 128], strides = [1, 1]} : vector<64x128xf32> to vector<1x128xf32>
    %slice3A_942 = vector.extract_strided_slice %get3A_31 {offsets = [43, 0], sizes = [1, 128], strides = [1, 1]} : vector<64x128xf32> to vector<1x128xf32>
    %slice3A_943 = vector.extract_strided_slice %get3A_4 {offsets = [43, 0], sizes = [1, 128], strides = [1, 1]} : vector<64x128xf32> to vector<1x128xf32>
    %slice3A_944 = vector.extract_strided_slice %get3A_9 {offsets = [43, 0], sizes = [1, 128], strides = [1, 1]} : vector<64x128xf32> to vector<1x128xf32>
    %slice3A_945 = vector.extract_strided_slice %get3A_14 {offsets = [43, 0], sizes = [1, 128], strides = [1, 1]} : vector<64x128xf32> to vector<1x128xf32>
    %slice3A_946 = vector.extract_strided_slice %get3A_19 {offsets = [43, 0], sizes = [1, 128], strides = [1, 1]} : vector<64x128xf32> to vector<1x128xf32>
    %slice3A_947 = vector.extract_strided_slice %sub3A {offsets = [43, 0], sizes = [1, 128], strides = [1, 1]} : vector<64x128xf32> to vector<1x128xf32>
    %slice3A_948 = vector.extract_strided_slice %sub3A_20 {offsets = [43, 0], sizes = [1, 128], strides = [1, 1]} : vector<64x128xf32> to vector<1x128xf32>
    %slice3A_949 = vector.extract_strided_slice %mul3A_21 {offsets = [43, 0], sizes = [1, 128], strides = [1, 1]} : vector<64x128xf32> to vector<1x128xf32>
    %concatenate3A_950 = tpu.concatenate %slice3A_940, %slice3A_941, %slice3A_942, %slice3A_943, %slice3A_944, %slice3A_945, %slice3A_946, %slice3A_947, %slice3A_948, %slice3A_949 in 0 : vector<1x128xf32>, vector<1x128xf32>, vector<1x128xf32>, vector<1x128xf32>, vector<1x128xf32>, vector<1x128xf32>, vector<1x128xf32>, vector<1x128xf32>, vector<1x128xf32>, vector<1x128xf32> -> vector<10x128xf32>
    %dot_general3A_951 = arith.constant dense<0.000000e+00> : vector<128x128xf32>
    %dot_general3A_952 = tpu.matmul %concatenate3A_950, %get3A_39, %dot_general3A_951 {dimension_numbers = #tpu.dot_dimension_numbers<[0], [0], [1], [1], [0, 1, 1, 1], [], []>, transpose_lhs_hint = false} : vector<10x128xf32>, vector<10x128xf32>, vector<128x128xf32> -> vector<128x128xf32>
    %add3A_953 = vector.broadcast %get3A_42 : vector<1x128xf32> to vector<128x128xf32>
    %add3A_954 = arith.addf %dot_general3A_952, %add3A_953 : vector<128x128xf32>
    %max3A_955 = arith.constant 0.000000e+00 : f32
    %max3A_956 = vector.broadcast %max3A_955 : f32 to vector<128x128xf32>
    %max3A_957 = arith.maximumf %add3A_954, %max3A_956 : vector<128x128xf32>
    %swap3A_958 = arith.constant 5504 : index
    %swap3A_959 = arith.constant 0 : index
    %swap3A_960 = vector.load %arg9[%swap3A_958, %swap3A_959] : memref<8192x128xf32, #tpu.memory_space<vmem>>, vector<128x128xf32>
    tpu.vector_store %arg9[%swap3A_958, %swap3A_959], %max3A_957 {strides = array<i32>} : memref<8192x128xf32, #tpu.memory_space<vmem>>, vector<128x128xf32>,
    %slice3A_961 = vector.extract_strided_slice %get3A_36 {offsets = [44, 0], sizes = [1, 128], strides = [1, 1]} : vector<64x128xf32> to vector<1x128xf32>
    %slice3A_962 = vector.extract_strided_slice %get3A_26 {offsets = [44, 0], sizes = [1, 128], strides = [1, 1]} : vector<64x128xf32> to vector<1x128xf32>
    %slice3A_963 = vector.extract_strided_slice %get3A_31 {offsets = [44, 0], sizes = [1, 128], strides = [1, 1]} : vector<64x128xf32> to vector<1x128xf32>
    %slice3A_964 = vector.extract_strided_slice %get3A_4 {offsets = [44, 0], sizes = [1, 128], strides = [1, 1]} : vector<64x128xf32> to vector<1x128xf32>
    %slice3A_965 = vector.extract_strided_slice %get3A_9 {offsets = [44, 0], sizes = [1, 128], strides = [1, 1]} : vector<64x128xf32> to vector<1x128xf32>
    %slice3A_966 = vector.extract_strided_slice %get3A_14 {offsets = [44, 0], sizes = [1, 128], strides = [1, 1]} : vector<64x128xf32> to vector<1x128xf32>
    %slice3A_967 = vector.extract_strided_slice %get3A_19 {offsets = [44, 0], sizes = [1, 128], strides = [1, 1]} : vector<64x128xf32> to vector<1x128xf32>
    %slice3A_968 = vector.extract_strided_slice %sub3A {offsets = [44, 0], sizes = [1, 128], strides = [1, 1]} : vector<64x128xf32> to vector<1x128xf32>
    %slice3A_969 = vector.extract_strided_slice %sub3A_20 {offsets = [44, 0], sizes = [1, 128], strides = [1, 1]} : vector<64x128xf32> to vector<1x128xf32>
    %slice3A_970 = vector.extract_strided_slice %mul3A_21 {offsets = [44, 0], sizes = [1, 128], strides = [1, 1]} : vector<64x128xf32> to vector<1x128xf32>
    %concatenate3A_971 = tpu.concatenate %slice3A_961, %slice3A_962, %slice3A_963, %slice3A_964, %slice3A_965, %slice3A_966, %slice3A_967, %slice3A_968, %slice3A_969, %slice3A_970 in 0 : vector<1x128xf32>, vector<1x128xf32>, vector<1x128xf32>, vector<1x128xf32>, vector<1x128xf32>, vector<1x128xf32>, vector<1x128xf32>, vector<1x128xf32>, vector<1x128xf32>, vector<1x128xf32> -> vector<10x128xf32>
    %dot_general3A_972 = arith.constant dense<0.000000e+00> : vector<128x128xf32>
    %dot_general3A_973 = tpu.matmul %concatenate3A_971, %get3A_39, %dot_general3A_972 {dimension_numbers = #tpu.dot_dimension_numbers<[0], [0], [1], [1], [0, 1, 1, 1], [], []>, transpose_lhs_hint = false} : vector<10x128xf32>, vector<10x128xf32>, vector<128x128xf32> -> vector<128x128xf32>
    %add3A_974 = vector.broadcast %get3A_42 : vector<1x128xf32> to vector<128x128xf32>
    %add3A_975 = arith.addf %dot_general3A_973, %add3A_974 : vector<128x128xf32>
    %max3A_976 = arith.constant 0.000000e+00 : f32
    %max3A_977 = vector.broadcast %max3A_976 : f32 to vector<128x128xf32>
    %max3A_978 = arith.maximumf %add3A_975, %max3A_977 : vector<128x128xf32>
    %swap3A_979 = arith.constant 5632 : index
    %swap3A_980 = arith.constant 0 : index
    %swap3A_981 = vector.load %arg9[%swap3A_979, %swap3A_980] : memref<8192x128xf32, #tpu.memory_space<vmem>>, vector<128x128xf32>
    tpu.vector_store %arg9[%swap3A_979, %swap3A_980], %max3A_978 {strides = array<i32>} : memref<8192x128xf32, #tpu.memory_space<vmem>>, vector<128x128xf32>,
    %slice3A_982 = vector.extract_strided_slice %get3A_36 {offsets = [45, 0], sizes = [1, 128], strides = [1, 1]} : vector<64x128xf32> to vector<1x128xf32>
    %slice3A_983 = vector.extract_strided_slice %get3A_26 {offsets = [45, 0], sizes = [1, 128], strides = [1, 1]} : vector<64x128xf32> to vector<1x128xf32>
    %slice3A_984 = vector.extract_strided_slice %get3A_31 {offsets = [45, 0], sizes = [1, 128], strides = [1, 1]} : vector<64x128xf32> to vector<1x128xf32>
    %slice3A_985 = vector.extract_strided_slice %get3A_4 {offsets = [45, 0], sizes = [1, 128], strides = [1, 1]} : vector<64x128xf32> to vector<1x128xf32>
    %slice3A_986 = vector.extract_strided_slice %get3A_9 {offsets = [45, 0], sizes = [1, 128], strides = [1, 1]} : vector<64x128xf32> to vector<1x128xf32>
    %slice3A_987 = vector.extract_strided_slice %get3A_14 {offsets = [45, 0], sizes = [1, 128], strides = [1, 1]} : vector<64x128xf32> to vector<1x128xf32>
    %slice3A_988 = vector.extract_strided_slice %get3A_19 {offsets = [45, 0], sizes = [1, 128], strides = [1, 1]} : vector<64x128xf32> to vector<1x128xf32>
    %slice3A_989 = vector.extract_strided_slice %sub3A {offsets = [45, 0], sizes = [1, 128], strides = [1, 1]} : vector<64x128xf32> to vector<1x128xf32>
    %slice3A_990 = vector.extract_strided_slice %sub3A_20 {offsets = [45, 0], sizes = [1, 128], strides = [1, 1]} : vector<64x128xf32> to vector<1x128xf32>
    %slice3A_991 = vector.extract_strided_slice %mul3A_21 {offsets = [45, 0], sizes = [1, 128], strides = [1, 1]} : vector<64x128xf32> to vector<1x128xf32>
    %concatenate3A_992 = tpu.concatenate %slice3A_982, %slice3A_983, %slice3A_984, %slice3A_985, %slice3A_986, %slice3A_987, %slice3A_988, %slice3A_989, %slice3A_990, %slice3A_991 in 0 : vector<1x128xf32>, vector<1x128xf32>, vector<1x128xf32>, vector<1x128xf32>, vector<1x128xf32>, vector<1x128xf32>, vector<1x128xf32>, vector<1x128xf32>, vector<1x128xf32>, vector<1x128xf32> -> vector<10x128xf32>
    %dot_general3A_993 = arith.constant dense<0.000000e+00> : vector<128x128xf32>
    %dot_general3A_994 = tpu.matmul %concatenate3A_992, %get3A_39, %dot_general3A_993 {dimension_numbers = #tpu.dot_dimension_numbers<[0], [0], [1], [1], [0, 1, 1, 1], [], []>, transpose_lhs_hint = false} : vector<10x128xf32>, vector<10x128xf32>, vector<128x128xf32> -> vector<128x128xf32>
    %add3A_995 = vector.broadcast %get3A_42 : vector<1x128xf32> to vector<128x128xf32>
    %add3A_996 = arith.addf %dot_general3A_994, %add3A_995 : vector<128x128xf32>
    %max3A_997 = arith.constant 0.000000e+00 : f32
    %max3A_998 = vector.broadcast %max3A_997 : f32 to vector<128x128xf32>
    %max3A_999 = arith.maximumf %add3A_996, %max3A_998 : vector<128x128xf32>
    %swap3A_1000 = arith.constant 5760 : index
    %swap3A_1001 = arith.constant 0 : index
    %swap3A_1002 = vector.load %arg9[%swap3A_1000, %swap3A_1001] : memref<8192x128xf32, #tpu.memory_space<vmem>>, vector<128x128xf32>
    tpu.vector_store %arg9[%swap3A_1000, %swap3A_1001], %max3A_999 {strides = array<i32>} : memref<8192x128xf32, #tpu.memory_space<vmem>>, vector<128x128xf32>,
    %slice3A_1003 = vector.extract_strided_slice %get3A_36 {offsets = [46, 0], sizes = [1, 128], strides = [1, 1]} : vector<64x128xf32> to vector<1x128xf32>
    %slice3A_1004 = vector.extract_strided_slice %get3A_26 {offsets = [46, 0], sizes = [1, 128], strides = [1, 1]} : vector<64x128xf32> to vector<1x128xf32>
    %slice3A_1005 = vector.extract_strided_slice %get3A_31 {offsets = [46, 0], sizes = [1, 128], strides = [1, 1]} : vector<64x128xf32> to vector<1x128xf32>
    %slice3A_1006 = vector.extract_strided_slice %get3A_4 {offsets = [46, 0], sizes = [1, 128], strides = [1, 1]} : vector<64x128xf32> to vector<1x128xf32>
    %slice3A_1007 = vector.extract_strided_slice %get3A_9 {offsets = [46, 0], sizes = [1, 128], strides = [1, 1]} : vector<64x128xf32> to vector<1x128xf32>
    %slice3A_1008 = vector.extract_strided_slice %get3A_14 {offsets = [46, 0], sizes = [1, 128], strides = [1, 1]} : vector<64x128xf32> to vector<1x128xf32>
    %slice3A_1009 = vector.extract_strided_slice %get3A_19 {offsets = [46, 0], sizes = [1, 128], strides = [1, 1]} : vector<64x128xf32> to vector<1x128xf32>
    %slice3A_1010 = vector.extract_strided_slice %sub3A {offsets = [46, 0], sizes = [1, 128], strides = [1, 1]} : vector<64x128xf32> to vector<1x128xf32>
    %slice3A_1011 = vector.extract_strided_slice %sub3A_20 {offsets = [46, 0], sizes = [1, 128], strides = [1, 1]} : vector<64x128xf32> to vector<1x128xf32>
    %slice3A_1012 = vector.extract_strided_slice %mul3A_21 {offsets = [46, 0], sizes = [1, 128], strides = [1, 1]} : vector<64x128xf32> to vector<1x128xf32>
    %concatenate3A_1013 = tpu.concatenate %slice3A_1003, %slice3A_1004, %slice3A_1005, %slice3A_1006, %slice3A_1007, %slice3A_1008, %slice3A_1009, %slice3A_1010, %slice3A_1011, %slice3A_1012 in 0 : vector<1x128xf32>, vector<1x128xf32>, vector<1x128xf32>, vector<1x128xf32>, vector<1x128xf32>, vector<1x128xf32>, vector<1x128xf32>, vector<1x128xf32>, vector<1x128xf32>, vector<1x128xf32> -> vector<10x128xf32>
    %dot_general3A_1014 = arith.constant dense<0.000000e+00> : vector<128x128xf32>
    %dot_general3A_1015 = tpu.matmul %concatenate3A_1013, %get3A_39, %dot_general3A_1014 {dimension_numbers = #tpu.dot_dimension_numbers<[0], [0], [1], [1], [0, 1, 1, 1], [], []>, transpose_lhs_hint = false} : vector<10x128xf32>, vector<10x128xf32>, vector<128x128xf32> -> vector<128x128xf32>
    %add3A_1016 = vector.broadcast %get3A_42 : vector<1x128xf32> to vector<128x128xf32>
    %add3A_1017 = arith.addf %dot_general3A_1015, %add3A_1016 : vector<128x128xf32>
    %max3A_1018 = arith.constant 0.000000e+00 : f32
    %max3A_1019 = vector.broadcast %max3A_1018 : f32 to vector<128x128xf32>
    %max3A_1020 = arith.maximumf %add3A_1017, %max3A_1019 : vector<128x128xf32>
    %swap3A_1021 = arith.constant 5888 : index
    %swap3A_1022 = arith.constant 0 : index
    %swap3A_1023 = vector.load %arg9[%swap3A_1021, %swap3A_1022] : memref<8192x128xf32, #tpu.memory_space<vmem>>, vector<128x128xf32>
    tpu.vector_store %arg9[%swap3A_1021, %swap3A_1022], %max3A_1020 {strides = array<i32>} : memref<8192x128xf32, #tpu.memory_space<vmem>>, vector<128x128xf32>,
    %slice3A_1024 = vector.extract_strided_slice %get3A_36 {offsets = [47, 0], sizes = [1, 128], strides = [1, 1]} : vector<64x128xf32> to vector<1x128xf32>
    %slice3A_1025 = vector.extract_strided_slice %get3A_26 {offsets = [47, 0], sizes = [1, 128], strides = [1, 1]} : vector<64x128xf32> to vector<1x128xf32>
    %slice3A_1026 = vector.extract_strided_slice %get3A_31 {offsets = [47, 0], sizes = [1, 128], strides = [1, 1]} : vector<64x128xf32> to vector<1x128xf32>
    %slice3A_1027 = vector.extract_strided_slice %get3A_4 {offsets = [47, 0], sizes = [1, 128], strides = [1, 1]} : vector<64x128xf32> to vector<1x128xf32>
    %slice3A_1028 = vector.extract_strided_slice %get3A_9 {offsets = [47, 0], sizes = [1, 128], strides = [1, 1]} : vector<64x128xf32> to vector<1x128xf32>
    %slice3A_1029 = vector.extract_strided_slice %get3A_14 {offsets = [47, 0], sizes = [1, 128], strides = [1, 1]} : vector<64x128xf32> to vector<1x128xf32>
    %slice3A_1030 = vector.extract_strided_slice %get3A_19 {offsets = [47, 0], sizes = [1, 128], strides = [1, 1]} : vector<64x128xf32> to vector<1x128xf32>
    %slice3A_1031 = vector.extract_strided_slice %sub3A {offsets = [47, 0], sizes = [1, 128], strides = [1, 1]} : vector<64x128xf32> to vector<1x128xf32>
    %slice3A_1032 = vector.extract_strided_slice %sub3A_20 {offsets = [47, 0], sizes = [1, 128], strides = [1, 1]} : vector<64x128xf32> to vector<1x128xf32>
    %slice3A_1033 = vector.extract_strided_slice %mul3A_21 {offsets = [47, 0], sizes = [1, 128], strides = [1, 1]} : vector<64x128xf32> to vector<1x128xf32>
    %concatenate3A_1034 = tpu.concatenate %slice3A_1024, %slice3A_1025, %slice3A_1026, %slice3A_1027, %slice3A_1028, %slice3A_1029, %slice3A_1030, %slice3A_1031, %slice3A_1032, %slice3A_1033 in 0 : vector<1x128xf32>, vector<1x128xf32>, vector<1x128xf32>, vector<1x128xf32>, vector<1x128xf32>, vector<1x128xf32>, vector<1x128xf32>, vector<1x128xf32>, vector<1x128xf32>, vector<1x128xf32> -> vector<10x128xf32>
    %dot_general3A_1035 = arith.constant dense<0.000000e+00> : vector<128x128xf32>
    %dot_general3A_1036 = tpu.matmul %concatenate3A_1034, %get3A_39, %dot_general3A_1035 {dimension_numbers = #tpu.dot_dimension_numbers<[0], [0], [1], [1], [0, 1, 1, 1], [], []>, transpose_lhs_hint = false} : vector<10x128xf32>, vector<10x128xf32>, vector<128x128xf32> -> vector<128x128xf32>
    %add3A_1037 = vector.broadcast %get3A_42 : vector<1x128xf32> to vector<128x128xf32>
    %add3A_1038 = arith.addf %dot_general3A_1036, %add3A_1037 : vector<128x128xf32>
    %max3A_1039 = arith.constant 0.000000e+00 : f32
    %max3A_1040 = vector.broadcast %max3A_1039 : f32 to vector<128x128xf32>
    %max3A_1041 = arith.maximumf %add3A_1038, %max3A_1040 : vector<128x128xf32>
    %swap3A_1042 = arith.constant 6016 : index
    %swap3A_1043 = arith.constant 0 : index
    %swap3A_1044 = vector.load %arg9[%swap3A_1042, %swap3A_1043] : memref<8192x128xf32, #tpu.memory_space<vmem>>, vector<128x128xf32>
    tpu.vector_store %arg9[%swap3A_1042, %swap3A_1043], %max3A_1041 {strides = array<i32>} : memref<8192x128xf32, #tpu.memory_space<vmem>>, vector<128x128xf32>,
    %slice3A_1045 = vector.extract_strided_slice %get3A_36 {offsets = [48, 0], sizes = [1, 128], strides = [1, 1]} : vector<64x128xf32> to vector<1x128xf32>
    %slice3A_1046 = vector.extract_strided_slice %get3A_26 {offsets = [48, 0], sizes = [1, 128], strides = [1, 1]} : vector<64x128xf32> to vector<1x128xf32>
    %slice3A_1047 = vector.extract_strided_slice %get3A_31 {offsets = [48, 0], sizes = [1, 128], strides = [1, 1]} : vector<64x128xf32> to vector<1x128xf32>
    %slice3A_1048 = vector.extract_strided_slice %get3A_4 {offsets = [48, 0], sizes = [1, 128], strides = [1, 1]} : vector<64x128xf32> to vector<1x128xf32>
    %slice3A_1049 = vector.extract_strided_slice %get3A_9 {offsets = [48, 0], sizes = [1, 128], strides = [1, 1]} : vector<64x128xf32> to vector<1x128xf32>
    %slice3A_1050 = vector.extract_strided_slice %get3A_14 {offsets = [48, 0], sizes = [1, 128], strides = [1, 1]} : vector<64x128xf32> to vector<1x128xf32>
    %slice3A_1051 = vector.extract_strided_slice %get3A_19 {offsets = [48, 0], sizes = [1, 128], strides = [1, 1]} : vector<64x128xf32> to vector<1x128xf32>
    %slice3A_1052 = vector.extract_strided_slice %sub3A {offsets = [48, 0], sizes = [1, 128], strides = [1, 1]} : vector<64x128xf32> to vector<1x128xf32>
    %slice3A_1053 = vector.extract_strided_slice %sub3A_20 {offsets = [48, 0], sizes = [1, 128], strides = [1, 1]} : vector<64x128xf32> to vector<1x128xf32>
    %slice3A_1054 = vector.extract_strided_slice %mul3A_21 {offsets = [48, 0], sizes = [1, 128], strides = [1, 1]} : vector<64x128xf32> to vector<1x128xf32>
    %concatenate3A_1055 = tpu.concatenate %slice3A_1045, %slice3A_1046, %slice3A_1047, %slice3A_1048, %slice3A_1049, %slice3A_1050, %slice3A_1051, %slice3A_1052, %slice3A_1053, %slice3A_1054 in 0 : vector<1x128xf32>, vector<1x128xf32>, vector<1x128xf32>, vector<1x128xf32>, vector<1x128xf32>, vector<1x128xf32>, vector<1x128xf32>, vector<1x128xf32>, vector<1x128xf32>, vector<1x128xf32> -> vector<10x128xf32>
    %dot_general3A_1056 = arith.constant dense<0.000000e+00> : vector<128x128xf32>
    %dot_general3A_1057 = tpu.matmul %concatenate3A_1055, %get3A_39, %dot_general3A_1056 {dimension_numbers = #tpu.dot_dimension_numbers<[0], [0], [1], [1], [0, 1, 1, 1], [], []>, transpose_lhs_hint = false} : vector<10x128xf32>, vector<10x128xf32>, vector<128x128xf32> -> vector<128x128xf32>
    %add3A_1058 = vector.broadcast %get3A_42 : vector<1x128xf32> to vector<128x128xf32>
    %add3A_1059 = arith.addf %dot_general3A_1057, %add3A_1058 : vector<128x128xf32>
    %max3A_1060 = arith.constant 0.000000e+00 : f32
    %max3A_1061 = vector.broadcast %max3A_1060 : f32 to vector<128x128xf32>
    %max3A_1062 = arith.maximumf %add3A_1059, %max3A_1061 : vector<128x128xf32>
    %swap3A_1063 = arith.constant 6144 : index
    %swap3A_1064 = arith.constant 0 : index
    %swap3A_1065 = vector.load %arg9[%swap3A_1063, %swap3A_1064] : memref<8192x128xf32, #tpu.memory_space<vmem>>, vector<128x128xf32>
    tpu.vector_store %arg9[%swap3A_1063, %swap3A_1064], %max3A_1062 {strides = array<i32>} : memref<8192x128xf32, #tpu.memory_space<vmem>>, vector<128x128xf32>,
    %slice3A_1066 = vector.extract_strided_slice %get3A_36 {offsets = [49, 0], sizes = [1, 128], strides = [1, 1]} : vector<64x128xf32> to vector<1x128xf32>
    %slice3A_1067 = vector.extract_strided_slice %get3A_26 {offsets = [49, 0], sizes = [1, 128], strides = [1, 1]} : vector<64x128xf32> to vector<1x128xf32>
    %slice3A_1068 = vector.extract_strided_slice %get3A_31 {offsets = [49, 0], sizes = [1, 128], strides = [1, 1]} : vector<64x128xf32> to vector<1x128xf32>
    %slice3A_1069 = vector.extract_strided_slice %get3A_4 {offsets = [49, 0], sizes = [1, 128], strides = [1, 1]} : vector<64x128xf32> to vector<1x128xf32>
    %slice3A_1070 = vector.extract_strided_slice %get3A_9 {offsets = [49, 0], sizes = [1, 128], strides = [1, 1]} : vector<64x128xf32> to vector<1x128xf32>
    %slice3A_1071 = vector.extract_strided_slice %get3A_14 {offsets = [49, 0], sizes = [1, 128], strides = [1, 1]} : vector<64x128xf32> to vector<1x128xf32>
    %slice3A_1072 = vector.extract_strided_slice %get3A_19 {offsets = [49, 0], sizes = [1, 128], strides = [1, 1]} : vector<64x128xf32> to vector<1x128xf32>
    %slice3A_1073 = vector.extract_strided_slice %sub3A {offsets = [49, 0], sizes = [1, 128], strides = [1, 1]} : vector<64x128xf32> to vector<1x128xf32>
    %slice3A_1074 = vector.extract_strided_slice %sub3A_20 {offsets = [49, 0], sizes = [1, 128], strides = [1, 1]} : vector<64x128xf32> to vector<1x128xf32>
    %slice3A_1075 = vector.extract_strided_slice %mul3A_21 {offsets = [49, 0], sizes = [1, 128], strides = [1, 1]} : vector<64x128xf32> to vector<1x128xf32>
    %concatenate3A_1076 = tpu.concatenate %slice3A_1066, %slice3A_1067, %slice3A_1068, %slice3A_1069, %slice3A_1070, %slice3A_1071, %slice3A_1072, %slice3A_1073, %slice3A_1074, %slice3A_1075 in 0 : vector<1x128xf32>, vector<1x128xf32>, vector<1x128xf32>, vector<1x128xf32>, vector<1x128xf32>, vector<1x128xf32>, vector<1x128xf32>, vector<1x128xf32>, vector<1x128xf32>, vector<1x128xf32> -> vector<10x128xf32>
    %dot_general3A_1077 = arith.constant dense<0.000000e+00> : vector<128x128xf32>
    %dot_general3A_1078 = tpu.matmul %concatenate3A_1076, %get3A_39, %dot_general3A_1077 {dimension_numbers = #tpu.dot_dimension_numbers<[0], [0], [1], [1], [0, 1, 1, 1], [], []>, transpose_lhs_hint = false} : vector<10x128xf32>, vector<10x128xf32>, vector<128x128xf32> -> vector<128x128xf32>
    %add3A_1079 = vector.broadcast %get3A_42 : vector<1x128xf32> to vector<128x128xf32>
    %add3A_1080 = arith.addf %dot_general3A_1078, %add3A_1079 : vector<128x128xf32>
    %max3A_1081 = arith.constant 0.000000e+00 : f32
    %max3A_1082 = vector.broadcast %max3A_1081 : f32 to vector<128x128xf32>
    %max3A_1083 = arith.maximumf %add3A_1080, %max3A_1082 : vector<128x128xf32>
    %swap3A_1084 = arith.constant 6272 : index
    %swap3A_1085 = arith.constant 0 : index
    %swap3A_1086 = vector.load %arg9[%swap3A_1084, %swap3A_1085] : memref<8192x128xf32, #tpu.memory_space<vmem>>, vector<128x128xf32>
    tpu.vector_store %arg9[%swap3A_1084, %swap3A_1085], %max3A_1083 {strides = array<i32>} : memref<8192x128xf32, #tpu.memory_space<vmem>>, vector<128x128xf32>,
    %slice3A_1087 = vector.extract_strided_slice %get3A_36 {offsets = [50, 0], sizes = [1, 128], strides = [1, 1]} : vector<64x128xf32> to vector<1x128xf32>
    %slice3A_1088 = vector.extract_strided_slice %get3A_26 {offsets = [50, 0], sizes = [1, 128], strides = [1, 1]} : vector<64x128xf32> to vector<1x128xf32>
    %slice3A_1089 = vector.extract_strided_slice %get3A_31 {offsets = [50, 0], sizes = [1, 128], strides = [1, 1]} : vector<64x128xf32> to vector<1x128xf32>
    %slice3A_1090 = vector.extract_strided_slice %get3A_4 {offsets = [50, 0], sizes = [1, 128], strides = [1, 1]} : vector<64x128xf32> to vector<1x128xf32>
    %slice3A_1091 = vector.extract_strided_slice %get3A_9 {offsets = [50, 0], sizes = [1, 128], strides = [1, 1]} : vector<64x128xf32> to vector<1x128xf32>
    %slice3A_1092 = vector.extract_strided_slice %get3A_14 {offsets = [50, 0], sizes = [1, 128], strides = [1, 1]} : vector<64x128xf32> to vector<1x128xf32>
    %slice3A_1093 = vector.extract_strided_slice %get3A_19 {offsets = [50, 0], sizes = [1, 128], strides = [1, 1]} : vector<64x128xf32> to vector<1x128xf32>
    %slice3A_1094 = vector.extract_strided_slice %sub3A {offsets = [50, 0], sizes = [1, 128], strides = [1, 1]} : vector<64x128xf32> to vector<1x128xf32>
    %slice3A_1095 = vector.extract_strided_slice %sub3A_20 {offsets = [50, 0], sizes = [1, 128], strides = [1, 1]} : vector<64x128xf32> to vector<1x128xf32>
    %slice3A_1096 = vector.extract_strided_slice %mul3A_21 {offsets = [50, 0], sizes = [1, 128], strides = [1, 1]} : vector<64x128xf32> to vector<1x128xf32>
    %concatenate3A_1097 = tpu.concatenate %slice3A_1087, %slice3A_1088, %slice3A_1089, %slice3A_1090, %slice3A_1091, %slice3A_1092, %slice3A_1093, %slice3A_1094, %slice3A_1095, %slice3A_1096 in 0 : vector<1x128xf32>, vector<1x128xf32>, vector<1x128xf32>, vector<1x128xf32>, vector<1x128xf32>, vector<1x128xf32>, vector<1x128xf32>, vector<1x128xf32>, vector<1x128xf32>, vector<1x128xf32> -> vector<10x128xf32>
    %dot_general3A_1098 = arith.constant dense<0.000000e+00> : vector<128x128xf32>
    %dot_general3A_1099 = tpu.matmul %concatenate3A_1097, %get3A_39, %dot_general3A_1098 {dimension_numbers = #tpu.dot_dimension_numbers<[0], [0], [1], [1], [0, 1, 1, 1], [], []>, transpose_lhs_hint = false} : vector<10x128xf32>, vector<10x128xf32>, vector<128x128xf32> -> vector<128x128xf32>
    %add3A_1100 = vector.broadcast %get3A_42 : vector<1x128xf32> to vector<128x128xf32>
    %add3A_1101 = arith.addf %dot_general3A_1099, %add3A_1100 : vector<128x128xf32>
    %max3A_1102 = arith.constant 0.000000e+00 : f32
    %max3A_1103 = vector.broadcast %max3A_1102 : f32 to vector<128x128xf32>
    %max3A_1104 = arith.maximumf %add3A_1101, %max3A_1103 : vector<128x128xf32>
    %swap3A_1105 = arith.constant 6400 : index
    %swap3A_1106 = arith.constant 0 : index
    %swap3A_1107 = vector.load %arg9[%swap3A_1105, %swap3A_1106] : memref<8192x128xf32, #tpu.memory_space<vmem>>, vector<128x128xf32>
    tpu.vector_store %arg9[%swap3A_1105, %swap3A_1106], %max3A_1104 {strides = array<i32>} : memref<8192x128xf32, #tpu.memory_space<vmem>>, vector<128x128xf32>,
    %slice3A_1108 = vector.extract_strided_slice %get3A_36 {offsets = [51, 0], sizes = [1, 128], strides = [1, 1]} : vector<64x128xf32> to vector<1x128xf32>
    %slice3A_1109 = vector.extract_strided_slice %get3A_26 {offsets = [51, 0], sizes = [1, 128], strides = [1, 1]} : vector<64x128xf32> to vector<1x128xf32>
    %slice3A_1110 = vector.extract_strided_slice %get3A_31 {offsets = [51, 0], sizes = [1, 128], strides = [1, 1]} : vector<64x128xf32> to vector<1x128xf32>
    %slice3A_1111 = vector.extract_strided_slice %get3A_4 {offsets = [51, 0], sizes = [1, 128], strides = [1, 1]} : vector<64x128xf32> to vector<1x128xf32>
    %slice3A_1112 = vector.extract_strided_slice %get3A_9 {offsets = [51, 0], sizes = [1, 128], strides = [1, 1]} : vector<64x128xf32> to vector<1x128xf32>
    %slice3A_1113 = vector.extract_strided_slice %get3A_14 {offsets = [51, 0], sizes = [1, 128], strides = [1, 1]} : vector<64x128xf32> to vector<1x128xf32>
    %slice3A_1114 = vector.extract_strided_slice %get3A_19 {offsets = [51, 0], sizes = [1, 128], strides = [1, 1]} : vector<64x128xf32> to vector<1x128xf32>
    %slice3A_1115 = vector.extract_strided_slice %sub3A {offsets = [51, 0], sizes = [1, 128], strides = [1, 1]} : vector<64x128xf32> to vector<1x128xf32>
    %slice3A_1116 = vector.extract_strided_slice %sub3A_20 {offsets = [51, 0], sizes = [1, 128], strides = [1, 1]} : vector<64x128xf32> to vector<1x128xf32>
    %slice3A_1117 = vector.extract_strided_slice %mul3A_21 {offsets = [51, 0], sizes = [1, 128], strides = [1, 1]} : vector<64x128xf32> to vector<1x128xf32>
    %concatenate3A_1118 = tpu.concatenate %slice3A_1108, %slice3A_1109, %slice3A_1110, %slice3A_1111, %slice3A_1112, %slice3A_1113, %slice3A_1114, %slice3A_1115, %slice3A_1116, %slice3A_1117 in 0 : vector<1x128xf32>, vector<1x128xf32>, vector<1x128xf32>, vector<1x128xf32>, vector<1x128xf32>, vector<1x128xf32>, vector<1x128xf32>, vector<1x128xf32>, vector<1x128xf32>, vector<1x128xf32> -> vector<10x128xf32>
    %dot_general3A_1119 = arith.constant dense<0.000000e+00> : vector<128x128xf32>
    %dot_general3A_1120 = tpu.matmul %concatenate3A_1118, %get3A_39, %dot_general3A_1119 {dimension_numbers = #tpu.dot_dimension_numbers<[0], [0], [1], [1], [0, 1, 1, 1], [], []>, transpose_lhs_hint = false} : vector<10x128xf32>, vector<10x128xf32>, vector<128x128xf32> -> vector<128x128xf32>
    %add3A_1121 = vector.broadcast %get3A_42 : vector<1x128xf32> to vector<128x128xf32>
    %add3A_1122 = arith.addf %dot_general3A_1120, %add3A_1121 : vector<128x128xf32>
    %max3A_1123 = arith.constant 0.000000e+00 : f32
    %max3A_1124 = vector.broadcast %max3A_1123 : f32 to vector<128x128xf32>
    %max3A_1125 = arith.maximumf %add3A_1122, %max3A_1124 : vector<128x128xf32>
    %swap3A_1126 = arith.constant 6528 : index
    %swap3A_1127 = arith.constant 0 : index
    %swap3A_1128 = vector.load %arg9[%swap3A_1126, %swap3A_1127] : memref<8192x128xf32, #tpu.memory_space<vmem>>, vector<128x128xf32>
    tpu.vector_store %arg9[%swap3A_1126, %swap3A_1127], %max3A_1125 {strides = array<i32>} : memref<8192x128xf32, #tpu.memory_space<vmem>>, vector<128x128xf32>,
    %slice3A_1129 = vector.extract_strided_slice %get3A_36 {offsets = [52, 0], sizes = [1, 128], strides = [1, 1]} : vector<64x128xf32> to vector<1x128xf32>
    %slice3A_1130 = vector.extract_strided_slice %get3A_26 {offsets = [52, 0], sizes = [1, 128], strides = [1, 1]} : vector<64x128xf32> to vector<1x128xf32>
    %slice3A_1131 = vector.extract_strided_slice %get3A_31 {offsets = [52, 0], sizes = [1, 128], strides = [1, 1]} : vector<64x128xf32> to vector<1x128xf32>
    %slice3A_1132 = vector.extract_strided_slice %get3A_4 {offsets = [52, 0], sizes = [1, 128], strides = [1, 1]} : vector<64x128xf32> to vector<1x128xf32>
    %slice3A_1133 = vector.extract_strided_slice %get3A_9 {offsets = [52, 0], sizes = [1, 128], strides = [1, 1]} : vector<64x128xf32> to vector<1x128xf32>
    %slice3A_1134 = vector.extract_strided_slice %get3A_14 {offsets = [52, 0], sizes = [1, 128], strides = [1, 1]} : vector<64x128xf32> to vector<1x128xf32>
    %slice3A_1135 = vector.extract_strided_slice %get3A_19 {offsets = [52, 0], sizes = [1, 128], strides = [1, 1]} : vector<64x128xf32> to vector<1x128xf32>
    %slice3A_1136 = vector.extract_strided_slice %sub3A {offsets = [52, 0], sizes = [1, 128], strides = [1, 1]} : vector<64x128xf32> to vector<1x128xf32>
    %slice3A_1137 = vector.extract_strided_slice %sub3A_20 {offsets = [52, 0], sizes = [1, 128], strides = [1, 1]} : vector<64x128xf32> to vector<1x128xf32>
    %slice3A_1138 = vector.extract_strided_slice %mul3A_21 {offsets = [52, 0], sizes = [1, 128], strides = [1, 1]} : vector<64x128xf32> to vector<1x128xf32>
    %concatenate3A_1139 = tpu.concatenate %slice3A_1129, %slice3A_1130, %slice3A_1131, %slice3A_1132, %slice3A_1133, %slice3A_1134, %slice3A_1135, %slice3A_1136, %slice3A_1137, %slice3A_1138 in 0 : vector<1x128xf32>, vector<1x128xf32>, vector<1x128xf32>, vector<1x128xf32>, vector<1x128xf32>, vector<1x128xf32>, vector<1x128xf32>, vector<1x128xf32>, vector<1x128xf32>, vector<1x128xf32> -> vector<10x128xf32>
    %dot_general3A_1140 = arith.constant dense<0.000000e+00> : vector<128x128xf32>
    %dot_general3A_1141 = tpu.matmul %concatenate3A_1139, %get3A_39, %dot_general3A_1140 {dimension_numbers = #tpu.dot_dimension_numbers<[0], [0], [1], [1], [0, 1, 1, 1], [], []>, transpose_lhs_hint = false} : vector<10x128xf32>, vector<10x128xf32>, vector<128x128xf32> -> vector<128x128xf32>
    %add3A_1142 = vector.broadcast %get3A_42 : vector<1x128xf32> to vector<128x128xf32>
    %add3A_1143 = arith.addf %dot_general3A_1141, %add3A_1142 : vector<128x128xf32>
    %max3A_1144 = arith.constant 0.000000e+00 : f32
    %max3A_1145 = vector.broadcast %max3A_1144 : f32 to vector<128x128xf32>
    %max3A_1146 = arith.maximumf %add3A_1143, %max3A_1145 : vector<128x128xf32>
    %swap3A_1147 = arith.constant 6656 : index
    %swap3A_1148 = arith.constant 0 : index
    %swap3A_1149 = vector.load %arg9[%swap3A_1147, %swap3A_1148] : memref<8192x128xf32, #tpu.memory_space<vmem>>, vector<128x128xf32>
    tpu.vector_store %arg9[%swap3A_1147, %swap3A_1148], %max3A_1146 {strides = array<i32>} : memref<8192x128xf32, #tpu.memory_space<vmem>>, vector<128x128xf32>,
    %slice3A_1150 = vector.extract_strided_slice %get3A_36 {offsets = [53, 0], sizes = [1, 128], strides = [1, 1]} : vector<64x128xf32> to vector<1x128xf32>
    %slice3A_1151 = vector.extract_strided_slice %get3A_26 {offsets = [53, 0], sizes = [1, 128], strides = [1, 1]} : vector<64x128xf32> to vector<1x128xf32>
    %slice3A_1152 = vector.extract_strided_slice %get3A_31 {offsets = [53, 0], sizes = [1, 128], strides = [1, 1]} : vector<64x128xf32> to vector<1x128xf32>
    %slice3A_1153 = vector.extract_strided_slice %get3A_4 {offsets = [53, 0], sizes = [1, 128], strides = [1, 1]} : vector<64x128xf32> to vector<1x128xf32>
    %slice3A_1154 = vector.extract_strided_slice %get3A_9 {offsets = [53, 0], sizes = [1, 128], strides = [1, 1]} : vector<64x128xf32> to vector<1x128xf32>
    %slice3A_1155 = vector.extract_strided_slice %get3A_14 {offsets = [53, 0], sizes = [1, 128], strides = [1, 1]} : vector<64x128xf32> to vector<1x128xf32>
    %slice3A_1156 = vector.extract_strided_slice %get3A_19 {offsets = [53, 0], sizes = [1, 128], strides = [1, 1]} : vector<64x128xf32> to vector<1x128xf32>
    %slice3A_1157 = vector.extract_strided_slice %sub3A {offsets = [53, 0], sizes = [1, 128], strides = [1, 1]} : vector<64x128xf32> to vector<1x128xf32>
    %slice3A_1158 = vector.extract_strided_slice %sub3A_20 {offsets = [53, 0], sizes = [1, 128], strides = [1, 1]} : vector<64x128xf32> to vector<1x128xf32>
    %slice3A_1159 = vector.extract_strided_slice %mul3A_21 {offsets = [53, 0], sizes = [1, 128], strides = [1, 1]} : vector<64x128xf32> to vector<1x128xf32>
    %concatenate3A_1160 = tpu.concatenate %slice3A_1150, %slice3A_1151, %slice3A_1152, %slice3A_1153, %slice3A_1154, %slice3A_1155, %slice3A_1156, %slice3A_1157, %slice3A_1158, %slice3A_1159 in 0 : vector<1x128xf32>, vector<1x128xf32>, vector<1x128xf32>, vector<1x128xf32>, vector<1x128xf32>, vector<1x128xf32>, vector<1x128xf32>, vector<1x128xf32>, vector<1x128xf32>, vector<1x128xf32> -> vector<10x128xf32>
    %dot_general3A_1161 = arith.constant dense<0.000000e+00> : vector<128x128xf32>
    %dot_general3A_1162 = tpu.matmul %concatenate3A_1160, %get3A_39, %dot_general3A_1161 {dimension_numbers = #tpu.dot_dimension_numbers<[0], [0], [1], [1], [0, 1, 1, 1], [], []>, transpose_lhs_hint = false} : vector<10x128xf32>, vector<10x128xf32>, vector<128x128xf32> -> vector<128x128xf32>
    %add3A_1163 = vector.broadcast %get3A_42 : vector<1x128xf32> to vector<128x128xf32>
    %add3A_1164 = arith.addf %dot_general3A_1162, %add3A_1163 : vector<128x128xf32>
    %max3A_1165 = arith.constant 0.000000e+00 : f32
    %max3A_1166 = vector.broadcast %max3A_1165 : f32 to vector<128x128xf32>
    %max3A_1167 = arith.maximumf %add3A_1164, %max3A_1166 : vector<128x128xf32>
    %swap3A_1168 = arith.constant 6784 : index
    %swap3A_1169 = arith.constant 0 : index
    %swap3A_1170 = vector.load %arg9[%swap3A_1168, %swap3A_1169] : memref<8192x128xf32, #tpu.memory_space<vmem>>, vector<128x128xf32>
    tpu.vector_store %arg9[%swap3A_1168, %swap3A_1169], %max3A_1167 {strides = array<i32>} : memref<8192x128xf32, #tpu.memory_space<vmem>>, vector<128x128xf32>,
    %slice3A_1171 = vector.extract_strided_slice %get3A_36 {offsets = [54, 0], sizes = [1, 128], strides = [1, 1]} : vector<64x128xf32> to vector<1x128xf32>
    %slice3A_1172 = vector.extract_strided_slice %get3A_26 {offsets = [54, 0], sizes = [1, 128], strides = [1, 1]} : vector<64x128xf32> to vector<1x128xf32>
    %slice3A_1173 = vector.extract_strided_slice %get3A_31 {offsets = [54, 0], sizes = [1, 128], strides = [1, 1]} : vector<64x128xf32> to vector<1x128xf32>
    %slice3A_1174 = vector.extract_strided_slice %get3A_4 {offsets = [54, 0], sizes = [1, 128], strides = [1, 1]} : vector<64x128xf32> to vector<1x128xf32>
    %slice3A_1175 = vector.extract_strided_slice %get3A_9 {offsets = [54, 0], sizes = [1, 128], strides = [1, 1]} : vector<64x128xf32> to vector<1x128xf32>
    %slice3A_1176 = vector.extract_strided_slice %get3A_14 {offsets = [54, 0], sizes = [1, 128], strides = [1, 1]} : vector<64x128xf32> to vector<1x128xf32>
    %slice3A_1177 = vector.extract_strided_slice %get3A_19 {offsets = [54, 0], sizes = [1, 128], strides = [1, 1]} : vector<64x128xf32> to vector<1x128xf32>
    %slice3A_1178 = vector.extract_strided_slice %sub3A {offsets = [54, 0], sizes = [1, 128], strides = [1, 1]} : vector<64x128xf32> to vector<1x128xf32>
    %slice3A_1179 = vector.extract_strided_slice %sub3A_20 {offsets = [54, 0], sizes = [1, 128], strides = [1, 1]} : vector<64x128xf32> to vector<1x128xf32>
    %slice3A_1180 = vector.extract_strided_slice %mul3A_21 {offsets = [54, 0], sizes = [1, 128], strides = [1, 1]} : vector<64x128xf32> to vector<1x128xf32>
    %concatenate3A_1181 = tpu.concatenate %slice3A_1171, %slice3A_1172, %slice3A_1173, %slice3A_1174, %slice3A_1175, %slice3A_1176, %slice3A_1177, %slice3A_1178, %slice3A_1179, %slice3A_1180 in 0 : vector<1x128xf32>, vector<1x128xf32>, vector<1x128xf32>, vector<1x128xf32>, vector<1x128xf32>, vector<1x128xf32>, vector<1x128xf32>, vector<1x128xf32>, vector<1x128xf32>, vector<1x128xf32> -> vector<10x128xf32>
    %dot_general3A_1182 = arith.constant dense<0.000000e+00> : vector<128x128xf32>
    %dot_general3A_1183 = tpu.matmul %concatenate3A_1181, %get3A_39, %dot_general3A_1182 {dimension_numbers = #tpu.dot_dimension_numbers<[0], [0], [1], [1], [0, 1, 1, 1], [], []>, transpose_lhs_hint = false} : vector<10x128xf32>, vector<10x128xf32>, vector<128x128xf32> -> vector<128x128xf32>
    %add3A_1184 = vector.broadcast %get3A_42 : vector<1x128xf32> to vector<128x128xf32>
    %add3A_1185 = arith.addf %dot_general3A_1183, %add3A_1184 : vector<128x128xf32>
    %max3A_1186 = arith.constant 0.000000e+00 : f32
    %max3A_1187 = vector.broadcast %max3A_1186 : f32 to vector<128x128xf32>
    %max3A_1188 = arith.maximumf %add3A_1185, %max3A_1187 : vector<128x128xf32>
    %swap3A_1189 = arith.constant 6912 : index
    %swap3A_1190 = arith.constant 0 : index
    %swap3A_1191 = vector.load %arg9[%swap3A_1189, %swap3A_1190] : memref<8192x128xf32, #tpu.memory_space<vmem>>, vector<128x128xf32>
    tpu.vector_store %arg9[%swap3A_1189, %swap3A_1190], %max3A_1188 {strides = array<i32>} : memref<8192x128xf32, #tpu.memory_space<vmem>>, vector<128x128xf32>,
    %slice3A_1192 = vector.extract_strided_slice %get3A_36 {offsets = [55, 0], sizes = [1, 128], strides = [1, 1]} : vector<64x128xf32> to vector<1x128xf32>
    %slice3A_1193 = vector.extract_strided_slice %get3A_26 {offsets = [55, 0], sizes = [1, 128], strides = [1, 1]} : vector<64x128xf32> to vector<1x128xf32>
    %slice3A_1194 = vector.extract_strided_slice %get3A_31 {offsets = [55, 0], sizes = [1, 128], strides = [1, 1]} : vector<64x128xf32> to vector<1x128xf32>
    %slice3A_1195 = vector.extract_strided_slice %get3A_4 {offsets = [55, 0], sizes = [1, 128], strides = [1, 1]} : vector<64x128xf32> to vector<1x128xf32>
    %slice3A_1196 = vector.extract_strided_slice %get3A_9 {offsets = [55, 0], sizes = [1, 128], strides = [1, 1]} : vector<64x128xf32> to vector<1x128xf32>
    %slice3A_1197 = vector.extract_strided_slice %get3A_14 {offsets = [55, 0], sizes = [1, 128], strides = [1, 1]} : vector<64x128xf32> to vector<1x128xf32>
    %slice3A_1198 = vector.extract_strided_slice %get3A_19 {offsets = [55, 0], sizes = [1, 128], strides = [1, 1]} : vector<64x128xf32> to vector<1x128xf32>
    %slice3A_1199 = vector.extract_strided_slice %sub3A {offsets = [55, 0], sizes = [1, 128], strides = [1, 1]} : vector<64x128xf32> to vector<1x128xf32>
    %slice3A_1200 = vector.extract_strided_slice %sub3A_20 {offsets = [55, 0], sizes = [1, 128], strides = [1, 1]} : vector<64x128xf32> to vector<1x128xf32>
    %slice3A_1201 = vector.extract_strided_slice %mul3A_21 {offsets = [55, 0], sizes = [1, 128], strides = [1, 1]} : vector<64x128xf32> to vector<1x128xf32>
    %concatenate3A_1202 = tpu.concatenate %slice3A_1192, %slice3A_1193, %slice3A_1194, %slice3A_1195, %slice3A_1196, %slice3A_1197, %slice3A_1198, %slice3A_1199, %slice3A_1200, %slice3A_1201 in 0 : vector<1x128xf32>, vector<1x128xf32>, vector<1x128xf32>, vector<1x128xf32>, vector<1x128xf32>, vector<1x128xf32>, vector<1x128xf32>, vector<1x128xf32>, vector<1x128xf32>, vector<1x128xf32> -> vector<10x128xf32>
    %dot_general3A_1203 = arith.constant dense<0.000000e+00> : vector<128x128xf32>
    %dot_general3A_1204 = tpu.matmul %concatenate3A_1202, %get3A_39, %dot_general3A_1203 {dimension_numbers = #tpu.dot_dimension_numbers<[0], [0], [1], [1], [0, 1, 1, 1], [], []>, transpose_lhs_hint = false} : vector<10x128xf32>, vector<10x128xf32>, vector<128x128xf32> -> vector<128x128xf32>
    %add3A_1205 = vector.broadcast %get3A_42 : vector<1x128xf32> to vector<128x128xf32>
    %add3A_1206 = arith.addf %dot_general3A_1204, %add3A_1205 : vector<128x128xf32>
    %max3A_1207 = arith.constant 0.000000e+00 : f32
    %max3A_1208 = vector.broadcast %max3A_1207 : f32 to vector<128x128xf32>
    %max3A_1209 = arith.maximumf %add3A_1206, %max3A_1208 : vector<128x128xf32>
    %swap3A_1210 = arith.constant 7040 : index
    %swap3A_1211 = arith.constant 0 : index
    %swap3A_1212 = vector.load %arg9[%swap3A_1210, %swap3A_1211] : memref<8192x128xf32, #tpu.memory_space<vmem>>, vector<128x128xf32>
    tpu.vector_store %arg9[%swap3A_1210, %swap3A_1211], %max3A_1209 {strides = array<i32>} : memref<8192x128xf32, #tpu.memory_space<vmem>>, vector<128x128xf32>,
    %slice3A_1213 = vector.extract_strided_slice %get3A_36 {offsets = [56, 0], sizes = [1, 128], strides = [1, 1]} : vector<64x128xf32> to vector<1x128xf32>
    %slice3A_1214 = vector.extract_strided_slice %get3A_26 {offsets = [56, 0], sizes = [1, 128], strides = [1, 1]} : vector<64x128xf32> to vector<1x128xf32>
    %slice3A_1215 = vector.extract_strided_slice %get3A_31 {offsets = [56, 0], sizes = [1, 128], strides = [1, 1]} : vector<64x128xf32> to vector<1x128xf32>
    %slice3A_1216 = vector.extract_strided_slice %get3A_4 {offsets = [56, 0], sizes = [1, 128], strides = [1, 1]} : vector<64x128xf32> to vector<1x128xf32>
    %slice3A_1217 = vector.extract_strided_slice %get3A_9 {offsets = [56, 0], sizes = [1, 128], strides = [1, 1]} : vector<64x128xf32> to vector<1x128xf32>
    %slice3A_1218 = vector.extract_strided_slice %get3A_14 {offsets = [56, 0], sizes = [1, 128], strides = [1, 1]} : vector<64x128xf32> to vector<1x128xf32>
    %slice3A_1219 = vector.extract_strided_slice %get3A_19 {offsets = [56, 0], sizes = [1, 128], strides = [1, 1]} : vector<64x128xf32> to vector<1x128xf32>
    %slice3A_1220 = vector.extract_strided_slice %sub3A {offsets = [56, 0], sizes = [1, 128], strides = [1, 1]} : vector<64x128xf32> to vector<1x128xf32>
    %slice3A_1221 = vector.extract_strided_slice %sub3A_20 {offsets = [56, 0], sizes = [1, 128], strides = [1, 1]} : vector<64x128xf32> to vector<1x128xf32>
    %slice3A_1222 = vector.extract_strided_slice %mul3A_21 {offsets = [56, 0], sizes = [1, 128], strides = [1, 1]} : vector<64x128xf32> to vector<1x128xf32>
    %concatenate3A_1223 = tpu.concatenate %slice3A_1213, %slice3A_1214, %slice3A_1215, %slice3A_1216, %slice3A_1217, %slice3A_1218, %slice3A_1219, %slice3A_1220, %slice3A_1221, %slice3A_1222 in 0 : vector<1x128xf32>, vector<1x128xf32>, vector<1x128xf32>, vector<1x128xf32>, vector<1x128xf32>, vector<1x128xf32>, vector<1x128xf32>, vector<1x128xf32>, vector<1x128xf32>, vector<1x128xf32> -> vector<10x128xf32>
    %dot_general3A_1224 = arith.constant dense<0.000000e+00> : vector<128x128xf32>
    %dot_general3A_1225 = tpu.matmul %concatenate3A_1223, %get3A_39, %dot_general3A_1224 {dimension_numbers = #tpu.dot_dimension_numbers<[0], [0], [1], [1], [0, 1, 1, 1], [], []>, transpose_lhs_hint = false} : vector<10x128xf32>, vector<10x128xf32>, vector<128x128xf32> -> vector<128x128xf32>
    %add3A_1226 = vector.broadcast %get3A_42 : vector<1x128xf32> to vector<128x128xf32>
    %add3A_1227 = arith.addf %dot_general3A_1225, %add3A_1226 : vector<128x128xf32>
    %max3A_1228 = arith.constant 0.000000e+00 : f32
    %max3A_1229 = vector.broadcast %max3A_1228 : f32 to vector<128x128xf32>
    %max3A_1230 = arith.maximumf %add3A_1227, %max3A_1229 : vector<128x128xf32>
    %swap3A_1231 = arith.constant 7168 : index
    %swap3A_1232 = arith.constant 0 : index
    %swap3A_1233 = vector.load %arg9[%swap3A_1231, %swap3A_1232] : memref<8192x128xf32, #tpu.memory_space<vmem>>, vector<128x128xf32>
    tpu.vector_store %arg9[%swap3A_1231, %swap3A_1232], %max3A_1230 {strides = array<i32>} : memref<8192x128xf32, #tpu.memory_space<vmem>>, vector<128x128xf32>,
    %slice3A_1234 = vector.extract_strided_slice %get3A_36 {offsets = [57, 0], sizes = [1, 128], strides = [1, 1]} : vector<64x128xf32> to vector<1x128xf32>
    %slice3A_1235 = vector.extract_strided_slice %get3A_26 {offsets = [57, 0], sizes = [1, 128], strides = [1, 1]} : vector<64x128xf32> to vector<1x128xf32>
    %slice3A_1236 = vector.extract_strided_slice %get3A_31 {offsets = [57, 0], sizes = [1, 128], strides = [1, 1]} : vector<64x128xf32> to vector<1x128xf32>
    %slice3A_1237 = vector.extract_strided_slice %get3A_4 {offsets = [57, 0], sizes = [1, 128], strides = [1, 1]} : vector<64x128xf32> to vector<1x128xf32>
    %slice3A_1238 = vector.extract_strided_slice %get3A_9 {offsets = [57, 0], sizes = [1, 128], strides = [1, 1]} : vector<64x128xf32> to vector<1x128xf32>
    %slice3A_1239 = vector.extract_strided_slice %get3A_14 {offsets = [57, 0], sizes = [1, 128], strides = [1, 1]} : vector<64x128xf32> to vector<1x128xf32>
    %slice3A_1240 = vector.extract_strided_slice %get3A_19 {offsets = [57, 0], sizes = [1, 128], strides = [1, 1]} : vector<64x128xf32> to vector<1x128xf32>
    %slice3A_1241 = vector.extract_strided_slice %sub3A {offsets = [57, 0], sizes = [1, 128], strides = [1, 1]} : vector<64x128xf32> to vector<1x128xf32>
    %slice3A_1242 = vector.extract_strided_slice %sub3A_20 {offsets = [57, 0], sizes = [1, 128], strides = [1, 1]} : vector<64x128xf32> to vector<1x128xf32>
    %slice3A_1243 = vector.extract_strided_slice %mul3A_21 {offsets = [57, 0], sizes = [1, 128], strides = [1, 1]} : vector<64x128xf32> to vector<1x128xf32>
    %concatenate3A_1244 = tpu.concatenate %slice3A_1234, %slice3A_1235, %slice3A_1236, %slice3A_1237, %slice3A_1238, %slice3A_1239, %slice3A_1240, %slice3A_1241, %slice3A_1242, %slice3A_1243 in 0 : vector<1x128xf32>, vector<1x128xf32>, vector<1x128xf32>, vector<1x128xf32>, vector<1x128xf32>, vector<1x128xf32>, vector<1x128xf32>, vector<1x128xf32>, vector<1x128xf32>, vector<1x128xf32> -> vector<10x128xf32>
    %dot_general3A_1245 = arith.constant dense<0.000000e+00> : vector<128x128xf32>
    %dot_general3A_1246 = tpu.matmul %concatenate3A_1244, %get3A_39, %dot_general3A_1245 {dimension_numbers = #tpu.dot_dimension_numbers<[0], [0], [1], [1], [0, 1, 1, 1], [], []>, transpose_lhs_hint = false} : vector<10x128xf32>, vector<10x128xf32>, vector<128x128xf32> -> vector<128x128xf32>
    %add3A_1247 = vector.broadcast %get3A_42 : vector<1x128xf32> to vector<128x128xf32>
    %add3A_1248 = arith.addf %dot_general3A_1246, %add3A_1247 : vector<128x128xf32>
    %max3A_1249 = arith.constant 0.000000e+00 : f32
    %max3A_1250 = vector.broadcast %max3A_1249 : f32 to vector<128x128xf32>
    %max3A_1251 = arith.maximumf %add3A_1248, %max3A_1250 : vector<128x128xf32>
    %swap3A_1252 = arith.constant 7296 : index
    %swap3A_1253 = arith.constant 0 : index
    %swap3A_1254 = vector.load %arg9[%swap3A_1252, %swap3A_1253] : memref<8192x128xf32, #tpu.memory_space<vmem>>, vector<128x128xf32>
    tpu.vector_store %arg9[%swap3A_1252, %swap3A_1253], %max3A_1251 {strides = array<i32>} : memref<8192x128xf32, #tpu.memory_space<vmem>>, vector<128x128xf32>,
    %slice3A_1255 = vector.extract_strided_slice %get3A_36 {offsets = [58, 0], sizes = [1, 128], strides = [1, 1]} : vector<64x128xf32> to vector<1x128xf32>
    %slice3A_1256 = vector.extract_strided_slice %get3A_26 {offsets = [58, 0], sizes = [1, 128], strides = [1, 1]} : vector<64x128xf32> to vector<1x128xf32>
    %slice3A_1257 = vector.extract_strided_slice %get3A_31 {offsets = [58, 0], sizes = [1, 128], strides = [1, 1]} : vector<64x128xf32> to vector<1x128xf32>
    %slice3A_1258 = vector.extract_strided_slice %get3A_4 {offsets = [58, 0], sizes = [1, 128], strides = [1, 1]} : vector<64x128xf32> to vector<1x128xf32>
    %slice3A_1259 = vector.extract_strided_slice %get3A_9 {offsets = [58, 0], sizes = [1, 128], strides = [1, 1]} : vector<64x128xf32> to vector<1x128xf32>
    %slice3A_1260 = vector.extract_strided_slice %get3A_14 {offsets = [58, 0], sizes = [1, 128], strides = [1, 1]} : vector<64x128xf32> to vector<1x128xf32>
    %slice3A_1261 = vector.extract_strided_slice %get3A_19 {offsets = [58, 0], sizes = [1, 128], strides = [1, 1]} : vector<64x128xf32> to vector<1x128xf32>
    %slice3A_1262 = vector.extract_strided_slice %sub3A {offsets = [58, 0], sizes = [1, 128], strides = [1, 1]} : vector<64x128xf32> to vector<1x128xf32>
    %slice3A_1263 = vector.extract_strided_slice %sub3A_20 {offsets = [58, 0], sizes = [1, 128], strides = [1, 1]} : vector<64x128xf32> to vector<1x128xf32>
    %slice3A_1264 = vector.extract_strided_slice %mul3A_21 {offsets = [58, 0], sizes = [1, 128], strides = [1, 1]} : vector<64x128xf32> to vector<1x128xf32>
    %concatenate3A_1265 = tpu.concatenate %slice3A_1255, %slice3A_1256, %slice3A_1257, %slice3A_1258, %slice3A_1259, %slice3A_1260, %slice3A_1261, %slice3A_1262, %slice3A_1263, %slice3A_1264 in 0 : vector<1x128xf32>, vector<1x128xf32>, vector<1x128xf32>, vector<1x128xf32>, vector<1x128xf32>, vector<1x128xf32>, vector<1x128xf32>, vector<1x128xf32>, vector<1x128xf32>, vector<1x128xf32> -> vector<10x128xf32>
    %dot_general3A_1266 = arith.constant dense<0.000000e+00> : vector<128x128xf32>
    %dot_general3A_1267 = tpu.matmul %concatenate3A_1265, %get3A_39, %dot_general3A_1266 {dimension_numbers = #tpu.dot_dimension_numbers<[0], [0], [1], [1], [0, 1, 1, 1], [], []>, transpose_lhs_hint = false} : vector<10x128xf32>, vector<10x128xf32>, vector<128x128xf32> -> vector<128x128xf32>
    %add3A_1268 = vector.broadcast %get3A_42 : vector<1x128xf32> to vector<128x128xf32>
    %add3A_1269 = arith.addf %dot_general3A_1267, %add3A_1268 : vector<128x128xf32>
    %max3A_1270 = arith.constant 0.000000e+00 : f32
    %max3A_1271 = vector.broadcast %max3A_1270 : f32 to vector<128x128xf32>
    %max3A_1272 = arith.maximumf %add3A_1269, %max3A_1271 : vector<128x128xf32>
    %swap3A_1273 = arith.constant 7424 : index
    %swap3A_1274 = arith.constant 0 : index
    %swap3A_1275 = vector.load %arg9[%swap3A_1273, %swap3A_1274] : memref<8192x128xf32, #tpu.memory_space<vmem>>, vector<128x128xf32>
    tpu.vector_store %arg9[%swap3A_1273, %swap3A_1274], %max3A_1272 {strides = array<i32>} : memref<8192x128xf32, #tpu.memory_space<vmem>>, vector<128x128xf32>,
    %slice3A_1276 = vector.extract_strided_slice %get3A_36 {offsets = [59, 0], sizes = [1, 128], strides = [1, 1]} : vector<64x128xf32> to vector<1x128xf32>
    %slice3A_1277 = vector.extract_strided_slice %get3A_26 {offsets = [59, 0], sizes = [1, 128], strides = [1, 1]} : vector<64x128xf32> to vector<1x128xf32>
    %slice3A_1278 = vector.extract_strided_slice %get3A_31 {offsets = [59, 0], sizes = [1, 128], strides = [1, 1]} : vector<64x128xf32> to vector<1x128xf32>
    %slice3A_1279 = vector.extract_strided_slice %get3A_4 {offsets = [59, 0], sizes = [1, 128], strides = [1, 1]} : vector<64x128xf32> to vector<1x128xf32>
    %slice3A_1280 = vector.extract_strided_slice %get3A_9 {offsets = [59, 0], sizes = [1, 128], strides = [1, 1]} : vector<64x128xf32> to vector<1x128xf32>
    %slice3A_1281 = vector.extract_strided_slice %get3A_14 {offsets = [59, 0], sizes = [1, 128], strides = [1, 1]} : vector<64x128xf32> to vector<1x128xf32>
    %slice3A_1282 = vector.extract_strided_slice %get3A_19 {offsets = [59, 0], sizes = [1, 128], strides = [1, 1]} : vector<64x128xf32> to vector<1x128xf32>
    %slice3A_1283 = vector.extract_strided_slice %sub3A {offsets = [59, 0], sizes = [1, 128], strides = [1, 1]} : vector<64x128xf32> to vector<1x128xf32>
    %slice3A_1284 = vector.extract_strided_slice %sub3A_20 {offsets = [59, 0], sizes = [1, 128], strides = [1, 1]} : vector<64x128xf32> to vector<1x128xf32>
    %slice3A_1285 = vector.extract_strided_slice %mul3A_21 {offsets = [59, 0], sizes = [1, 128], strides = [1, 1]} : vector<64x128xf32> to vector<1x128xf32>
    %concatenate3A_1286 = tpu.concatenate %slice3A_1276, %slice3A_1277, %slice3A_1278, %slice3A_1279, %slice3A_1280, %slice3A_1281, %slice3A_1282, %slice3A_1283, %slice3A_1284, %slice3A_1285 in 0 : vector<1x128xf32>, vector<1x128xf32>, vector<1x128xf32>, vector<1x128xf32>, vector<1x128xf32>, vector<1x128xf32>, vector<1x128xf32>, vector<1x128xf32>, vector<1x128xf32>, vector<1x128xf32> -> vector<10x128xf32>
    %dot_general3A_1287 = arith.constant dense<0.000000e+00> : vector<128x128xf32>
    %dot_general3A_1288 = tpu.matmul %concatenate3A_1286, %get3A_39, %dot_general3A_1287 {dimension_numbers = #tpu.dot_dimension_numbers<[0], [0], [1], [1], [0, 1, 1, 1], [], []>, transpose_lhs_hint = false} : vector<10x128xf32>, vector<10x128xf32>, vector<128x128xf32> -> vector<128x128xf32>
    %add3A_1289 = vector.broadcast %get3A_42 : vector<1x128xf32> to vector<128x128xf32>
    %add3A_1290 = arith.addf %dot_general3A_1288, %add3A_1289 : vector<128x128xf32>
    %max3A_1291 = arith.constant 0.000000e+00 : f32
    %max3A_1292 = vector.broadcast %max3A_1291 : f32 to vector<128x128xf32>
    %max3A_1293 = arith.maximumf %add3A_1290, %max3A_1292 : vector<128x128xf32>
    %swap3A_1294 = arith.constant 7552 : index
    %swap3A_1295 = arith.constant 0 : index
    %swap3A_1296 = vector.load %arg9[%swap3A_1294, %swap3A_1295] : memref<8192x128xf32, #tpu.memory_space<vmem>>, vector<128x128xf32>
    tpu.vector_store %arg9[%swap3A_1294, %swap3A_1295], %max3A_1293 {strides = array<i32>} : memref<8192x128xf32, #tpu.memory_space<vmem>>, vector<128x128xf32>,
    %slice3A_1297 = vector.extract_strided_slice %get3A_36 {offsets = [60, 0], sizes = [1, 128], strides = [1, 1]} : vector<64x128xf32> to vector<1x128xf32>
    %slice3A_1298 = vector.extract_strided_slice %get3A_26 {offsets = [60, 0], sizes = [1, 128], strides = [1, 1]} : vector<64x128xf32> to vector<1x128xf32>
    %slice3A_1299 = vector.extract_strided_slice %get3A_31 {offsets = [60, 0], sizes = [1, 128], strides = [1, 1]} : vector<64x128xf32> to vector<1x128xf32>
    %slice3A_1300 = vector.extract_strided_slice %get3A_4 {offsets = [60, 0], sizes = [1, 128], strides = [1, 1]} : vector<64x128xf32> to vector<1x128xf32>
    %slice3A_1301 = vector.extract_strided_slice %get3A_9 {offsets = [60, 0], sizes = [1, 128], strides = [1, 1]} : vector<64x128xf32> to vector<1x128xf32>
    %slice3A_1302 = vector.extract_strided_slice %get3A_14 {offsets = [60, 0], sizes = [1, 128], strides = [1, 1]} : vector<64x128xf32> to vector<1x128xf32>
    %slice3A_1303 = vector.extract_strided_slice %get3A_19 {offsets = [60, 0], sizes = [1, 128], strides = [1, 1]} : vector<64x128xf32> to vector<1x128xf32>
    %slice3A_1304 = vector.extract_strided_slice %sub3A {offsets = [60, 0], sizes = [1, 128], strides = [1, 1]} : vector<64x128xf32> to vector<1x128xf32>
    %slice3A_1305 = vector.extract_strided_slice %sub3A_20 {offsets = [60, 0], sizes = [1, 128], strides = [1, 1]} : vector<64x128xf32> to vector<1x128xf32>
    %slice3A_1306 = vector.extract_strided_slice %mul3A_21 {offsets = [60, 0], sizes = [1, 128], strides = [1, 1]} : vector<64x128xf32> to vector<1x128xf32>
    %concatenate3A_1307 = tpu.concatenate %slice3A_1297, %slice3A_1298, %slice3A_1299, %slice3A_1300, %slice3A_1301, %slice3A_1302, %slice3A_1303, %slice3A_1304, %slice3A_1305, %slice3A_1306 in 0 : vector<1x128xf32>, vector<1x128xf32>, vector<1x128xf32>, vector<1x128xf32>, vector<1x128xf32>, vector<1x128xf32>, vector<1x128xf32>, vector<1x128xf32>, vector<1x128xf32>, vector<1x128xf32> -> vector<10x128xf32>
    %dot_general3A_1308 = arith.constant dense<0.000000e+00> : vector<128x128xf32>
    %dot_general3A_1309 = tpu.matmul %concatenate3A_1307, %get3A_39, %dot_general3A_1308 {dimension_numbers = #tpu.dot_dimension_numbers<[0], [0], [1], [1], [0, 1, 1, 1], [], []>, transpose_lhs_hint = false} : vector<10x128xf32>, vector<10x128xf32>, vector<128x128xf32> -> vector<128x128xf32>
    %add3A_1310 = vector.broadcast %get3A_42 : vector<1x128xf32> to vector<128x128xf32>
    %add3A_1311 = arith.addf %dot_general3A_1309, %add3A_1310 : vector<128x128xf32>
    %max3A_1312 = arith.constant 0.000000e+00 : f32
    %max3A_1313 = vector.broadcast %max3A_1312 : f32 to vector<128x128xf32>
    %max3A_1314 = arith.maximumf %add3A_1311, %max3A_1313 : vector<128x128xf32>
    %swap3A_1315 = arith.constant 7680 : index
    %swap3A_1316 = arith.constant 0 : index
    %swap3A_1317 = vector.load %arg9[%swap3A_1315, %swap3A_1316] : memref<8192x128xf32, #tpu.memory_space<vmem>>, vector<128x128xf32>
    tpu.vector_store %arg9[%swap3A_1315, %swap3A_1316], %max3A_1314 {strides = array<i32>} : memref<8192x128xf32, #tpu.memory_space<vmem>>, vector<128x128xf32>,
    %slice3A_1318 = vector.extract_strided_slice %get3A_36 {offsets = [61, 0], sizes = [1, 128], strides = [1, 1]} : vector<64x128xf32> to vector<1x128xf32>
    %slice3A_1319 = vector.extract_strided_slice %get3A_26 {offsets = [61, 0], sizes = [1, 128], strides = [1, 1]} : vector<64x128xf32> to vector<1x128xf32>
    %slice3A_1320 = vector.extract_strided_slice %get3A_31 {offsets = [61, 0], sizes = [1, 128], strides = [1, 1]} : vector<64x128xf32> to vector<1x128xf32>
    %slice3A_1321 = vector.extract_strided_slice %get3A_4 {offsets = [61, 0], sizes = [1, 128], strides = [1, 1]} : vector<64x128xf32> to vector<1x128xf32>
    %slice3A_1322 = vector.extract_strided_slice %get3A_9 {offsets = [61, 0], sizes = [1, 128], strides = [1, 1]} : vector<64x128xf32> to vector<1x128xf32>
    %slice3A_1323 = vector.extract_strided_slice %get3A_14 {offsets = [61, 0], sizes = [1, 128], strides = [1, 1]} : vector<64x128xf32> to vector<1x128xf32>
    %slice3A_1324 = vector.extract_strided_slice %get3A_19 {offsets = [61, 0], sizes = [1, 128], strides = [1, 1]} : vector<64x128xf32> to vector<1x128xf32>
    %slice3A_1325 = vector.extract_strided_slice %sub3A {offsets = [61, 0], sizes = [1, 128], strides = [1, 1]} : vector<64x128xf32> to vector<1x128xf32>
    %slice3A_1326 = vector.extract_strided_slice %sub3A_20 {offsets = [61, 0], sizes = [1, 128], strides = [1, 1]} : vector<64x128xf32> to vector<1x128xf32>
    %slice3A_1327 = vector.extract_strided_slice %mul3A_21 {offsets = [61, 0], sizes = [1, 128], strides = [1, 1]} : vector<64x128xf32> to vector<1x128xf32>
    %concatenate3A_1328 = tpu.concatenate %slice3A_1318, %slice3A_1319, %slice3A_1320, %slice3A_1321, %slice3A_1322, %slice3A_1323, %slice3A_1324, %slice3A_1325, %slice3A_1326, %slice3A_1327 in 0 : vector<1x128xf32>, vector<1x128xf32>, vector<1x128xf32>, vector<1x128xf32>, vector<1x128xf32>, vector<1x128xf32>, vector<1x128xf32>, vector<1x128xf32>, vector<1x128xf32>, vector<1x128xf32> -> vector<10x128xf32>
    %dot_general3A_1329 = arith.constant dense<0.000000e+00> : vector<128x128xf32>
    %dot_general3A_1330 = tpu.matmul %concatenate3A_1328, %get3A_39, %dot_general3A_1329 {dimension_numbers = #tpu.dot_dimension_numbers<[0], [0], [1], [1], [0, 1, 1, 1], [], []>, transpose_lhs_hint = false} : vector<10x128xf32>, vector<10x128xf32>, vector<128x128xf32> -> vector<128x128xf32>
    %add3A_1331 = vector.broadcast %get3A_42 : vector<1x128xf32> to vector<128x128xf32>
    %add3A_1332 = arith.addf %dot_general3A_1330, %add3A_1331 : vector<128x128xf32>
    %max3A_1333 = arith.constant 0.000000e+00 : f32
    %max3A_1334 = vector.broadcast %max3A_1333 : f32 to vector<128x128xf32>
    %max3A_1335 = arith.maximumf %add3A_1332, %max3A_1334 : vector<128x128xf32>
    %swap3A_1336 = arith.constant 7808 : index
    %swap3A_1337 = arith.constant 0 : index
    %swap3A_1338 = vector.load %arg9[%swap3A_1336, %swap3A_1337] : memref<8192x128xf32, #tpu.memory_space<vmem>>, vector<128x128xf32>
    tpu.vector_store %arg9[%swap3A_1336, %swap3A_1337], %max3A_1335 {strides = array<i32>} : memref<8192x128xf32, #tpu.memory_space<vmem>>, vector<128x128xf32>,
    %slice3A_1339 = vector.extract_strided_slice %get3A_36 {offsets = [62, 0], sizes = [1, 128], strides = [1, 1]} : vector<64x128xf32> to vector<1x128xf32>
    %slice3A_1340 = vector.extract_strided_slice %get3A_26 {offsets = [62, 0], sizes = [1, 128], strides = [1, 1]} : vector<64x128xf32> to vector<1x128xf32>
    %slice3A_1341 = vector.extract_strided_slice %get3A_31 {offsets = [62, 0], sizes = [1, 128], strides = [1, 1]} : vector<64x128xf32> to vector<1x128xf32>
    %slice3A_1342 = vector.extract_strided_slice %get3A_4 {offsets = [62, 0], sizes = [1, 128], strides = [1, 1]} : vector<64x128xf32> to vector<1x128xf32>
    %slice3A_1343 = vector.extract_strided_slice %get3A_9 {offsets = [62, 0], sizes = [1, 128], strides = [1, 1]} : vector<64x128xf32> to vector<1x128xf32>
    %slice3A_1344 = vector.extract_strided_slice %get3A_14 {offsets = [62, 0], sizes = [1, 128], strides = [1, 1]} : vector<64x128xf32> to vector<1x128xf32>
    %slice3A_1345 = vector.extract_strided_slice %get3A_19 {offsets = [62, 0], sizes = [1, 128], strides = [1, 1]} : vector<64x128xf32> to vector<1x128xf32>
    %slice3A_1346 = vector.extract_strided_slice %sub3A {offsets = [62, 0], sizes = [1, 128], strides = [1, 1]} : vector<64x128xf32> to vector<1x128xf32>
    %slice3A_1347 = vector.extract_strided_slice %sub3A_20 {offsets = [62, 0], sizes = [1, 128], strides = [1, 1]} : vector<64x128xf32> to vector<1x128xf32>
    %slice3A_1348 = vector.extract_strided_slice %mul3A_21 {offsets = [62, 0], sizes = [1, 128], strides = [1, 1]} : vector<64x128xf32> to vector<1x128xf32>
    %concatenate3A_1349 = tpu.concatenate %slice3A_1339, %slice3A_1340, %slice3A_1341, %slice3A_1342, %slice3A_1343, %slice3A_1344, %slice3A_1345, %slice3A_1346, %slice3A_1347, %slice3A_1348 in 0 : vector<1x128xf32>, vector<1x128xf32>, vector<1x128xf32>, vector<1x128xf32>, vector<1x128xf32>, vector<1x128xf32>, vector<1x128xf32>, vector<1x128xf32>, vector<1x128xf32>, vector<1x128xf32> -> vector<10x128xf32>
    %dot_general3A_1350 = arith.constant dense<0.000000e+00> : vector<128x128xf32>
    %dot_general3A_1351 = tpu.matmul %concatenate3A_1349, %get3A_39, %dot_general3A_1350 {dimension_numbers = #tpu.dot_dimension_numbers<[0], [0], [1], [1], [0, 1, 1, 1], [], []>, transpose_lhs_hint = false} : vector<10x128xf32>, vector<10x128xf32>, vector<128x128xf32> -> vector<128x128xf32>
    %add3A_1352 = vector.broadcast %get3A_42 : vector<1x128xf32> to vector<128x128xf32>
    %add3A_1353 = arith.addf %dot_general3A_1351, %add3A_1352 : vector<128x128xf32>
    %max3A_1354 = arith.constant 0.000000e+00 : f32
    %max3A_1355 = vector.broadcast %max3A_1354 : f32 to vector<128x128xf32>
    %max3A_1356 = arith.maximumf %add3A_1353, %max3A_1355 : vector<128x128xf32>
    %swap3A_1357 = arith.constant 7936 : index
    %swap3A_1358 = arith.constant 0 : index
    %swap3A_1359 = vector.load %arg9[%swap3A_1357, %swap3A_1358] : memref<8192x128xf32, #tpu.memory_space<vmem>>, vector<128x128xf32>
    tpu.vector_store %arg9[%swap3A_1357, %swap3A_1358], %max3A_1356 {strides = array<i32>} : memref<8192x128xf32, #tpu.memory_space<vmem>>, vector<128x128xf32>,
    %slice3A_1360 = vector.extract_strided_slice %get3A_36 {offsets = [63, 0], sizes = [1, 128], strides = [1, 1]} : vector<64x128xf32> to vector<1x128xf32>
    %slice3A_1361 = vector.extract_strided_slice %get3A_26 {offsets = [63, 0], sizes = [1, 128], strides = [1, 1]} : vector<64x128xf32> to vector<1x128xf32>
    %slice3A_1362 = vector.extract_strided_slice %get3A_31 {offsets = [63, 0], sizes = [1, 128], strides = [1, 1]} : vector<64x128xf32> to vector<1x128xf32>
    %slice3A_1363 = vector.extract_strided_slice %get3A_4 {offsets = [63, 0], sizes = [1, 128], strides = [1, 1]} : vector<64x128xf32> to vector<1x128xf32>
    %slice3A_1364 = vector.extract_strided_slice %get3A_9 {offsets = [63, 0], sizes = [1, 128], strides = [1, 1]} : vector<64x128xf32> to vector<1x128xf32>
    %slice3A_1365 = vector.extract_strided_slice %get3A_14 {offsets = [63, 0], sizes = [1, 128], strides = [1, 1]} : vector<64x128xf32> to vector<1x128xf32>
    %slice3A_1366 = vector.extract_strided_slice %get3A_19 {offsets = [63, 0], sizes = [1, 128], strides = [1, 1]} : vector<64x128xf32> to vector<1x128xf32>
    %slice3A_1367 = vector.extract_strided_slice %sub3A {offsets = [63, 0], sizes = [1, 128], strides = [1, 1]} : vector<64x128xf32> to vector<1x128xf32>
    %slice3A_1368 = vector.extract_strided_slice %sub3A_20 {offsets = [63, 0], sizes = [1, 128], strides = [1, 1]} : vector<64x128xf32> to vector<1x128xf32>
    %slice3A_1369 = vector.extract_strided_slice %mul3A_21 {offsets = [63, 0], sizes = [1, 128], strides = [1, 1]} : vector<64x128xf32> to vector<1x128xf32>
    %concatenate3A_1370 = tpu.concatenate %slice3A_1360, %slice3A_1361, %slice3A_1362, %slice3A_1363, %slice3A_1364, %slice3A_1365, %slice3A_1366, %slice3A_1367, %slice3A_1368, %slice3A_1369 in 0 : vector<1x128xf32>, vector<1x128xf32>, vector<1x128xf32>, vector<1x128xf32>, vector<1x128xf32>, vector<1x128xf32>, vector<1x128xf32>, vector<1x128xf32>, vector<1x128xf32>, vector<1x128xf32> -> vector<10x128xf32>
    %dot_general3A_1371 = arith.constant dense<0.000000e+00> : vector<128x128xf32>
    %dot_general3A_1372 = tpu.matmul %concatenate3A_1370, %get3A_39, %dot_general3A_1371 {dimension_numbers = #tpu.dot_dimension_numbers<[0], [0], [1], [1], [0, 1, 1, 1], [], []>, transpose_lhs_hint = false} : vector<10x128xf32>, vector<10x128xf32>, vector<128x128xf32> -> vector<128x128xf32>
    %add3A_1373 = vector.broadcast %get3A_42 : vector<1x128xf32> to vector<128x128xf32>
    %add3A_1374 = arith.addf %dot_general3A_1372, %add3A_1373 : vector<128x128xf32>
    %max3A_1375 = arith.constant 0.000000e+00 : f32
    %max3A_1376 = vector.broadcast %max3A_1375 : f32 to vector<128x128xf32>
    %max3A_1377 = arith.maximumf %add3A_1374, %max3A_1376 : vector<128x128xf32>
    %swap3A_1378 = arith.constant 8064 : index
    %swap3A_1379 = arith.constant 0 : index
    %swap3A_1380 = vector.load %arg9[%swap3A_1378, %swap3A_1379] : memref<8192x128xf32, #tpu.memory_space<vmem>>, vector<128x128xf32>
    tpu.vector_store %arg9[%swap3A_1378, %swap3A_1379], %max3A_1377 {strides = array<i32>} : memref<8192x128xf32, #tpu.memory_space<vmem>>, vector<128x128xf32>,
    return
  }
  func.func @transform_0(%arg0: i32, %arg1: memref<16xi32, #tpu.memory_space<smem>>, %arg2: memref<2x16xf32, #tpu.memory_space<smem>>) -> (i32, i32) {
    %c0_i32 = arith.constant 0 : i32
    %c0_i32_0 = arith.constant 0 : i32
    %c0_i32_1 = arith.constant 0 : i32
    return %c0_i32, %c0_i32_0 : i32, i32
  }
  func.func @transform_1(%arg0: i32, %arg1: memref<16xi32, #tpu.memory_space<smem>>, %arg2: memref<2x16xf32, #tpu.memory_space<smem>>) -> (i32, i32) {
    %c0_i32 = arith.constant 0 : i32
    %c0_i32_0 = arith.constant 0 : i32
    %c0_i32_1 = arith.constant 0 : i32
    return %c0_i32, %c0_i32_0 : i32, i32
  }
  func.func @transform_2(%arg0: i32, %arg1: memref<16xi32, #tpu.memory_space<smem>>, %arg2: memref<2x16xf32, #tpu.memory_space<smem>>) -> (i32, i32) {
    %c0_i32 = arith.constant 0 : i32
    %c0_i32_0 = arith.constant 0 : i32
    %c0_i32_1 = arith.constant 0 : i32
    return %c0_i32, %c0_i32_0 : i32, i32
  }
  func.func @transform_3(%arg0: i32, %arg1: memref<16xi32, #tpu.memory_space<smem>>, %arg2: memref<2x16xf32, #tpu.memory_space<smem>>) -> (i32, i32) {
    %c0_i32 = arith.constant 0 : i32
    %c0_i32_0 = arith.constant 0 : i32
    %c0_i32_1 = arith.constant 0 : i32
    return %c0_i32, %c0_i32_0 : i32, i32
  }
  func.func @transform_4(%arg0: i32, %arg1: memref<16xi32, #tpu.memory_space<smem>>, %arg2: memref<2x16xf32, #tpu.memory_space<smem>>) -> (i32, i32) {
    %c0_i32 = arith.constant 0 : i32
    %c0_i32_0 = arith.constant 0 : i32
    %c0_i32_1 = arith.constant 0 : i32
    return %c0_i32, %c0_i32_0 : i32, i32
  }
  func.func @transform_5(%arg0: i32, %arg1: memref<16xi32, #tpu.memory_space<smem>>, %arg2: memref<2x16xf32, #tpu.memory_space<smem>>) -> (i32, i32) {
    %c0_i32 = arith.constant 0 : i32
    %c0_i32_0 = arith.constant 0 : i32
    %c0_i32_1 = arith.constant 0 : i32
    return %c0_i32, %c0_i32_0 : i32, i32
  }
  func.func @transform_6(%arg0: i32, %arg1: memref<16xi32, #tpu.memory_space<smem>>, %arg2: memref<2x16xf32, #tpu.memory_space<smem>>) -> (i32, i32) {
    %c0_i32 = arith.constant 0 : i32
    %c0_i32_0 = arith.constant 0 : i32
    return %arg0, %c0_i32 : i32, i32
  }
}

</mosaic_0001>

<sc_bundles>
// kernel: kernel.4.cloned.1.call-start
scs
__scs_entry_jumppad:
0x0: {  	(pc) =	sbr.rel $0x88, $3  }
0x1: {  	(tag) =	ssettag $0x0;
	lr =	simm.s32 $0x1  }
0x2: {  	[smem:$0x3F9A] =	sst lr;
	_ =	strace $0xD0000000  }
0x3: {  	_ = 	snop  }
0x4: {  	_ = 	snop  }
0x5: {  	_ = 	snop  }
0x6: {  	_ = 	snop  }
0x7: {  	_ = 	snop  }
__scs_overlays_trampoline_lowered:
0x8: {  	[smem:$0x3FA9] =	sst s0  }
0x9: {  	[smem:$0x3FAA] =	sst s1  }
0xa: {  	[smem:$0x3FAB] =	sst s2  }
0xb: {  	[smem:$0x3FAC] =	sst s3  }
0xc: {  	[smem:$0x3FAD] =	sst s4  }
0xd: {  	[smem:$0x3FAE] =	sst s5  }
0xe: {  	[smem:$0x3FAF] =	sst s6  }
0xf: {  	[smem:$0x3FB0] =	sst s7  }
0x10: {  	[smem:$0x3FB1] =	sst s8  }
0x11: {  	[smem:$0x3FB2] =	sst s9;
	s0 =	simm.s32 @!p0 $0x0  }
0x12: {  	s1 =	sld [smem:$0x3F98];
	s0 =	simm.s32 @p0 $0x1  }
0x13: {  	[smem:$0x3FB3] =	sst s0;
	s0 =	simm.s32 @!p1 $0x0  }
0x14: {  	s2 =	sld [smem:$0x3F97];
	s0 =	simm.s32 @p1 $0x1  }
0x15: {  	[smem:$0x3FB4] =	sst s0;
	s0 =	simm.s32 @!p2 $0x0  }
0x16: {  	s3 =	sld [smem:$0x3FDB];
	s0 =	simm.s32 @p2 $0x1  }
0x17: {  	s4 =	simm.s32 $0x1BF5;
	[smem:$0x3FB6] =	sst s0  }
0x18: {  	s0 =	sld [smem:$0x3F99];
	_ =	swait.ge [sflag:s4], $0x0  }
0x19: {  	s7 =	sld [smem:$0x3F9A]  }
0x1a: {  	s8 =	sadd.s32 $0xFFFFE003, lr  }
0x1b: {  	s9 =	sadd.s32 $0xFFFFFEF7, lr;
	s5 =	simm.s32 $0xFFFFFFFF;
	p2 =	slt.u32 s8, $0xFFFFF086  }
0x1c: {  	p1 =	slt.u32 s9, $0xF7A;
	s5 =	simm.s32 @!p2 $0x0  }
0x1d: {  	s5 =	simm.s32 @p1 $0x1;
	p0 =	seq.s32 s7, s2  }
0x1e: {  	s7 =	smul.u32 @!p0 $0xF7A, s2;
	p2 =	seq.s32 @!p0 s5, $0x0  }
0x1f: {  	s9 =	smul.u32 $0xF7A, s1;
	s8 =	simm.s32 @!p0 $0x1BF5;
	p2 =	por !p2, p0  }
0x20: {  	[sflag:s8] =	ssyncset.s32 @!p0 $0xFFFFF086;
	s6 =	sadd.s32 @!p0 s3, s7;
	s7 =	simm.s32 @!p0 $0x108  }
0x21: {  	s3 =	sadd.s32 s3, s9;
	s6 =	sadd.s32 @!p0 $0x88, s6;
	s7 =	simm.s32 @p2 $0x1082  }
0x22: {  	[simem:s7], [sflag:s8] =	dma.local @!p0 [hbm:s6], $0xF7A  }
0x23: {  	s9 =	sor.u32 $0xD0000000, s2;
	s6 =	simm.s32 $0x108;
	_ =	swait.ge @!p0 [sflag:s8], $0x0  }
0x24: {  	s3 =	sadd.s32 $0x88, s3;
	s6 =	simm.s32 @!p1 $0x1082;
	[sflag:s4] =	ssyncset.s32 $0xFFFFF086  }
0x25: {  	[simem:s6], [sflag:s4] =	dma.local [hbm:s3], $0xF7A  }
0x26: {  	[smem:$0x3F9A] =	sst s1;
	(tag) =	ssettag s2;
	_ =	strace s9  }
0x27: {  	s1 =	sld [smem:$0x3FAA]  }
0x28: {  	s2 =	sld [smem:$0x3FAB]  }
0x29: {  	s4 =	sld [smem:$0x3FAD]  }
0x2a: {  	p0 =	seq.s32 s5, $0x0;
	s5 =	sld [smem:$0x3FAE]  }
0x2b: {  	s6 =	sld [smem:$0x3FAF]  }
0x2c: {  	s7 =	sld [smem:$0x3FB0]  }
0x2d: {  	s3 =	simm.s32 $0x108;
	s8 =	sld [smem:$0x3FB1]  }
0x2e: {  	s3 =	simm.s32 @!p0 $0x1082;
	s9 =	sld [smem:$0x3FB2]  }
0x2f: {  	lr =	sadd.s32 s0, s3;
	s0 =	sld [smem:$0x3FA9]  }
0x30: {  	s3 =	sld [smem:$0x3FAC]  }
0x31: {  	[smem:$0x3FB5] =	sst s10  }
0x32: {  	s10 =	sld [smem:$0x3FB3];
	_ =	sdelay $0x3  }
0x33: {  	p0 =	seq.s32 s10, $0x1;
	s10 =	sld [smem:$0x3FB5];
	_ =	sdelay $0x3  }
0x34: {  	[smem:$0x3FB5] =	sst s10  }
0x35: {  	s10 =	sld [smem:$0x3FB4];
	_ =	sdelay $0x3  }
0x36: {  	p1 =	seq.s32 s10, $0x1;
	s10 =	sld [smem:$0x3FB5];
	_ =	sdelay $0x3  }
0x37: {  	[smem:$0x3FB5] =	sst s10  }
0x38: {  	s10 =	sld [smem:$0x3FB6]  }
0x39: {  	_ = 	snop;
	(pc) =	sbr.ind lr, $3  }
0x3a: {  	_ = 	snop  }
0x3b: {  	_ = 	snop  }
0x3c: {  	p2 =	seq.s32 s10, $0x1;
	s10 =	sld [smem:$0x3FB5]  }
0x3d: {  	_ =	shalt  }
0x3e: {  	_ =	shalt  }
0x3f: {  	_ =	shalt  }
0x40: {  	_ =	shalt  }
0x41: {  	_ =	shalt  }
0x42: {  	_ =	shalt  }
0x43: {  	_ =	shalt  }
0x44: {  	_ =	shalt  }
0x45: {  	_ =	shalt  }
0x46: {  	_ =	shalt  }
0x47: {  	_ =	shalt  }
0x48: {  	_ =	shalt  }
0x49: {  	_ =	shalt  }
0x4a: {  	_ =	shalt  }
0x4b: {  	_ =	shalt  }
0x4c: {  	_ =	shalt  }
0x4d: {  	_ =	shalt  }
0x4e: {  	_ =	shalt  }
0x4f: {  	_ =	shalt  }
0x50: {  	_ =	shalt  }
0x51: {  	_ =	shalt  }
0x52: {  	_ =	shalt  }
0x53: {  	_ =	shalt  }
0x54: {  	_ =	shalt  }
0x55: {  	_ =	shalt  }
0x56: {  	_ =	shalt  }
0x57: {  	_ =	shalt  }
0x58: {  	_ =	shalt  }
0x59: {  	_ =	shalt  }
0x5a: {  	_ =	shalt  }
0x5b: {  	_ =	shalt  }
0x5c: {  	_ =	shalt  }
0x5d: {  	_ =	shalt  }
0x5e: {  	_ =	shalt  }
0x5f: {  	_ =	shalt  }
0x60: {  	_ =	shalt  }
0x61: {  	_ =	shalt  }
0x62: {  	_ =	shalt  }
0x63: {  	_ =	shalt  }
0x64: {  	_ =	shalt  }
0x65: {  	_ =	shalt  }
0x66: {  	_ =	shalt  }
0x67: {  	_ =	shalt  }
0x68: {  	_ =	shalt  }
0x69: {  	_ =	shalt  }
0x6a: {  	_ =	shalt  }
0x6b: {  	_ =	shalt  }
0x6c: {  	_ =	shalt  }
0x6d: {  	_ =	shalt  }
0x6e: {  	_ =	shalt  }
0x6f: {  	_ =	shalt  }
0x70: {  	_ =	shalt  }
0x71: {  	_ =	shalt  }
0x72: {  	_ =	shalt  }
0x73: {  	_ =	shalt  }
0x74: {  	_ =	shalt  }
0x75: {  	_ =	shalt  }
0x76: {  	_ =	shalt  }
0x77: {  	_ =	shalt  }
0x78: {  	_ =	shalt  }
0x79: {  	_ =	shalt  }
0x7a: {  	_ =	shalt  }
0x7b: {  	_ =	shalt  }
0x7c: {  	_ =	shalt  }
0x7d: {  	_ =	shalt  }
0x7e: {  	_ =	shalt  }
0x7f: {  	_ =	shalt  }
0x80: {  	_ =	shalt  }
0x81: {  	_ =	shalt  }
0x82: {  	_ =	shalt  }
0x83: {  	_ =	shalt  }
0x84: {  	_ =	shalt  }
0x85: {  	_ =	shalt  }
0x86: {  	_ =	shalt  }
0x87: {  	_ =	shalt  }
.Lfunc_end0:
.L_simem_size_0:
called_computation_lowered:
.L_overlay_start_0:
0x88: {  	s2 =	sld [smem:$0x3FD9]  }
0x89: {  	s3 =	sld [smem:$0x3FFE];
	_ =	sdelay $0x1  }
0x8a: {  	s1 =	srdreg.scid  }
0x8b: {  	s0 =	sand.u32 $0x1, s1  }
0x8c: {  	s18 =	sshll.u32 s0, $0xA;
	s2 =	sadd.s32 s3, s2  }
0x8d: {  	s2 =	sadd.s32 s2, s18  }
0x8e: {  	[smem:$0x3FC1] =	sst s2  }
0x8f: {  	_ = 	snop  }
0x90: {  	s2 =	sld [smem:$0x3FC9]  }
0x91: {  	s19 =	sld [smem:$0x3FC8]  }
0x92: {  	s4 =	sld [smem:$0x3FC7]  }
0x93: {  	s5 =	sld [smem:$0x3FC6]  }
0x94: {  	s6 =	sld [smem:$0x3FC5]  }
0x95: {  	s7 =	sld [smem:$0x3FD0];
	(tm) =	ssettm $0x1  }
0x96: {  	s8 =	sld [smem:$0x3FFB];
	_ =	sdelay $0x3  }
0x97: {  	_ =	strace s8  }
0x98: {  	s8 =	sld [smem:$0x3FFC];
	_ =	sdelay $0x3  }
0x99: {  	_ =	strace s8  }
0x9a: {  	s8 =	sld [smem:$0x3FFD];
	_ =	sdelay $0x3  }
0x9b: {  	_ =	strace s8  }
0x9c: {  	_ =	strace $0x8FFFFFFF  }
0x9d: {  	s20 =	sld [smem:$0x3FDB];
	_ =	sdelay $0x1  }
0x9e: {  	s9 =	simm.s32 $_scs_section_size  }
0x9f: {  	s10 =	simm.s32 $_size__tile_overlayer_lowered;
	s11 =	simm.s32 $_tile_overlayer_lowered  }
0xa0: {  	s23 =	simm.s32 $0x1BFF;
	s22 =	sshll.u32 s11, $0x1;
	s8 =	sadd.s32 s9, s20  }
0xa1: {  	s12 =	simm.s32 $0x0;
	s21 =	sshll.u32 s10, $0x1;
	s10 =	sadd.s32 s22, s8  }
0xa2: {  	[timem:s12], [sflag:s23] =	dma.local [hbm:s10], s21  }
0xa3: {  	_ =	swait.ge [sflag:s23], s21  }
0xa4: {  	s9 =	ssub.s32 $0x0, s21;
	[sflag:s23] =	ssyncset.done $0x0  }
0xa5: {  	[sflag:s23] =	ssyncadd.s32 s9;
	_ =	sdelay $0x1  }
0xa6: {  	s24 =	simm.s32 $0x1B8B  }
0xa7: {  	_ =	swait.ge [sflag:s24], $0x1  }
0xa8: {  	[sflag:s24] =	ssyncset.done $0x0  }
0xa9: {  	s25 =	simm.s32 $0x1B8E;
	[sflag:s24] =	ssyncadd.s32 $0xFFFFFFFF  }
0xaa: {  	s26 =	simm.s32 $execute0_lowered;
	[smem:$0x3FD2] =	sst s25  }
0xab: {  	s9 =	sshll.u32 s26, $0x1;
	_ =	strace $0x80000046;
	[dreg:$0x1] =	wrdreg $0xFFFFFFFF  }
0xac: {  	s28 =	simm.s32 $_size_execute0_lowered;
	s8 =	sadd.s32 s8, s9;
	[dreg:$0x0] =	wrdreg $0x0  }
0xad: {  	s9 =	sshll.u32 s28, $0x1;
	[dreg:$0x2] =	wrdreg s8  }
0xae: {  	[dreg:$0x3] =	wrdreg s9  }
0xaf: {  	[dreg:$0x4] =	wrdreg $0xC0  }
0xb0: {  	_ =	task [dreg:s12], $0x5FFFF  }
0xb1: {  	[dreg:$0x1] =	wrdreg $0xFFFFFFFF  }
0xb2: {  	[dreg:$0x0] =	wrdreg $0x60  }
0xb3: {  	[dreg:$0x2] =	wrdreg s2  }
0xb4: {  	[dreg:$0x3] =	wrdreg s19  }
0xb5: {  	[dreg:$0x4] =	wrdreg s4  }
0xb6: {  	[dreg:$0x5] =	wrdreg s5  }
0xb7: {  	[dreg:$0x6] =	wrdreg s6  }
0xb8: {  	[dreg:$0x7] =	wrdreg s7  }
0xb9: {  	[dreg:$0x8] =	wrdreg $0x11000  }
0xba: {  	[dreg:$0x9] =	wrdreg $0x9  }
0xbb: {  	_ =	task.clear_ibuf [dreg:s12], $0xAFFFF;
	_ =	strace $0x90000046  }
0xbc: {  	s29 =	simm.s32 $0x9;
	_ =	strace $0x80000048  }
0xbd: {  	_ =	swait.ge [sflag:s29], $0x1  }
0xbe: {  	[sflag:s29] =	ssyncadd.s32 $0xFFFFFFFF  }
0xbf: {  	_ =	strace $0x90000048  }
0xc0: {  	_ =	sfence  }
0xc1: {  	s30 =	sld [smem:$0x0];
	_ =	sdelay $0x2  }
0xc2: {  	s31 =	sshll.u32 s1, $0xD;
	s1 =	sshrl.u32 s1, $0x2  }
0xc3: {  	s3 =	sand.u32 $0x4000, s31;
	s1 =	sadd.s32 s1, s30  }
0xc4: {  	s0 =	sor.u32 s3, s0;
	s1 =	sshll.u32 s1, $0x11  }
0xc5: {  	s0 =	sor.u32 s1, s0  }
0xc6: {  	s0 =	sadd.s32 $0x8F2B, s0  }
0xc7: {  	[sflag:s0] =	ssyncadd.remote.s32 $0x1  }
0xc8: {  	_ =	sfence.sel $0xFFFF  }
0xc9: {  	[dreg:$0x0] =	wrdreg $0xFFFFFFFF;
	(pc) =	sbr.abs _section_cstart, $3  }
0xca: {  	[dreg:$0x1] =	wrdreg $0xFFFFFFFF  }
0xcb: {  	_ =	task.clear_ibuf [dreg:s12], $0x2FFFF;
	_ =	strace $0x9FFFFFFF  }
0xcc: {  	(tm) =	ssettm $0x7FFFFFFF  }
0xcd: {  	_ =	shalt  }
tec
execute0_lowered:
.L_overlay_start_1:
0x0: {  	(tag) =	ssettag $0x1  }
0x1: {  	s0 =	rddreg [dreg:$0x0]  }
0x2: {  	s1 =	rddreg [dreg:$0x1]  }
0x3: {  	v0 =	vimm.s32 $0xEFCDAB89;
	v1 =	vimm.s32 $0x67452301;
	s2 =	rddreg [dreg:$0x2];
	v4 =	vimm.f32 $0.0e+00  }
0x4: {  	s4 =	rddreg [dreg:$0x3];
	v5 =	vimm.f32 $1.000000000e+00;
	v6 =	vimm.s32 $0xBA98FEDC;
	v7 =	vimm.s32 $0x32107654  }
0x5: {  	s3 =	stileid.u32;
	s5 =	rddreg [dreg:$0x4];
	v8 =	vimm.s32 $0xFEDCBA98;
	v2 =	vunpack.c.l.s4.s8 v0;
	v1 =	vunpack.c.l.s4.s8 v1  }
0x6: {  	s11 =	rddreg [dreg:$0x5];
	v9 =	vimm.s32 $0x76543210;
	v3 =	vmov s3;
	v0 =	vlaneseq.u32  }
0x7: {  	s6 =	srdreg.scid;
	s7 =	rddreg [dreg:$0x6];
	s8 =	simm.s32 $0x0;
	vm0 =	veq.s32 v3, v0;
	v2 =	vunpack.c.0.s8.s32 v2;
	v3 =	vunpack.c.0.s8.s32 v1  }
0x8: {  	s15 =	simm.s32 $0x480;
	s16 =	simm.s32 $0x880;
	s17 =	simm.s32 $0xC80;
	v6 =	vunpack.c.l.s4.s8 v6;
	v8 =	vunpack.c.l.s4.s8 v8;
	v1 =	vsel vm0, $0x3F800000, v4  }
0x9: {  	s18 =	simm.s32 $0x1080;
	s10 =	sand.u32 $0x1, s6;
	s6 =	rddreg [dreg:$0x7];
	v4 =	vimm.s32 $0x54761032;
	v2 =	vcombine.low v3, v2;
	v3 =	vimm.s32 $0xDCFE98BA  }
0xa: {  	s19 =	simm.s32 $0x0;
	[smem:$0x7FF] =	sst s8;
	s13 =	sshll.u32 s3, $0x4;
	v9 =	vunpack.c.l.s4.s8 v9;
	v4 =	vunpack.c.l.s4.s8 v4;
	v3 =	vunpack.c.l.s4.s8 v3  }
.Ltmp0:
0xb: {  	v7 =	vunpack.c.l.s4.s8 v7;
	p0 =	seq.s32 s3, $0x0;
	s9 =	ssub.s32 $0x2, s10;
	v6 =	vunpack.c.0.s8.s32 v6;
	v8 =	vunpack.c.0.s8.s32 v8;
	(pc) =	sbr.rel .LBB2_1-.Ltmp0, $4  }
0xc: {  	_ =	strace $0x80000047;
	p1 =	seq.s32 s10, $0x0;
	s14 =	sshll.u32 s10, $0x4;
	v9 =	vunpack.c.0.s8.s32 v9;
	v4 =	vunpack.c.0.s8.s32 v4;
	v3 =	vunpack.c.0.s8.s32 v3  }
0xd: {  	s10 =	sadd.s32 s13, s7;
	s13 =	simm.s32 $0x1;
	s12 =	sshrl.u32 s9, $0x1;
	v7 =	vunpack.c.0.s8.s32 v7;
	v10 =	vsub.f32 $1.000000000e+00, v1;
	v8 =	vand.u32 $0xF, v8  }
0xe: {  	s11 =	sadd.s32 s11, s14;
	s14 =	simm.s32 $0x80;
	s12 =	ssub.s32 s9, s12;
	v8 =	vcombine.low v8, v9;
	v3 =	vcombine.low v4, v3;
	v4 =	vpsel !p1, $0x0, v5  }
0xf: {  	s9 =	smax.u32 s3, $0x1;
	s12 =	smax.u32 s12, $0x1;
	v5 =	vcombine.low v7, v6;
	v7 =	vmul.f32 $3.000000010e+38, v10;
	p1 =	sne.s32 s3, $0x0;
	v6 =	vsub.f32 $1.000000000e+00, v4  }
.LBB2_6:
0x10: {  	v9 =	vperm.xlane v11, v2;
	_ =	sdelay $0x1  }
0x11: {  	v9 =	vmax.f32 v11, v9  }
0x12: {  	v10 =	vperm.xlane v9, v3;
	_ =	sdelay $0x1  }
0x13: {  	v9 =	vmax.f32 v9, v10  }
0x14: {  	v10 =	vperm.xlane v9, v5;
	_ =	sdelay $0x1  }
0x15: {  	v9 =	vmax.f32 v9, v10  }
0x16: {  	v10 =	vperm.xlane v9, v8;
	_ =	sdelay $0x1  }
0x17: {  	v9 =	vmax.f32 v9, v10  }
0x18: {  	v9 =	vmul.f32 $5.000000000e-01, v9;
	_ =	sdelay $0x1  }
0x19: {  	v9 =	vmul.f32 v9, v1;
	_ =	sdelay $0x1  }
0x1a: {  	v9 =	vsub.f32 v9, v7;
	_ =	sdelay $0x1  }
0x1b: {  	[tilespmem:$0x1080] =	vst v9  }
0x1c: {  	[spmem:s10] =	stream.linear.scatter [tilespmem:s18], [sflag:$0x1], $0x10, $0x38;
	[tilespmem:$0x1210] =	vst v63  }
0x1d: {  	_ =	swait.ge [sflag:s13], $0x10  }
0x1e: {  	[sflag:s13] =	ssyncset.done $0x0  }
0x1f: {  	[sflag:s13] =	ssyncadd.s32 $0xFFFFFFF0  }
0x20: {  	s20 =	simm.s32 @!p1 $0x1110;
	[bflag:$0x0] =	sbarrier.arrive $0xFFFF  }
0x21: {  	[tilespmem:s20], [sflag:$0x1] =	stream.linear.gather @!p1 [spmem:s7], $0x100, $0x38;
	[tilespmem:$0x1210] =	vst v63  }
0x22: {  	s20 =	simm.s32 @!p1 $0x1  }
0x23: {  	_ =	swait.ge @!p1 [sflag:s20], $0x100  }
0x24: {  	[sflag:s20] =	ssyncset.done @!p1 $0x0  }
0x25: {  	[sflag:s20] =	ssyncadd.s32 @!p1 $0xFFFFFF00  }
0x26: {  	v9 =	vld @!p1 [tilespmem:$0x1110]  }
0x27: {  	v10 =	vld @!p1 [tilespmem:$0x1120]  }
0x28: {  	v11 =	vld @!p1 [tilespmem:$0x1130]  }
0x29: {  	v12 =	vld @!p1 [tilespmem:$0x1140]  }
0x2a: {  	v13 =	vld @!p1 [tilespmem:$0x1150]  }
0x2b: {  	v14 =	vld @!p1 [tilespmem:$0x1160]  }
0x2c: {  	v9 =	vmax.f32 @!p1 v9, v10;
	v10 =	vld @!p1 [tilespmem:$0x1170]  }
0x2d: {  	v9 =	vmax.f32 @!p1 v9, v11;
	v11 =	vld @!p1 [tilespmem:$0x1180]  }
0x2e: {  	v9 =	vmax.f32 @!p1 v9, v12;
	v12 =	vld @!p1 [tilespmem:$0x1190]  }
0x2f: {  	v9 =	vmax.f32 @!p1 v9, v13;
	v13 =	vld @!p1 [tilespmem:$0x11A0]  }
0x30: {  	v9 =	vmax.f32 @!p1 v9, v14;
	v14 =	vld @!p1 [tilespmem:$0x11B0]  }
0x31: {  	v9 =	vmax.f32 @!p1 v9, v10;
	v10 =	vld @!p1 [tilespmem:$0x11C0]  }
0x32: {  	v9 =	vmax.f32 @!p1 v9, v11;
	v11 =	vld @!p1 [tilespmem:$0x11D0]  }
0x33: {  	v9 =	vmax.f32 @!p1 v9, v12;
	v12 =	vld @!p1 [tilespmem:$0x11E0]  }
0x34: {  	v9 =	vmax.f32 @!p1 v9, v13;
	v13 =	vld @!p1 [tilespmem:$0x11F0]  }
0x35: {  	v9 =	vmax.f32 @!p1 v9, v14;
	v14 =	vld @!p1 [tilespmem:$0x1200]  }
0x36: {  	v9 =	vmax.f32 @!p1 v9, v10  }
0x37: {  	v9 =	vmax.f32 @!p1 v9, v11  }
0x38: {  	v9 =	vmax.f32 @!p1 v9, v12  }
0x39: {  	s19 =	sadd.s32 $0x1, s19;
	v9 =	vmax.f32 @!p1 v9, v13  }
0x3a: {  	p2 =	sne.s32 s19, s12;
	v9 =	vmax.f32 @!p1 v9, v14  }
.Ltmp1:
0x3b: {  	s21 =	simm.s32 @!p1 $0x0;
	s22 =	simm.s32 @!p1 $0x1080;
	[tilespmem:$0x1080] =	vst @!p1 v9;
	(pc) =	sbr.rel @!p2 .LBB2_7-.Ltmp1, $4  }
0x3c: {  	[hbm4b:s11+s21] =	stream.linear.scatter @!p1 [tilespmem:s22], [sflag:$0x1], $0x80, $0x38;
	[tilespmem:$0x1210] =	vst v63  }
0x3d: {  	_ =	swait.ge @!p1 [sflag:s20], $0x80  }
0x3e: {  	[sflag:s20] =	ssyncset.done @!p1 $0x0  }
0x3f: {  	[sflag:s20] =	ssyncadd.s32 @!p1 $0xFFFFFF80  }
.LBB2_1:
0x40: {  	[tilespmem:s8], [sflag:$0x1] =	stream.linear.gather [hbm4b:s5+s8], $0x10, $0x38;
	[tilespmem:$0x1210] =	vst v63  }
0x41: {  	_ =	swait.ge [sflag:s13], $0x10  }
0x42: {  	[sflag:s13] =	ssyncset.done $0x0  }
0x43: {  	[sflag:s13] =	ssyncadd.s32 $0xFFFFFFF0  }
0x44: {  	v10 =	vld [tilespmem:s3+$0x0]  }
0x45: {  	v9 =	vld [tilespmem:s9+$0xFFFFFFFF];
	_ =	sdelay $0x3  }
0x46: {  	(v2sf) =	vpush v10, $0x0  }
0x47: {  	(v2sf) =	vpush v9, $0x0;
	_ =	sdelay $0xd  }
0x48: {  	s21 =	spop (v2sf)  }
0x49: {  	s22 =	spop (v2sf);
	s30 =	sadd.s32 $0x3FF, s21  }
0x4a: {  	s24 =	simm.s32 $0x1;
	s22 =	simm.s32 @p0 $0x0;
	s25 =	sand.u32 $0x3FF, s30  }
0x4b: {  	s31 =	sshra.s32 s30, $0x1F;
	p4 =	slt.s32 s30, $0x1;
	s20 =	sshra.s32 s22, $0x1F  }
0x4c: {  	s23 =	sand.u32 $0x3FF, s22;
	p2 =	slt.s32 s22, $0x1;
	p5 =	sne.s32 s25, $0x0  }
0x4d: {  	s25 =	sshrl.u32 s31, $0x16;
	s20 =	sshrl.u32 s20, $0x16;
	p3 =	sne.s32 s23, $0x0  }
0x4e: {  	p6 =	por !p4, !p5;
	s23 =	sadd.s32 s25, s30;
	p2 =	por !p2, !p3  }
0x4f: {  	s25 =	simm.s32 $0x1;
	s20 =	sadd.s32 s20, s22;
	p2 =	por !p2, !p2  }
0x50: {  	s20 =	sshra.s32 s20, $0xA;
	s24 =	simm.s32 @!p2 $0x0;
	p2 =	por !p6, !p6  }
0x51: {  	s23 =	sshra.s32 s23, $0xA;
	s20 =	ssub.s32 s20, s24;
	s25 =	simm.s32 @!p2 $0x0  }
0x52: {  	p2 =	sgt.s32 s21, s22;
	s23 =	ssub.s32 s23, s25;
	s21 =	smov.u32 s20  }
0x53: {  	s21 =	smov.u32 @p2 s23  }
0x54: {  	p2 =	sge.s32 s20, s21  }
.Ltmp2:
0x55: {  	_ = 	snop;
	(pc) =	sbr.rel @p2 .LBB2_6-.Ltmp2, $2  }
0x56: {  	_ =	sdelay $0x2  }
0x57: {  	v11 =	vimm.f32 $-3.000000010e+38  }
0x58: {  	v9 =	vmov s22;
	v10 =	vbroadcast v10, $0x0  }
.LBB2_3:
0x59: {  	s22 =	sshll.u32 s20, $0xA  }
0x5a: {  	s23 =	sshrl.u32 s22, $0x3  }
0x5b: {  	s25 =	simm.s32 $0x0;
	s24 =	sadd.s32 s0, s23  }
0x5c: {  	[tilespmem:s14], [sflag:$0x1] =	stream.linear.gather [hbm4b:s24+s25], $0x400, $0x38;
	[tilespmem:$0x1210] =	vst v63  }
0x5d: {  	_ =	swait.ge [sflag:s13], $0x400  }
0x5e: {  	[sflag:s13] =	ssyncset.done $0x0  }
0x5f: {  	s26 =	sadd.s32 s1, s23;
	[sflag:s13] =	ssyncadd.s32 $0xFFFFFC00  }
0x60: {  	[tilespmem:s15], [sflag:$0x1] =	stream.linear.gather [hbm4b:s26+s25], $0x400, $0x38;
	[tilespmem:$0x1210] =	vst v63  }
0x61: {  	_ =	swait.ge [sflag:s13], $0x400  }
0x62: {  	[sflag:s13] =	ssyncset.done $0x0  }
0x63: {  	s28 =	sadd.s32 s2, s23;
	[sflag:s13] =	ssyncadd.s32 $0xFFFFFC00  }
0x64: {  	[tilespmem:s16], [sflag:$0x1] =	stream.linear.gather [hbm4b:s28+s25], $0x400, $0x38;
	[tilespmem:$0x1210] =	vst v63  }
0x65: {  	_ =	swait.ge [sflag:s13], $0x400  }
0x66: {  	[sflag:s13] =	ssyncset.done $0x0  }
0x67: {  	s23 =	sadd.s32 s4, s23;
	[sflag:s13] =	ssyncadd.s32 $0xFFFFFC00  }
0x68: {  	[tilespmem:s17], [sflag:$0x1] =	stream.linear.gather [hbm4b:s23+s25], $0x400, $0x38;
	[tilespmem:$0x1210] =	vst v63  }
0x69: {  	_ =	swait.ge [sflag:s13], $0x400  }
0x6a: {  	[sflag:s13] =	ssyncset.done $0x0  }
0x6b: {  	s29 =	simm.s32 $0x0;
	[sflag:s13] =	ssyncadd.s32 $0xFFFFFC00  }
0x6c: {  	v12 =	vld [tilespmem:s29+$0x80]  }
0x6d: {  	v13 =	vld [tilespmem:s29+$0x480]  }
0x6e: {  	v14 =	vld [tilespmem:s29+$0x880]  }
0x6f: {  	v15 =	vld [tilespmem:s29+$0xC80]  }
0x70: {  	s30 =	simm.s32 $0x10  }
0x71: {  	v16 =	vld [tilespmem:s30+$0x80]  }
0x72: {  	v17 =	vld [tilespmem:s30+$0x480]  }
0x73: {  	v18 =	vld [tilespmem:s30+$0x880]  }
0x74: {  	v12 =	vadd.f32 v14, v12;
	v13 =	vadd.f32 v15, v13;
	v15 =	vld [tilespmem:s30+$0xC80];
	_ =	sdelay $0x1  }
0x75: {  	s31 =	simm.s32 $0x20;
	v14 =	vmul.f32 v12, v4;
	v19 =	vmul.f32 v13, v6  }
0x76: {  	v12 =	vor.u32 s22, v0;
	v13 =	vld [tilespmem:s31+$0x80]  }
0x77: {  	vm0 =	vge.s32 v12, v9;
	vm1 =	vlt.s32 v12, v10;
	v19 =	vadd.f32 v19, v14;
	v14 =	vld [tilespmem:s31+$0x480]  }
0x78: {  	v18 =	vadd.f32 v18, v16;
	v16 =	vld [tilespmem:s31+$0xC80];
	vm0 =	vmand vm0, vm1;
	v20 =	vadd.f32 v15, v17  }
0x79: {  	v15 =	vld [tilespmem:s31+$0x880];
	v17 =	vnsel vm0, $0xFF61B1E6, v19  }
0x7a: {  	s22 =	simm.s32 $0xC0;
	v11 =	vmax.f32 v11, v17;
	v17 =	vmul.f32 v18, v4;
	v18 =	vmul.f32 v20, v6  }
.LBB2_4:
0x7b: {  	s23 =	sshra.s32 s22, $0x2;
	v12 =	vadd.s32 $0x10, v12;
	v19 =	vmov v13;
	p2 =	sne.s32 s22, $0xFC0  }
.Ltmp3:
0x7c: {  	v13 =	vld [tilespmem:s23+$0x80];
	v17 =	vadd.f32 v18, v17;
	vm0 =	vge.s32 v12, v9;
	vm1 =	vlt.s32 v12, v10;
	v18 =	vmovc v14;
	(pc) =	sbr.rel @p2 .LBB2_4-.Ltmp3, $4  }
0x7d: {  	v14 =	vld [tilespmem:s23+$0x480];
	vm0 =	vmand vm0, vm1  }
0x7e: {  	s22 =	sadd.s32 $0x40, s22;
	v19 =	vadd.f32 v15, v19;
	v15 =	vld [tilespmem:s23+$0x880];
	v18 =	vadd.f32 v16, v18;
	v17 =	vnsel vm0, $0xFF61B1E6, v17  }
0x7f: {  	v16 =	vld [tilespmem:s23+$0xC80];
	v11 =	vmax.f32 v11, v17  }
0x80: {  	v17 =	vmul.f32 v19, v4;
	v18 =	vmul.f32 v18, v6  }
0x81: {  	_ =	sdelay $0x2  }
0x82: {  	v12 =	vadd.s32 $0x10, v12;
	v13 =	vadd.f32 v15, v13;
	v14 =	vadd.f32 v16, v14  }
0x83: {  	s20 =	sadd.s32 $0x1, s20;
	vm0 =	vge.s32 v12, v9  }
0x84: {  	vm1 =	vlt.s32 v12, v10;
	p2 =	slt.s32 s20, s21;
	v13 =	vmul.f32 v13, v4;
	v14 =	vmul.f32 v14, v6  }
.Ltmp4:
0x85: {  	v61 =	vadd.f32 v18, v17;
	v12 =	vadd.s32 $0x10, v12;
	vm0 =	vmand vm0, vm1;
	(pc) =	sbr.rel @p2 .LBB2_3-.Ltmp4, $4  }
.Ltmp5:
0x86: {  	vm14 =	vge.s32 v12, v9;
	vm2 =	vlt.s32 v12, v10;
	v13 =	vadd.f32 v14, v13;
	(pc) =	sbr.rel @!p2 .LBB2_6-.Ltmp5, $4  }
0x87: {  	v62 =	vnsel vm0, $0xFF61B1E6, v61;
	vm15 =	vmand vm14, vm2  }
0x88: {  	v11 =	vmax.f32 v11, v62;
	v63 =	vnsel vm15, $0xFF61B1E6, v13  }
0x89: {  	v11 =	vmax.f32 v11, v63  }
0x8a: {  	_ = 	snop  }
.LBB2_7:
0x8b: {  	_ =	sfence.sel $0x180000  }
0x8c: {  	[bflag:$0x0] =	sbarrier.arrive $0xFFFF  }
0x8d: {  	_ =	strace $0x90000047  }
0x8e: {  	s0 =	sadd.s32 @!p1 $0x100000, s6;
	[bflag:$0x2] =	sbarrier.arrive $0xFFFF  }
0x8f: {  	[sflag:s0] =	ssyncadd.tile.s32 @!p1 $0x1;
	_ =	shalt  }
.Lfunc_end2:
_tile_overlayer_lowered:
.L_overlay_start_2:
0x90: {  	(tag) =	ssettag $0x2  }
0x91: {  	s0 =	rddreg [dreg:$0x0];
	s2 =	stileid.u32  }
0x92: {  	s1 =	rddreg [dreg:$0x1];
	p0 =	sne.s32 s2, $0x0  }
0x93: {  	s3 =	rddreg [dreg:$0x2];
	[bflag:$0x3] =	sbarrier.arrive $0xFFFF;
	s2 =	simm.s32 @!p0 $0x1C01  }
0x94: {  	[timem:s3], [sflag:s2] =	dma.local @!p0 [hbm:s0], s1  }
0x95: {  	s0 =	simm.s32 @!p0 $0x1  }
0x96: {  	_ =	swait.ge @!p0 [sflag:s0], s1  }
0x97: {  	s1 =	ssub.s32 @!p0 $0x0, s1;
	[sflag:s0] =	ssyncset.done @!p0 $0x0  }
0x98: {  	[sflag:s0] =	ssyncadd.s32 @!p0 s1  }
0x99: {  	[bflag:$0x3] =	sbarrier.arrive $0xFFFF  }
0x9a: {  	_ =	shalt  }

</sc_bundles>
